<compile_context>
chip_gen: v7x
topology: tpu7x:2x2x1
jax: 0.10.2.dev20260603
libtpu: 0.0.44.dev20260713+nightly
codegen_flags: <defaults>
</compile_context>

<pallas_src>
import jax
import jax.numpy as jnp
from jax import lax
from jax.experimental import pallas as pl
from jax.experimental.pallas import tpu as pltpu
from jax.experimental.pallas import tpu_sc as plsc

N = 10000
E = 320000
D = 128
H = 128
ED = 16
XC = 4
PW = 2 * H

NC = 2
NS = 16
NW = NC * NS
L = 16
WIN = 80

CH = 1
EC = E // CH

ROWS_A = 632
ROWS_B = N - (NS - 1) * ROWS_A

_mesh = plsc.VectorSubcoreMesh(
    core_axis_name="c", subcore_axis_name="s", num_cores=NC, num_subcores=NS)

_f32 = jnp.float32
_bf16 = jnp.bfloat16


def _sig(t):
  return 1.0 / (1.0 + jnp.exp(-t))


def _rne_bf16_bits(f):
  u = lax.bitcast_convert_type(f, jnp.int32)
  u = u + 0x7FFF + (lax.shift_right_logical(u, 16) & 1)
  return lax.shift_right_logical(u, 16)


def _proj_body(h_ref, wsrc_ref, wdst_ref, psrc_ref, pdst_ref):
  hb = h_ref[:]
  for wref, pref in ((wsrc_ref, psrc_ref), (wdst_ref, pdst_ref)):
    pn = jnp.dot(hb, wref[:, :H], preferred_element_type=_f32)
    pc = jnp.dot(hb, wref[:, H:], preferred_element_type=_f32)
    pref[:] = _rne_bf16_bits(pn) | lax.shift_left(_rne_bf16_bits(pc), 16)


_proj = pl.pallas_call(
    _proj_body,
    out_shape=[jax.ShapeDtypeStruct((N, H), jnp.int32),
               jax.ShapeDtypeStruct((N, H), jnp.int32)],
)


def _make_gather(ne):
  epw = ne // NW
  nwin = epw // WIN

  NBUF = 4
  assert nwin % NBUF == 1

  def body(src_ref, dst_ref, psrc_ref, pdst_ref,
           za_ref,
           idxs_v, idxd_v, *bufs_and_sems):
    gs = bufs_and_sems[0:NBUF]
    gd = bufs_and_sems[NBUF:2 * NBUF]
    sa = bufs_and_sems[2 * NBUF:3 * NBUF]
    sb = bufs_and_sems[3 * NBUF:4 * NBUF]
    wid = lax.axis_index("s") * NC + lax.axis_index("c")
    base = wid * epw

    pltpu.sync_copy(src_ref.at[pl.ds(base, epw)], idxs_v)
    pltpu.sync_copy(dst_ref.at[pl.ds(base, epw)], idxd_v)

    def issue(w, j):
      sl = pl.ds(w * WIN, WIN)
      pltpu.async_copy(psrc_ref.at[idxs_v.at[sl]], gs[j], sa[j])
      pltpu.async_copy(pdst_ref.at[idxd_v.at[sl]], gd[j], sb[j])

    def process(w, j):
      pltpu.make_async_copy(
          psrc_ref.at[idxs_v.at[pl.ds(0, WIN)]], gs[j], sa[j]).wait()
      pltpu.make_async_copy(
          pdst_ref.at[idxd_v.at[pl.ds(0, WIN)]], gd[j], sb[j]).wait()

      def row(i, c2):
        for k in range(H // L):
          sl = pl.ds(k * L, L)
          a = plsc.bitcast(gs[j][i, sl], _bf16)
          b = plsc.bitcast(gd[j][i, sl], _bf16)
          gs[j][i, sl] = plsc.bitcast(a + b, jnp.int32)
        return c2

      lax.fori_loop(0, WIN, row, 0)
      pltpu.sync_copy(gs[j], za_ref.at[pl.ds(base + w * WIN, WIN)])

    for j in range(NBUF - 1):
      issue(j, j)

    def turn(k, carry):
      w0 = NBUF * k
      for j in range(NBUF):
        w = w0 + j

        @pl.when(w + NBUF - 1 < nwin)
        def _():
          issue(w + NBUF - 1, (j + NBUF - 1) % NBUF)

        process(w, j)
      return carry

    lax.fori_loop(0, nwin // NBUF, turn, 0)
    process(nwin - 1, (nwin - 1) % NBUF)

  return pl.kernel(
      body,
      out_type=jax.ShapeDtypeStruct((ne, H), jnp.int32),
      mesh=_mesh,
      scratch_types=(
          [pltpu.VMEM((epw,), jnp.int32)] * 2
          + [pltpu.VMEM((WIN, H), jnp.int32)] * (2 * NBUF)
          + [pltpu.SemaphoreType.DMA] * (2 * NBUF)
      ),
      compiler_params=pltpu.CompilerParams(needs_layout_passes=False),
      cost_estimate=pl.CostEstimate(
          flops=ne * PW, transcendentals=0,
          bytes_accessed=4 * ne * H * 4),
  )


BE = 3200


def _unpack_lo(zi):
  return lax.bitcast_convert_type(lax.shift_left(zi, 16), _f32)


def _unpack_hi(zi):
  return lax.bitcast_convert_type(zi & jnp.int32(-65536), _f32)


def _make_edge(ne):
  def body(dist_ref, za_ref,
           we1_ref, be1_ref, we2_ref, be2_ref,
           vn_ref, vc_ref, bn_ref, bc_ref, wc2_ref,
           sv_ref, w_ref):
    i = pl.program_id(0)
    d = dist_ref[pl.ds(i * BE, BE)]
    e1 = d[:, None] * we1_ref[:] + be1_ref[:]
    e1 = e1 * _sig(e1)
    e2 = jnp.dot(e1, we2_ref[:], preferred_element_type=_f32) + be2_ref[:]
    za = za_ref[:]
    zn = (_unpack_lo(za)
          + jnp.dot(e2, vn_ref[:], preferred_element_type=_f32) + bn_ref[:])
    zc = (_unpack_hi(za)
          + jnp.dot(e2, vc_ref[:], preferred_element_type=_f32) + bc_ref[:])
    sv_ref[:] = zn * _sig(zn)
    s_c = zc * _sig(zc)
    s_c3 = s_c.reshape(BE // 128, 128, H)
    wc2b = jnp.broadcast_to(wc2_ref[:].reshape(1, 1, H), (BE // 128, 1, H))
    wt = lax.dot_general(wc2b, s_c3, (((2,), (2,)), ((0,), (0,))),
                         preferred_element_type=_f32)
    w_ref[:] = wt.reshape(1, BE // 128, 128)

  return pl.pallas_call(
      body,
      grid=(ne // BE,),
      in_specs=[
          pl.BlockSpec((ne,), lambda i: (0,)),
          pl.BlockSpec((BE, H), lambda i: (i, 0)),
          pl.BlockSpec((1, ED), lambda i: (0, 0)),
          pl.BlockSpec((1, ED), lambda i: (0, 0)),
          pl.BlockSpec((ED, ED), lambda i: (0, 0)),
          pl.BlockSpec((1, ED), lambda i: (0, 0)),
          pl.BlockSpec((ED, H), lambda i: (0, 0)),
          pl.BlockSpec((ED, H), lambda i: (0, 0)),
          pl.BlockSpec((1, H), lambda i: (0, 0)),
          pl.BlockSpec((1, H), lambda i: (0, 0)),
          pl.BlockSpec((1, H), lambda i: (0, 0)),
      ],
      out_specs=[
          pl.BlockSpec((BE, H), lambda i: (i, 0)),
          pl.BlockSpec((1, BE // 128, 128), lambda i: (i, 0, 0)),
      ],
      out_shape=[jax.ShapeDtypeStruct((ne, H), _f32),
                 jax.ShapeDtypeStruct((ne // BE, BE // 128, 128), _f32)],
      compiler_params=pltpu.CompilerParams(
          dimension_semantics=("arbitrary",)),
  )


def _make_scatter_h(ne):
  epw = ne // NW
  nwin = epw // WIN

  NBUF = 4
  assert nwin % NBUF == 1

  def body(dst_ref, sv_hbm, zh_ref, hpart_ref, *scratch):
    idxd = scratch[0:NBUF]
    sv = scratch[NBUF:2 * NBUF]
    acc_s = scratch[2 * NBUF]
    si = scratch[2 * NBUF + 1:3 * NBUF + 1]
    ss = scratch[3 * NBUF + 1:4 * NBUF + 1]
    cid = lax.axis_index("c")
    sid = lax.axis_index("s")
    wid = sid * NC + cid
    base = wid * epw
    row0 = sid * ROWS_A

    @pl.when(sid < NS - 1)
    def _():
      pltpu.sync_copy(zh_ref.at[pl.ds(row0, ROWS_A)],
                      acc_s.at[pl.ds(row0, ROWS_A)])

    @pl.when(sid == NS - 1)
    def _():
      pltpu.sync_copy(zh_ref.at[pl.ds((NS - 1) * ROWS_A, ROWS_B)],
                      acc_s.at[pl.ds((NS - 1) * ROWS_A, ROWS_B)])

    plsc.subcore_barrier()

    def issue(w, j):
      off = base + w * WIN
      pltpu.async_copy(dst_ref.at[pl.ds(off, WIN)], idxd[j], si[j])
      pltpu.async_copy(sv_hbm.at[pl.ds(off, WIN)], sv[j], ss[j])

    def process(j):
      pltpu.make_async_copy(dst_ref.at[pl.ds(0, WIN)], idxd[j], si[j]).wait()
      pltpu.make_async_copy(sv_hbm.at[pl.ds(0, WIN)], sv[j], ss[j]).wait()
      pltpu.sync_copy(sv[j], acc_s.at[idxd[j]], add=True)

    for j in range(NBUF - 1):
      issue(j, j)

    def turn(k, carry):
      w0 = NBUF * k
      for j in range(NBUF):
        w = w0 + j

        @pl.when(w + NBUF - 1 < nwin)
        def _():
          issue(w + NBUF - 1, (j + NBUF - 1) % NBUF)

        process(j)
      return carry

    lax.fori_loop(0, nwin // NBUF, turn, 0)
    process((nwin - 1) % NBUF)

    plsc.subcore_barrier()

    @pl.when(sid < NS - 1)
    def _():
      pltpu.sync_copy(acc_s.at[pl.ds(row0, ROWS_A)],
                      hpart_ref.at[cid, pl.ds(row0, ROWS_A)])

    @pl.when(sid == NS - 1)
    def _():
      pltpu.sync_copy(acc_s.at[pl.ds((NS - 1) * ROWS_A, ROWS_B)],
                      hpart_ref.at[cid, pl.ds((NS - 1) * ROWS_A, ROWS_B)])

  return pl.kernel(
      body,
      out_type=jax.ShapeDtypeStruct((NC, N, H), _f32),
      mesh=_mesh,
      scratch_types=(
          [pltpu.VMEM((WIN,), jnp.int32)] * NBUF
          + [pltpu.VMEM((WIN, H), _f32)] * NBUF
          + [pltpu.VMEM_SHARED((N, H), _f32)]
          + [pltpu.SemaphoreType.DMA] * (2 * NBUF)
      ),
      cost_estimate=pl.CostEstimate(
          flops=ne * H, transcendentals=0,
          bytes_accessed=2 * ne * H * 4),
  )


def _make_scatter_x(ne):
  epw = ne // NW
  ngrp = epw // L
  rem = epw - ngrp * L
  epw_pad = epw + (L - rem if rem else 0)

  def body(src_ref, dst_ref, w_hbm, xq_hbm, zq_ref,
           xcpart_ref,
           idxs_v, idxd_v, w_v, xq_v, acc_xc):
    cid = lax.axis_index("c")
    sid = lax.axis_index("s")
    wid = sid * NC + cid
    base = wid * epw

    pltpu.sync_copy(src_ref.at[pl.ds(base, epw)], idxs_v.at[pl.ds(0, epw)])
    pltpu.sync_copy(dst_ref.at[pl.ds(base, epw)], idxd_v.at[pl.ds(0, epw)])
    pltpu.sync_copy(w_hbm.at[pl.ds(base, epw)], w_v.at[pl.ds(0, epw)])
    pltpu.sync_copy(xq_hbm, xq_v)
    pltpu.sync_copy(zq_ref, acc_xc)

    ones = jnp.full((L,), 1.0, _f32)

    def group(g, carry):
      sl = pl.ds(g * L, L)
      isrc = idxs_v[sl] * XC
      idst = idxd_v[sl] * XC
      wv = w_v[sl]
      for c in range(3):
        xs = plsc.load_gather(xq_v, [isrc + c])
        xd = plsc.load_gather(xq_v, [idst + c])
        plsc.addupdate_scatter(acc_xc, [idst + c], wv * (xs - xd))
      plsc.addupdate_scatter(acc_xc, [idst + 3], ones)
      return carry

    lax.fori_loop(0, ngrp, group, 0)

    if rem:
      sl = pl.ds(ngrp * L, L)
      mask = lax.iota(jnp.int32, L) < rem
      isrc = jnp.where(mask, idxs_v[sl], 0) * XC
      idst = jnp.where(mask, idxd_v[sl], 0) * XC
      wv = jnp.where(mask, w_v[sl], 0.0)
      for c in range(3):
        xs = plsc.load_gather(xq_v, [isrc + c])
        xd = plsc.load_gather(xq_v, [idst + c])
        plsc.addupdate_scatter(acc_xc, [idst + c], wv * (xs - xd))
      plsc.addupdate_scatter(acc_xc, [idst + 3],
                             jnp.where(mask, 1.0, 0.0).astype(_f32))

    pltpu.sync_copy(acc_xc, xcpart_ref.at[pl.ds(wid * (N * XC), N * XC)])

  return pl.kernel(
      body,
      out_type=jax.ShapeDtypeStruct((NW * N * XC,), _f32),
      mesh=_mesh,
      scratch_types=[
          pltpu.VMEM((epw_pad,), jnp.int32),
          pltpu.VMEM((epw_pad,), jnp.int32),
          pltpu.VMEM((epw_pad,), _f32),
          pltpu.VMEM((N * XC,), _f32),
          pltpu.VMEM((N * XC,), _f32),
      ],
      compiler_params=pltpu.CompilerParams(needs_layout_passes=False),
      cost_estimate=pl.CostEstimate(
          flops=8 * ne, transcendentals=0,
          bytes_accessed=3 * ne * 4 + NW * N * XC * 4),
  )


_gather_c = _make_gather(EC)
_edge_c = _make_edge(EC)
_scatter_h_c = _make_scatter_h(EC)
_scatter_x_c = _make_scatter_x(EC)


def _xred_body(xcp_ref, xsum_ref):
  xsum_ref[:] = jnp.sum(xcp_ref[:], axis=0)


_xred = pl.pallas_call(
    _xred_body,
    out_shape=jax.ShapeDtypeStruct((N * XC,), _f32),
)


def _fold_body(h_ref, x4_ref, hp_ref, xs_ref, wn2_ref, bn2_ref,
               hout_ref, xout_ref):
  hsum = hp_ref[0]
  for p in range(1, NC * CH):
    hsum = hsum + hp_ref[p]
  xsum = xs_ref[:]
  deg = xsum[:, 3:4]
  hout_ref[:] = (h_ref[:]
                 + jnp.dot(hsum, wn2_ref[:], preferred_element_type=_f32)
                 + deg * bn2_ref[:])
  xout_ref[:] = x4_ref[:] + xsum


_fold = pl.pallas_call(
    _fold_body,
    out_shape=[jax.ShapeDtypeStruct((N, H), _f32),
               jax.ShapeDtypeStruct((N, XC), _f32)],
)


def kernel(h, x, edge_index, edge_dist,
           W_e1, b_e1, W_e2, b_e2,
           W_n1, b_n1, W_n2, b_n2,
           W_c1, b_c1, W_c2):
  src = edge_index[0].astype(jnp.int32)
  dst = edge_index[1].astype(jnp.int32)
  x4 = jnp.concatenate([x.astype(_f32), jnp.zeros((N, 1), _f32)], axis=1)
  xq = x4.reshape(N * XC)

  wsrc = jnp.concatenate([W_n1[:D], W_c1[:D]], axis=1)
  wdst = jnp.concatenate([W_n1[D:2 * D], W_c1[D:2 * D]], axis=1)
  vcat = jnp.concatenate([W_n1[2 * D:], W_c1[2 * D:]], axis=1)
  bcat = jnp.concatenate([b_n1, b_c1]).reshape(1, PW)
  be1r = b_e1.reshape(1, ED)
  be2r = b_e2.reshape(1, ED)
  wc2r = W_c2.reshape(1, H)

  psrc, pdst = _proj(h, wsrc, wdst)
  zh = jnp.zeros((N, H), _f32)
  zq = jnp.zeros((N * XC,), _f32)

  srcs = [lax.slice(src, (c * EC,), ((c + 1) * EC,)) for c in range(CH)]
  dsts = [lax.slice(dst, (c * EC,), ((c + 1) * EC,)) for c in range(CH)]
  dists = [lax.slice(edge_dist, (c * EC,), ((c + 1) * EC,))
           for c in range(CH)]

  z0s = [_gather_c(srcs[c], dsts[c], psrc, pdst) for c in range(CH)]
  svw = [_edge_c(dists[c], z0s[c], W_e1, be1r, W_e2, be2r,
                 vcat[:, :H], vcat[:, H:],
                 b_n1.reshape(1, H), b_c1.reshape(1, H), wc2r)
         for c in range(CH)]
  hparts = [_scatter_h_c(dsts[c], svw[c][0], zh) for c in range(CH)]
  xcs = [_scatter_x_c(srcs[c], dsts[c], svw[c][1].reshape(EC), xq, zq)
         for c in range(CH)]

  xsum = _xred(jnp.concatenate(
      [xc.reshape(NW, N * XC) for xc in xcs], axis=0))
  hout, xout4 = _fold(h, x4, jnp.concatenate(hparts, axis=0),
                      xsum.reshape(N, XC), W_n2, b_n2.reshape(1, H))
  return hout, xout4[:, :3]

# --- scband reference (transcript-rebuilt; emitter-appended) ---
"""Pipeline reference for scband-core-folding-v40-17068200034780 (READ-ONLY COPY).

The authoritative reference and input builder live on the scoring server;
editing this copy changes nothing except your own understanding.
"""

import jax, jax.numpy as jnp
import numpy as np

N = 10000
E = 320000
D = 128   # node_dim
H = 128   # hidden_dim
ED = 16   # edge_dim


def setup_inputs(seed: int = 0) -> dict:
    key = jax.random.key(seed)
    ks = jax.random.split(key, 20)
    inp = {}
    inp["h"] = jax.random.normal(ks[0], (N, D), dtype=jnp.float32)
    inp["x"] = jax.random.normal(ks[1], (N, 3), dtype=jnp.float32)
    inp["edge_index"] = jax.random.randint(ks[2], (2, E), 0, N)
    inp["edge_dist"] = jax.random.uniform(ks[3], (E,), dtype=jnp.float32) * 2.0
    # edge_mlp: Linear(1 -> ED), SiLU, Linear(ED -> ED)
    inp["W_e1"] = jax.random.normal(ks[4], (1, ED), dtype=jnp.float32) * 1.0
    inp["b_e1"] = jnp.zeros((ED,), dtype=jnp.float32)
    inp["W_e2"] = jax.random.normal(ks[5], (ED, ED), dtype=jnp.float32) * (1.0 / np.sqrt(ED))
    inp["b_e2"] = jnp.zeros((ED,), dtype=jnp.float32)
    # node_mlp: Linear(2D+ED -> H), SiLU, Linear(H -> D)
    fan_in = 2 * D + ED
    inp["W_n1"] = jax.random.normal(ks[6], (fan_in, H), dtype=jnp.float32) * (1.0 / np.sqrt(fan_in))
    inp["b_n1"] = jnp.zeros((H,), dtype=jnp.float32)
    inp["W_n2"] = jax.random.normal(ks[7], (H, D), dtype=jnp.float32) * (1.0 / np.sqrt(H))
    inp["b_n2"] = jnp.zeros((D,), dtype=jnp.float32)
    # coord_mlp: Linear(2D+ED -> H), SiLU, Linear(H -> 1, no bias)
    inp["W_c1"] = jax.random.normal(ks[8], (fan_in, H), dtype=jnp.float32) * (1.0 / np.sqrt(fan_in))
    inp["b_c1"] = jnp.zeros((H,), dtype=jnp.float32)
    inp["W_c2"] = jax.random.normal(ks[9], (H, 1), dtype=jnp.float32) * (1.0 / np.sqrt(H))
    return inp


def reference(h, x, edge_index, edge_dist,
              W_e1, b_e1, W_e2, b_e2,
              W_n1, b_n1, W_n2, b_n2,
              W_c1, b_c1, W_c2):
    src = edge_index[0]
    dst = edge_index[1]
    # edge_mlp on distances
    ea = edge_dist[:, None] @ W_e1 + b_e1
    ea = jax.nn.silu(ea)
    ea = ea @ W_e2 + b_e2
    # message input: gather of node features at src/dst (SparseCore gather)
    m_input = jnp.concatenate([jnp.take(h, src, axis=0), jnp.take(h, dst, axis=0), ea], axis=-1)
    # node_mlp
    m = jax.nn.silu(m_input @ W_n1 + b_n1) @ W_n2 + b_n2
    # scatter-add aggregation over dst (SparseCore scatter-add)
    h_agg = jnp.zeros_like(h).at[dst].add(m)
    # coord_mlp -> scalar weight per edge
    coord_weight = jax.nn.silu(m_input @ W_c1 + b_c1) @ W_c2
    dir_vec = jnp.take(x, src, axis=0) - jnp.take(x, dst, axis=0)
    coord_update = coord_weight * dir_vec
    x_agg = jnp.zeros_like(x).at[dst].add(coord_update)
    return (h + h_agg, x + x_agg)

if __name__ == "__main__":
    import jax
    _d = setup_inputs()
    print(jax.jit(kernel)(*tuple(_d.values())))

</pallas_src>

<mosaic_0001>
#map = affine_map<(d0, d1) -> (0)>
#map1 = affine_map<(d0, d1) -> (0, 0)>
module attributes {stable_mosaic.version = 14 : i64} {
  func.func @body(%arg0: i32, %arg1: i32, %arg2: memref<320000xi32, #tpu.memory_space<hbm>>, %arg3: memref<320000xi32, #tpu.memory_space<hbm>>, %arg4: memref<10000x128xi32, #tpu.memory_space<hbm>>, %arg5: memref<10000x128xi32, #tpu.memory_space<hbm>>, %arg6: memref<320000x128xi32, #tpu.memory_space<hbm>>, %arg7: memref<10000xi32, #tpu.memory_space<vmem>>, %arg8: memref<10000xi32, #tpu.memory_space<vmem>>, %arg9: memref<80x128xi32, #tpu.memory_space<vmem>>, %arg10: memref<80x128xi32, #tpu.memory_space<vmem>>, %arg11: memref<80x128xi32, #tpu.memory_space<vmem>>, %arg12: memref<80x128xi32, #tpu.memory_space<vmem>>, %arg13: memref<80x128xi32, #tpu.memory_space<vmem>>, %arg14: memref<80x128xi32, #tpu.memory_space<vmem>>, %arg15: memref<80x128xi32, #tpu.memory_space<vmem>>, %arg16: memref<80x128xi32, #tpu.memory_space<vmem>>, %arg17: memref<!tpu.dma_semaphore, #tpu.memory_space<semaphore_mem>>, %arg18: memref<!tpu.dma_semaphore, #tpu.memory_space<semaphore_mem>>, %arg19: memref<!tpu.dma_semaphore, #tpu.memory_space<semaphore_mem>>, %arg20: memref<!tpu.dma_semaphore, #tpu.memory_space<semaphore_mem>>, %arg21: memref<!tpu.dma_semaphore, #tpu.memory_space<semaphore_mem>>, %arg22: memref<!tpu.dma_semaphore, #tpu.memory_space<semaphore_mem>>, %arg23: memref<!tpu.dma_semaphore, #tpu.memory_space<semaphore_mem>>, %arg24: memref<!tpu.dma_semaphore, #tpu.memory_space<semaphore_mem>>) attributes {dimension_semantics = [#tpu.dimension_semantics<core_parallel>, #tpu.dimension_semantics<subcore_parallel>], iteration_bounds = array<i64: 2, 16>, scalar_prefetch = 0 : i64, scratch_operands = 18 : i64, tpu.core_type = #tpu.core_type<sc_vector_subcore>, window_params = [{transform_indices = #map}, {transform_indices = #map}, {transform_indices = #map1}, {transform_indices = #map1}, {transform_indices = #map1}]} {
    %mul3A = arith.constant 2 : i32
    %mul3A_0 = arith.muli %arg1, %mul3A : i32
    %add3A = arith.addi %mul3A_0, %arg0 : i32
    %mul3A_1 = arith.constant 10000 : i32
    %mul3A_2 = arith.muli %add3A, %mul3A_1 : i32
    "tpu.region"() ({
      %run_scoped3A = tpu.sem_alloc : memref<!tpu.dma_semaphore, #tpu.memory_space<semaphore_mem>>
      %dma_start3A_54 = tpu.memref_slice %arg2[%mul3A_2] : memref<320000xi32, #tpu.memory_space<hbm>> -> memref<10000xi32, #tpu.memory_space<hbm>>
      %dma_start3A_55 = tpu.memref_slice %arg2[%mul3A_2] : memref<320000xi32, #tpu.memory_space<hbm>> -> memref<10000xi32, #tpu.memory_space<hbm>>
      tpu.enqueue_dma source(%dma_start3A_55 : memref<10000xi32, #tpu.memory_space<hbm>>) target(%arg7 : memref<10000xi32, #tpu.memory_space<vmem>>) target_semaphore(%run_scoped3A : memref<!tpu.dma_semaphore, #tpu.memory_space<semaphore_mem>>)
      %dma_wait3A_56 = tpu.memref_slice %arg2[%mul3A_2] : memref<320000xi32, #tpu.memory_space<hbm>> -> memref<10000xi32, #tpu.memory_space<hbm>>
      %dma_wait3A_57 = tpu.memref_slice %arg2[%mul3A_2] : memref<320000xi32, #tpu.memory_space<hbm>> -> memref<10000xi32, #tpu.memory_space<hbm>>
      tpu.wait_dma2 semaphore(%run_scoped3A : memref<!tpu.dma_semaphore, #tpu.memory_space<semaphore_mem>>) src(%dma_wait3A_57 : memref<10000xi32, #tpu.memory_space<hbm>>) dst(%arg7 : memref<10000xi32, #tpu.memory_space<vmem>>)
      tpu.yield
    }) : () -> ()
    "tpu.region"() ({
      %run_scoped3A = tpu.sem_alloc : memref<!tpu.dma_semaphore, #tpu.memory_space<semaphore_mem>>
      %dma_start3A_54 = tpu.memref_slice %arg3[%mul3A_2] : memref<320000xi32, #tpu.memory_space<hbm>> -> memref<10000xi32, #tpu.memory_space<hbm>>
      %dma_start3A_55 = tpu.memref_slice %arg3[%mul3A_2] : memref<320000xi32, #tpu.memory_space<hbm>> -> memref<10000xi32, #tpu.memory_space<hbm>>
      tpu.enqueue_dma source(%dma_start3A_55 : memref<10000xi32, #tpu.memory_space<hbm>>) target(%arg8 : memref<10000xi32, #tpu.memory_space<vmem>>) target_semaphore(%run_scoped3A : memref<!tpu.dma_semaphore, #tpu.memory_space<semaphore_mem>>)
      %dma_wait3A_56 = tpu.memref_slice %arg3[%mul3A_2] : memref<320000xi32, #tpu.memory_space<hbm>> -> memref<10000xi32, #tpu.memory_space<hbm>>
      %dma_wait3A_57 = tpu.memref_slice %arg3[%mul3A_2] : memref<320000xi32, #tpu.memory_space<hbm>> -> memref<10000xi32, #tpu.memory_space<hbm>>
      tpu.wait_dma2 semaphore(%run_scoped3A : memref<!tpu.dma_semaphore, #tpu.memory_space<semaphore_mem>>) src(%dma_wait3A_57 : memref<10000xi32, #tpu.memory_space<hbm>>) dst(%arg8 : memref<10000xi32, #tpu.memory_space<vmem>>)
      tpu.yield
    }) : () -> ()
    %dma_start3A = arith.constant 0 : i32
    %dma_start3A_3 = tpu.memref_slice %arg7[%dma_start3A] : memref<10000xi32, #tpu.memory_space<vmem>> -> memref<80xi32, #tpu.memory_space<vmem>>
    %dma_start3A_4 = arith.constant 0 : i32
    %dma_start3A_5 = arith.constant 0 : i32
    %dma_start3A_6 = tpu.memref_slice %arg4[%dma_start3A_4, %dma_start3A_5] : memref<10000x128xi32, #tpu.memory_space<hbm>> -> memref<10000x128xi32, #tpu.memory_space<hbm>>
    tpu.enqueue_indirect_dma source(%dma_start3A_6 : memref<10000x128xi32, #tpu.memory_space<hbm>>) target(%arg9 : memref<80x128xi32, #tpu.memory_space<vmem>>) offsets(%dma_start3A_3 : memref<80xi32, #tpu.memory_space<vmem>>) semaphore(%arg17 : memref<!tpu.dma_semaphore, #tpu.memory_space<semaphore_mem>>)
    %dma_start3A_7 = arith.constant 0 : i32
    %dma_start3A_8 = tpu.memref_slice %arg8[%dma_start3A_7] : memref<10000xi32, #tpu.memory_space<vmem>> -> memref<80xi32, #tpu.memory_space<vmem>>
    %dma_start3A_9 = arith.constant 0 : i32
    %dma_start3A_10 = arith.constant 0 : i32
    %dma_start3A_11 = tpu.memref_slice %arg5[%dma_start3A_9, %dma_start3A_10] : memref<10000x128xi32, #tpu.memory_space<hbm>> -> memref<10000x128xi32, #tpu.memory_space<hbm>>
    tpu.enqueue_indirect_dma source(%dma_start3A_11 : memref<10000x128xi32, #tpu.memory_space<hbm>>) target(%arg13 : memref<80x128xi32, #tpu.memory_space<vmem>>) offsets(%dma_start3A_8 : memref<80xi32, #tpu.memory_space<vmem>>) semaphore(%arg21 : memref<!tpu.dma_semaphore, #tpu.memory_space<semaphore_mem>>)
    %dma_start3A_12 = arith.constant 80 : i32
    %dma_start3A_13 = tpu.memref_slice %arg7[%dma_start3A_12] : memref<10000xi32, #tpu.memory_space<vmem>> -> memref<80xi32, #tpu.memory_space<vmem>>
    %dma_start3A_14 = arith.constant 0 : i32
    %dma_start3A_15 = arith.constant 0 : i32
    %dma_start3A_16 = tpu.memref_slice %arg4[%dma_start3A_14, %dma_start3A_15] : memref<10000x128xi32, #tpu.memory_space<hbm>> -> memref<10000x128xi32, #tpu.memory_space<hbm>>
    tpu.enqueue_indirect_dma source(%dma_start3A_16 : memref<10000x128xi32, #tpu.memory_space<hbm>>) target(%arg10 : memref<80x128xi32, #tpu.memory_space<vmem>>) offsets(%dma_start3A_13 : memref<80xi32, #tpu.memory_space<vmem>>) semaphore(%arg18 : memref<!tpu.dma_semaphore, #tpu.memory_space<semaphore_mem>>)
    %dma_start3A_17 = arith.constant 80 : i32
    %dma_start3A_18 = tpu.memref_slice %arg8[%dma_start3A_17] : memref<10000xi32, #tpu.memory_space<vmem>> -> memref<80xi32, #tpu.memory_space<vmem>>
    %dma_start3A_19 = arith.constant 0 : i32
    %dma_start3A_20 = arith.constant 0 : i32
    %dma_start3A_21 = tpu.memref_slice %arg5[%dma_start3A_19, %dma_start3A_20] : memref<10000x128xi32, #tpu.memory_space<hbm>> -> memref<10000x128xi32, #tpu.memory_space<hbm>>
    tpu.enqueue_indirect_dma source(%dma_start3A_21 : memref<10000x128xi32, #tpu.memory_space<hbm>>) target(%arg14 : memref<80x128xi32, #tpu.memory_space<vmem>>) offsets(%dma_start3A_18 : memref<80xi32, #tpu.memory_space<vmem>>) semaphore(%arg22 : memref<!tpu.dma_semaphore, #tpu.memory_space<semaphore_mem>>)
    %dma_start3A_22 = arith.constant 160 : i32
    %dma_start3A_23 = tpu.memref_slice %arg7[%dma_start3A_22] : memref<10000xi32, #tpu.memory_space<vmem>> -> memref<80xi32, #tpu.memory_space<vmem>>
    %dma_start3A_24 = arith.constant 0 : i32
    %dma_start3A_25 = arith.constant 0 : i32
    %dma_start3A_26 = tpu.memref_slice %arg4[%dma_start3A_24, %dma_start3A_25] : memref<10000x128xi32, #tpu.memory_space<hbm>> -> memref<10000x128xi32, #tpu.memory_space<hbm>>
    tpu.enqueue_indirect_dma source(%dma_start3A_26 : memref<10000x128xi32, #tpu.memory_space<hbm>>) target(%arg11 : memref<80x128xi32, #tpu.memory_space<vmem>>) offsets(%dma_start3A_23 : memref<80xi32, #tpu.memory_space<vmem>>) semaphore(%arg19 : memref<!tpu.dma_semaphore, #tpu.memory_space<semaphore_mem>>)
    %dma_start3A_27 = arith.constant 160 : i32
    %dma_start3A_28 = tpu.memref_slice %arg8[%dma_start3A_27] : memref<10000xi32, #tpu.memory_space<vmem>> -> memref<80xi32, #tpu.memory_space<vmem>>
    %dma_start3A_29 = arith.constant 0 : i32
    %dma_start3A_30 = arith.constant 0 : i32
    %dma_start3A_31 = tpu.memref_slice %arg5[%dma_start3A_29, %dma_start3A_30] : memref<10000x128xi32, #tpu.memory_space<hbm>> -> memref<10000x128xi32, #tpu.memory_space<hbm>>
    tpu.enqueue_indirect_dma source(%dma_start3A_31 : memref<10000x128xi32, #tpu.memory_space<hbm>>) target(%arg15 : memref<80x128xi32, #tpu.memory_space<vmem>>) offsets(%dma_start3A_28 : memref<80xi32, #tpu.memory_space<vmem>>) semaphore(%arg23 : memref<!tpu.dma_semaphore, #tpu.memory_space<semaphore_mem>>)
    %scan3A = arith.constant 0 : i32
    %scan3A_32 = arith.constant 0 : i32
    %scan3A_33 = arith.constant 31 : i32
    %scan3A_34 = arith.addi %scan3A_32, %scan3A_33 : i32
    %scan3A_35 = arith.constant 1 : i32
    scf.for %scan3A_54 = %scan3A_32 to %scan3A_34 step %scan3A_35  : i32 {
      %mul3A_55 = arith.constant 4 : i32
      %mul3A_56 = arith.muli %mul3A_55, %scan3A_54 : i32
      %add3A_57 = arith.constant 0 : i32
      %add3A_58 = arith.addi %mul3A_56, %add3A_57 : i32
      %add3A_59 = arith.constant 4 : i32
      %add3A_60 = arith.addi %add3A_58, %add3A_59 : i32
      %sub3A = arith.constant 1 : i32
      %sub3A_61 = arith.subi %add3A_60, %sub3A : i32
      %lt3A = arith.constant 125 : i32
      %lt3A_62 = arith.cmpi slt, %sub3A_61, %lt3A : i32
      %convert_element_type3A = arith.extui %lt3A_62 : i1 to i32
      %cond3A = arith.constant 0 : i32
      %cond3A_63 = arith.cmpi ne, %convert_element_type3A, %cond3A : i32
      scf.if %cond3A_63 {
        %add3A_173 = arith.constant 4 : i32
        %add3A_174 = arith.addi %add3A_58, %add3A_173 : i32
        %sub3A_175 = arith.constant 1 : i32
        %sub3A_176 = arith.subi %add3A_174, %sub3A_175 : i32
        %mul3A_177 = arith.constant 80 : i32
        %mul3A_178 = arith.muli %sub3A_176, %mul3A_177 : i32
        %dma_start3A_179 = tpu.memref_slice %arg7[%mul3A_178] : memref<10000xi32, #tpu.memory_space<vmem>> -> memref<80xi32, #tpu.memory_space<vmem>>
        %dma_start3A_180 = arith.constant 0 : i32
        %dma_start3A_181 = arith.constant 0 : i32
        %dma_start3A_182 = tpu.memref_slice %arg4[%dma_start3A_180, %dma_start3A_181] : memref<10000x128xi32, #tpu.memory_space<hbm>> -> memref<10000x128xi32, #tpu.memory_space<hbm>>
        tpu.enqueue_indirect_dma source(%dma_start3A_182 : memref<10000x128xi32, #tpu.memory_space<hbm>>) target(%arg12 : memref<80x128xi32, #tpu.memory_space<vmem>>) offsets(%dma_start3A_179 : memref<80xi32, #tpu.memory_space<vmem>>) semaphore(%arg20 : memref<!tpu.dma_semaphore, #tpu.memory_space<semaphore_mem>>)
        %dma_start3A_183 = tpu.memref_slice %arg8[%mul3A_178] : memref<10000xi32, #tpu.memory_space<vmem>> -> memref<80xi32, #tpu.memory_space<vmem>>
        %dma_start3A_184 = arith.constant 0 : i32
        %dma_start3A_185 = arith.constant 0 : i32
        %dma_start3A_186 = tpu.memref_slice %arg5[%dma_start3A_184, %dma_start3A_185] : memref<10000x128xi32, #tpu.memory_space<hbm>> -> memref<10000x128xi32, #tpu.memory_space<hbm>>
        tpu.enqueue_indirect_dma source(%dma_start3A_186 : memref<10000x128xi32, #tpu.memory_space<hbm>>) target(%arg16 : memref<80x128xi32, #tpu.memory_space<vmem>>) offsets(%dma_start3A_183 : memref<80xi32, #tpu.memory_space<vmem>>) semaphore(%arg24 : memref<!tpu.dma_semaphore, #tpu.memory_space<semaphore_mem>>)
      } else {
      }
      %dma_wait3A_64 = arith.constant 0 : i32
      %dma_wait3A_65 = tpu.memref_slice %arg7[%dma_wait3A_64] : memref<10000xi32, #tpu.memory_space<vmem>> -> memref<80xi32, #tpu.memory_space<vmem>>
      %dma_wait3A_66 = arith.constant 0 : i32
      %dma_wait3A_67 = arith.constant 0 : i32
      %dma_wait3A_68 = tpu.memref_slice %arg4[%dma_wait3A_66, %dma_wait3A_67] : memref<10000x128xi32, #tpu.memory_space<hbm>> -> memref<10000x128xi32, #tpu.memory_space<hbm>>
      tpu.wait_indirect_dma semaphore(%arg17 : memref<!tpu.dma_semaphore, #tpu.memory_space<semaphore_mem>>) src(%dma_wait3A_68 : memref<10000x128xi32, #tpu.memory_space<hbm>>) dst(%arg9 : memref<80x128xi32, #tpu.memory_space<vmem>>)
      %dma_wait3A_69 = arith.constant 0 : i32
      %dma_wait3A_70 = tpu.memref_slice %arg8[%dma_wait3A_69] : memref<10000xi32, #tpu.memory_space<vmem>> -> memref<80xi32, #tpu.memory_space<vmem>>
      %dma_wait3A_71 = arith.constant 0 : i32
      %dma_wait3A_72 = arith.constant 0 : i32
      %dma_wait3A_73 = tpu.memref_slice %arg5[%dma_wait3A_71, %dma_wait3A_72] : memref<10000x128xi32, #tpu.memory_space<hbm>> -> memref<10000x128xi32, #tpu.memory_space<hbm>>
      tpu.wait_indirect_dma semaphore(%arg21 : memref<!tpu.dma_semaphore, #tpu.memory_space<semaphore_mem>>) src(%dma_wait3A_73 : memref<10000x128xi32, #tpu.memory_space<hbm>>) dst(%arg13 : memref<80x128xi32, #tpu.memory_space<vmem>>)
      %scan3A_74 = arith.constant 0 : i32
      %scan3A_75 = arith.constant 0 : i32
      %scan3A_76 = arith.constant 80 : i32
      %scan3A_77 = arith.addi %scan3A_75, %scan3A_76 : i32
      %scan3A_78 = arith.constant 1 : i32
      scf.for %scan3A_173 = %scan3A_75 to %scan3A_77 step %scan3A_78  : i32 {
        %get3A = arith.index_cast %scan3A_173 : i32 to index
        %get3A_174 = arith.constant 0 : index
        %get3A_175 = tpu.vector_load %arg9[%get3A, %get3A_174] {strides = array<i32>} : memref<80x128xi32, #tpu.memory_space<vmem>>, vector<16xi32>,
        %bitcast3A = vector.bitcast %get3A_175 : vector<16xi32> to vector<32xbf16>
        %get3A_176 = arith.index_cast %scan3A_173 : i32 to index
        %get3A_177 = arith.constant 0 : index
        %get3A_178 = tpu.vector_load %arg13[%get3A_176, %get3A_177] {strides = array<i32>} : memref<80x128xi32, #tpu.memory_space<vmem>>, vector<16xi32>,
        %bitcast3A_179 = vector.bitcast %get3A_178 : vector<16xi32> to vector<32xbf16>
        %add3A_180 = arith.addf %bitcast3A, %bitcast3A_179 : vector<32xbf16>
        %bitcast3A_181 = vector.bitcast %add3A_180 : vector<32xbf16> to vector<16xi32>
        %swap3A = arith.index_cast %scan3A_173 : i32 to index
        %swap3A_182 = arith.constant 0 : index
        %swap3A_183 = tpu.vector_load %arg9[%swap3A, %swap3A_182] {strides = array<i32>} : memref<80x128xi32, #tpu.memory_space<vmem>>, vector<16xi32>,
        tpu.vector_store %arg9[%swap3A, %swap3A_182], %bitcast3A_181 {strides = array<i32>} : memref<80x128xi32, #tpu.memory_space<vmem>>, vector<16xi32>,
        %get3A_184 = arith.index_cast %scan3A_173 : i32 to index
        %get3A_185 = arith.constant 16 : index
        %get3A_186 = tpu.vector_load %arg9[%get3A_184, %get3A_185] {strides = array<i32>} : memref<80x128xi32, #tpu.memory_space<vmem>>, vector<16xi32>,
        %bitcast3A_187 = vector.bitcast %get3A_186 : vector<16xi32> to vector<32xbf16>
        %get3A_188 = arith.index_cast %scan3A_173 : i32 to index
        %get3A_189 = arith.constant 16 : index
        %get3A_190 = tpu.vector_load %arg13[%get3A_188, %get3A_189] {strides = array<i32>} : memref<80x128xi32, #tpu.memory_space<vmem>>, vector<16xi32>,
        %bitcast3A_191 = vector.bitcast %get3A_190 : vector<16xi32> to vector<32xbf16>
        %add3A_192 = arith.addf %bitcast3A_187, %bitcast3A_191 : vector<32xbf16>
        %bitcast3A_193 = vector.bitcast %add3A_192 : vector<32xbf16> to vector<16xi32>
        %swap3A_194 = arith.index_cast %scan3A_173 : i32 to index
        %swap3A_195 = arith.constant 16 : index
        %swap3A_196 = tpu.vector_load %arg9[%swap3A_194, %swap3A_195] {strides = array<i32>} : memref<80x128xi32, #tpu.memory_space<vmem>>, vector<16xi32>,
        tpu.vector_store %arg9[%swap3A_194, %swap3A_195], %bitcast3A_193 {strides = array<i32>} : memref<80x128xi32, #tpu.memory_space<vmem>>, vector<16xi32>,
        %get3A_197 = arith.index_cast %scan3A_173 : i32 to index
        %get3A_198 = arith.constant 32 : index
        %get3A_199 = tpu.vector_load %arg9[%get3A_197, %get3A_198] {strides = array<i32>} : memref<80x128xi32, #tpu.memory_space<vmem>>, vector<16xi32>,
        %bitcast3A_200 = vector.bitcast %get3A_199 : vector<16xi32> to vector<32xbf16>
        %get3A_201 = arith.index_cast %scan3A_173 : i32 to index
        %get3A_202 = arith.constant 32 : index
        %get3A_203 = tpu.vector_load %arg13[%get3A_201, %get3A_202] {strides = array<i32>} : memref<80x128xi32, #tpu.memory_space<vmem>>, vector<16xi32>,
        %bitcast3A_204 = vector.bitcast %get3A_203 : vector<16xi32> to vector<32xbf16>
        %add3A_205 = arith.addf %bitcast3A_200, %bitcast3A_204 : vector<32xbf16>
        %bitcast3A_206 = vector.bitcast %add3A_205 : vector<32xbf16> to vector<16xi32>
        %swap3A_207 = arith.index_cast %scan3A_173 : i32 to index
        %swap3A_208 = arith.constant 32 : index
        %swap3A_209 = tpu.vector_load %arg9[%swap3A_207, %swap3A_208] {strides = array<i32>} : memref<80x128xi32, #tpu.memory_space<vmem>>, vector<16xi32>,
        tpu.vector_store %arg9[%swap3A_207, %swap3A_208], %bitcast3A_206 {strides = array<i32>} : memref<80x128xi32, #tpu.memory_space<vmem>>, vector<16xi32>,
        %get3A_210 = arith.index_cast %scan3A_173 : i32 to index
        %get3A_211 = arith.constant 48 : index
        %get3A_212 = tpu.vector_load %arg9[%get3A_210, %get3A_211] {strides = array<i32>} : memref<80x128xi32, #tpu.memory_space<vmem>>, vector<16xi32>,
        %bitcast3A_213 = vector.bitcast %get3A_212 : vector<16xi32> to vector<32xbf16>
        %get3A_214 = arith.index_cast %scan3A_173 : i32 to index
        %get3A_215 = arith.constant 48 : index
        %get3A_216 = tpu.vector_load %arg13[%get3A_214, %get3A_215] {strides = array<i32>} : memref<80x128xi32, #tpu.memory_space<vmem>>, vector<16xi32>,
        %bitcast3A_217 = vector.bitcast %get3A_216 : vector<16xi32> to vector<32xbf16>
        %add3A_218 = arith.addf %bitcast3A_213, %bitcast3A_217 : vector<32xbf16>
        %bitcast3A_219 = vector.bitcast %add3A_218 : vector<32xbf16> to vector<16xi32>
        %swap3A_220 = arith.index_cast %scan3A_173 : i32 to index
        %swap3A_221 = arith.constant 48 : index
        %swap3A_222 = tpu.vector_load %arg9[%swap3A_220, %swap3A_221] {strides = array<i32>} : memref<80x128xi32, #tpu.memory_space<vmem>>, vector<16xi32>,
        tpu.vector_store %arg9[%swap3A_220, %swap3A_221], %bitcast3A_219 {strides = array<i32>} : memref<80x128xi32, #tpu.memory_space<vmem>>, vector<16xi32>,
        %get3A_223 = arith.index_cast %scan3A_173 : i32 to index
        %get3A_224 = arith.constant 64 : index
        %get3A_225 = tpu.vector_load %arg9[%get3A_223, %get3A_224] {strides = array<i32>} : memref<80x128xi32, #tpu.memory_space<vmem>>, vector<16xi32>,
        %bitcast3A_226 = vector.bitcast %get3A_225 : vector<16xi32> to vector<32xbf16>
        %get3A_227 = arith.index_cast %scan3A_173 : i32 to index
        %get3A_228 = arith.constant 64 : index
        %get3A_229 = tpu.vector_load %arg13[%get3A_227, %get3A_228] {strides = array<i32>} : memref<80x128xi32, #tpu.memory_space<vmem>>, vector<16xi32>,
        %bitcast3A_230 = vector.bitcast %get3A_229 : vector<16xi32> to vector<32xbf16>
        %add3A_231 = arith.addf %bitcast3A_226, %bitcast3A_230 : vector<32xbf16>
        %bitcast3A_232 = vector.bitcast %add3A_231 : vector<32xbf16> to vector<16xi32>
        %swap3A_233 = arith.index_cast %scan3A_173 : i32 to index
        %swap3A_234 = arith.constant 64 : index
        %swap3A_235 = tpu.vector_load %arg9[%swap3A_233, %swap3A_234] {strides = array<i32>} : memref<80x128xi32, #tpu.memory_space<vmem>>, vector<16xi32>,
        tpu.vector_store %arg9[%swap3A_233, %swap3A_234], %bitcast3A_232 {strides = array<i32>} : memref<80x128xi32, #tpu.memory_space<vmem>>, vector<16xi32>,
        %get3A_236 = arith.index_cast %scan3A_173 : i32 to index
        %get3A_237 = arith.constant 80 : index
        %get3A_238 = tpu.vector_load %arg9[%get3A_236, %get3A_237] {strides = array<i32>} : memref<80x128xi32, #tpu.memory_space<vmem>>, vector<16xi32>,
        %bitcast3A_239 = vector.bitcast %get3A_238 : vector<16xi32> to vector<32xbf16>
        %get3A_240 = arith.index_cast %scan3A_173 : i32 to index
        %get3A_241 = arith.constant 80 : index
        %get3A_242 = tpu.vector_load %arg13[%get3A_240, %get3A_241] {strides = array<i32>} : memref<80x128xi32, #tpu.memory_space<vmem>>, vector<16xi32>,
        %bitcast3A_243 = vector.bitcast %get3A_242 : vector<16xi32> to vector<32xbf16>
        %add3A_244 = arith.addf %bitcast3A_239, %bitcast3A_243 : vector<32xbf16>
        %bitcast3A_245 = vector.bitcast %add3A_244 : vector<32xbf16> to vector<16xi32>
        %swap3A_246 = arith.index_cast %scan3A_173 : i32 to index
        %swap3A_247 = arith.constant 80 : index
        %swap3A_248 = tpu.vector_load %arg9[%swap3A_246, %swap3A_247] {strides = array<i32>} : memref<80x128xi32, #tpu.memory_space<vmem>>, vector<16xi32>,
        tpu.vector_store %arg9[%swap3A_246, %swap3A_247], %bitcast3A_245 {strides = array<i32>} : memref<80x128xi32, #tpu.memory_space<vmem>>, vector<16xi32>,
        %get3A_249 = arith.index_cast %scan3A_173 : i32 to index
        %get3A_250 = arith.constant 96 : index
        %get3A_251 = tpu.vector_load %arg9[%get3A_249, %get3A_250] {strides = array<i32>} : memref<80x128xi32, #tpu.memory_space<vmem>>, vector<16xi32>,
        %bitcast3A_252 = vector.bitcast %get3A_251 : vector<16xi32> to vector<32xbf16>
        %get3A_253 = arith.index_cast %scan3A_173 : i32 to index
        %get3A_254 = arith.constant 96 : index
        %get3A_255 = tpu.vector_load %arg13[%get3A_253, %get3A_254] {strides = array<i32>} : memref<80x128xi32, #tpu.memory_space<vmem>>, vector<16xi32>,
        %bitcast3A_256 = vector.bitcast %get3A_255 : vector<16xi32> to vector<32xbf16>
        %add3A_257 = arith.addf %bitcast3A_252, %bitcast3A_256 : vector<32xbf16>
        %bitcast3A_258 = vector.bitcast %add3A_257 : vector<32xbf16> to vector<16xi32>
        %swap3A_259 = arith.index_cast %scan3A_173 : i32 to index
        %swap3A_260 = arith.constant 96 : index
        %swap3A_261 = tpu.vector_load %arg9[%swap3A_259, %swap3A_260] {strides = array<i32>} : memref<80x128xi32, #tpu.memory_space<vmem>>, vector<16xi32>,
        tpu.vector_store %arg9[%swap3A_259, %swap3A_260], %bitcast3A_258 {strides = array<i32>} : memref<80x128xi32, #tpu.memory_space<vmem>>, vector<16xi32>,
        %get3A_262 = arith.index_cast %scan3A_173 : i32 to index
        %get3A_263 = arith.constant 112 : index
        %get3A_264 = tpu.vector_load %arg9[%get3A_262, %get3A_263] {strides = array<i32>} : memref<80x128xi32, #tpu.memory_space<vmem>>, vector<16xi32>,
        %bitcast3A_265 = vector.bitcast %get3A_264 : vector<16xi32> to vector<32xbf16>
        %get3A_266 = arith.index_cast %scan3A_173 : i32 to index
        %get3A_267 = arith.constant 112 : index
        %get3A_268 = tpu.vector_load %arg13[%get3A_266, %get3A_267] {strides = array<i32>} : memref<80x128xi32, #tpu.memory_space<vmem>>, vector<16xi32>,
        %bitcast3A_269 = vector.bitcast %get3A_268 : vector<16xi32> to vector<32xbf16>
        %add3A_270 = arith.addf %bitcast3A_265, %bitcast3A_269 : vector<32xbf16>
        %bitcast3A_271 = vector.bitcast %add3A_270 : vector<32xbf16> to vector<16xi32>
        %swap3A_272 = arith.index_cast %scan3A_173 : i32 to index
        %swap3A_273 = arith.constant 112 : index
        %swap3A_274 = tpu.vector_load %arg9[%swap3A_272, %swap3A_273] {strides = array<i32>} : memref<80x128xi32, #tpu.memory_space<vmem>>, vector<16xi32>,
        tpu.vector_store %arg9[%swap3A_272, %swap3A_273], %bitcast3A_271 {strides = array<i32>} : memref<80x128xi32, #tpu.memory_space<vmem>>, vector<16xi32>,
      }
      %scan3A_79 = arith.constant 80 : i32
      %mul3A_80 = arith.constant 80 : i32
      %mul3A_81 = arith.muli %add3A_58, %mul3A_80 : i32
      %add3A_82 = arith.addi %mul3A_2, %mul3A_81 : i32
      "tpu.region"() ({
        %run_scoped3A = tpu.sem_alloc : memref<!tpu.dma_semaphore, #tpu.memory_space<semaphore_mem>>
        %dma_start3A_173 = arith.constant 0 : i32
        %dma_start3A_174 = tpu.memref_slice %arg6[%add3A_82, %dma_start3A_173] : memref<320000x128xi32, #tpu.memory_space<hbm>> -> memref<80x128xi32, #tpu.memory_space<hbm>>
        %dma_start3A_175 = arith.constant 0 : i32
        %dma_start3A_176 = tpu.memref_slice %arg6[%add3A_82, %dma_start3A_175] : memref<320000x128xi32, #tpu.memory_space<hbm>> -> memref<80x128xi32, #tpu.memory_space<hbm>>
        tpu.enqueue_dma source(%arg9 : memref<80x128xi32, #tpu.memory_space<vmem>>) target(%dma_start3A_176 : memref<80x128xi32, #tpu.memory_space<hbm>>) target_semaphore(%run_scoped3A : memref<!tpu.dma_semaphore, #tpu.memory_space<semaphore_mem>>)
        %dma_wait3A_177 = arith.constant 0 : i32
        %dma_wait3A_178 = tpu.memref_slice %arg6[%add3A_82, %dma_wait3A_177] : memref<320000x128xi32, #tpu.memory_space<hbm>> -> memref<80x128xi32, #tpu.memory_space<hbm>>
        %dma_wait3A_179 = arith.constant 0 : i32
        %dma_wait3A_180 = tpu.memref_slice %arg6[%add3A_82, %dma_wait3A_179] : memref<320000x128xi32, #tpu.memory_space<hbm>> -> memref<80x128xi32, #tpu.memory_space<hbm>>
        tpu.wait_dma2 semaphore(%run_scoped3A : memref<!tpu.dma_semaphore, #tpu.memory_space<semaphore_mem>>) src(%arg9 : memref<80x128xi32, #tpu.memory_space<vmem>>) dst(%dma_wait3A_180 : memref<80x128xi32, #tpu.memory_space<hbm>>)
        tpu.yield
      }) : () -> ()
      %add3A_83 = arith.constant 1 : i32
      %add3A_84 = arith.addi %mul3A_56, %add3A_83 : i32
      %add3A_85 = arith.constant 4 : i32
      %add3A_86 = arith.addi %add3A_84, %add3A_85 : i32
      %sub3A_87 = arith.constant 1 : i32
      %sub3A_88 = arith.subi %add3A_86, %sub3A_87 : i32
      %lt3A_89 = arith.constant 125 : i32
      %lt3A_90 = arith.cmpi slt, %sub3A_88, %lt3A_89 : i32
      %convert_element_type3A_91 = arith.extui %lt3A_90 : i1 to i32
      %cond3A_92 = arith.constant 0 : i32
      %cond3A_93 = arith.cmpi ne, %convert_element_type3A_91, %cond3A_92 : i32
      scf.if %cond3A_93 {
        %add3A_173 = arith.constant 4 : i32
        %add3A_174 = arith.addi %add3A_84, %add3A_173 : i32
        %sub3A_175 = arith.constant 1 : i32
        %sub3A_176 = arith.subi %add3A_174, %sub3A_175 : i32
        %mul3A_177 = arith.constant 80 : i32
        %mul3A_178 = arith.muli %sub3A_176, %mul3A_177 : i32
        %dma_start3A_179 = tpu.memref_slice %arg7[%mul3A_178] : memref<10000xi32, #tpu.memory_space<vmem>> -> memref<80xi32, #tpu.memory_space<vmem>>
        %dma_start3A_180 = arith.constant 0 : i32
        %dma_start3A_181 = arith.constant 0 : i32
        %dma_start3A_182 = tpu.memref_slice %arg4[%dma_start3A_180, %dma_start3A_181] : memref<10000x128xi32, #tpu.memory_space<hbm>> -> memref<10000x128xi32, #tpu.memory_space<hbm>>
        tpu.enqueue_indirect_dma source(%dma_start3A_182 : memref<10000x128xi32, #tpu.memory_space<hbm>>) target(%arg9 : memref<80x128xi32, #tpu.memory_space<vmem>>) offsets(%dma_start3A_179 : memref<80xi32, #tpu.memory_space<vmem>>) semaphore(%arg17 : memref<!tpu.dma_semaphore, #tpu.memory_space<semaphore_mem>>)
        %dma_start3A_183 = tpu.memref_slice %arg8[%mul3A_178] : memref<10000xi32, #tpu.memory_space<vmem>> -> memref<80xi32, #tpu.memory_space<vmem>>
        %dma_start3A_184 = arith.constant 0 : i32
        %dma_start3A_185 = arith.constant 0 : i32
        %dma_start3A_186 = tpu.memref_slice %arg5[%dma_start3A_184, %dma_start3A_185] : memref<10000x128xi32, #tpu.memory_space<hbm>> -> memref<10000x128xi32, #tpu.memory_space<hbm>>
        tpu.enqueue_indirect_dma source(%dma_start3A_186 : memref<10000x128xi32, #tpu.memory_space<hbm>>) target(%arg13 : memref<80x128xi32, #tpu.memory_space<vmem>>) offsets(%dma_start3A_183 : memref<80xi32, #tpu.memory_space<vmem>>) semaphore(%arg21 : memref<!tpu.dma_semaphore, #tpu.memory_space<semaphore_mem>>)
      } else {
      }
      %dma_wait3A_94 = arith.constant 0 : i32
      %dma_wait3A_95 = tpu.memref_slice %arg7[%dma_wait3A_94] : memref<10000xi32, #tpu.memory_space<vmem>> -> memref<80xi32, #tpu.memory_space<vmem>>
      %dma_wait3A_96 = arith.constant 0 : i32
      %dma_wait3A_97 = arith.constant 0 : i32
      %dma_wait3A_98 = tpu.memref_slice %arg4[%dma_wait3A_96, %dma_wait3A_97] : memref<10000x128xi32, #tpu.memory_space<hbm>> -> memref<10000x128xi32, #tpu.memory_space<hbm>>
      tpu.wait_indirect_dma semaphore(%arg18 : memref<!tpu.dma_semaphore, #tpu.memory_space<semaphore_mem>>) src(%dma_wait3A_98 : memref<10000x128xi32, #tpu.memory_space<hbm>>) dst(%arg10 : memref<80x128xi32, #tpu.memory_space<vmem>>)
      %dma_wait3A_99 = arith.constant 0 : i32
      %dma_wait3A_100 = tpu.memref_slice %arg8[%dma_wait3A_99] : memref<10000xi32, #tpu.memory_space<vmem>> -> memref<80xi32, #tpu.memory_space<vmem>>
      %dma_wait3A_101 = arith.constant 0 : i32
      %dma_wait3A_102 = arith.constant 0 : i32
      %dma_wait3A_103 = tpu.memref_slice %arg5[%dma_wait3A_101, %dma_wait3A_102] : memref<10000x128xi32, #tpu.memory_space<hbm>> -> memref<10000x128xi32, #tpu.memory_space<hbm>>
      tpu.wait_indirect_dma semaphore(%arg22 : memref<!tpu.dma_semaphore, #tpu.memory_space<semaphore_mem>>) src(%dma_wait3A_103 : memref<10000x128xi32, #tpu.memory_space<hbm>>) dst(%arg14 : memref<80x128xi32, #tpu.memory_space<vmem>>)
      %scan3A_104 = arith.constant 0 : i32
      %scan3A_105 = arith.constant 0 : i32
      %scan3A_106 = arith.constant 80 : i32
      %scan3A_107 = arith.addi %scan3A_105, %scan3A_106 : i32
      %scan3A_108 = arith.constant 1 : i32
      scf.for %scan3A_173 = %scan3A_105 to %scan3A_107 step %scan3A_108  : i32 {
        %get3A = arith.index_cast %scan3A_173 : i32 to index
        %get3A_174 = arith.constant 0 : index
        %get3A_175 = tpu.vector_load %arg10[%get3A, %get3A_174] {strides = array<i32>} : memref<80x128xi32, #tpu.memory_space<vmem>>, vector<16xi32>,
        %bitcast3A = vector.bitcast %get3A_175 : vector<16xi32> to vector<32xbf16>
        %get3A_176 = arith.index_cast %scan3A_173 : i32 to index
        %get3A_177 = arith.constant 0 : index
        %get3A_178 = tpu.vector_load %arg14[%get3A_176, %get3A_177] {strides = array<i32>} : memref<80x128xi32, #tpu.memory_space<vmem>>, vector<16xi32>,
        %bitcast3A_179 = vector.bitcast %get3A_178 : vector<16xi32> to vector<32xbf16>
        %add3A_180 = arith.addf %bitcast3A, %bitcast3A_179 : vector<32xbf16>
        %bitcast3A_181 = vector.bitcast %add3A_180 : vector<32xbf16> to vector<16xi32>
        %swap3A = arith.index_cast %scan3A_173 : i32 to index
        %swap3A_182 = arith.constant 0 : index
        %swap3A_183 = tpu.vector_load %arg10[%swap3A, %swap3A_182] {strides = array<i32>} : memref<80x128xi32, #tpu.memory_space<vmem>>, vector<16xi32>,
        tpu.vector_store %arg10[%swap3A, %swap3A_182], %bitcast3A_181 {strides = array<i32>} : memref<80x128xi32, #tpu.memory_space<vmem>>, vector<16xi32>,
        %get3A_184 = arith.index_cast %scan3A_173 : i32 to index
        %get3A_185 = arith.constant 16 : index
        %get3A_186 = tpu.vector_load %arg10[%get3A_184, %get3A_185] {strides = array<i32>} : memref<80x128xi32, #tpu.memory_space<vmem>>, vector<16xi32>,
        %bitcast3A_187 = vector.bitcast %get3A_186 : vector<16xi32> to vector<32xbf16>
        %get3A_188 = arith.index_cast %scan3A_173 : i32 to index
        %get3A_189 = arith.constant 16 : index
        %get3A_190 = tpu.vector_load %arg14[%get3A_188, %get3A_189] {strides = array<i32>} : memref<80x128xi32, #tpu.memory_space<vmem>>, vector<16xi32>,
        %bitcast3A_191 = vector.bitcast %get3A_190 : vector<16xi32> to vector<32xbf16>
        %add3A_192 = arith.addf %bitcast3A_187, %bitcast3A_191 : vector<32xbf16>
        %bitcast3A_193 = vector.bitcast %add3A_192 : vector<32xbf16> to vector<16xi32>
        %swap3A_194 = arith.index_cast %scan3A_173 : i32 to index
        %swap3A_195 = arith.constant 16 : index
        %swap3A_196 = tpu.vector_load %arg10[%swap3A_194, %swap3A_195] {strides = array<i32>} : memref<80x128xi32, #tpu.memory_space<vmem>>, vector<16xi32>,
        tpu.vector_store %arg10[%swap3A_194, %swap3A_195], %bitcast3A_193 {strides = array<i32>} : memref<80x128xi32, #tpu.memory_space<vmem>>, vector<16xi32>,
        %get3A_197 = arith.index_cast %scan3A_173 : i32 to index
        %get3A_198 = arith.constant 32 : index
        %get3A_199 = tpu.vector_load %arg10[%get3A_197, %get3A_198] {strides = array<i32>} : memref<80x128xi32, #tpu.memory_space<vmem>>, vector<16xi32>,
        %bitcast3A_200 = vector.bitcast %get3A_199 : vector<16xi32> to vector<32xbf16>
        %get3A_201 = arith.index_cast %scan3A_173 : i32 to index
        %get3A_202 = arith.constant 32 : index
        %get3A_203 = tpu.vector_load %arg14[%get3A_201, %get3A_202] {strides = array<i32>} : memref<80x128xi32, #tpu.memory_space<vmem>>, vector<16xi32>,
        %bitcast3A_204 = vector.bitcast %get3A_203 : vector<16xi32> to vector<32xbf16>
        %add3A_205 = arith.addf %bitcast3A_200, %bitcast3A_204 : vector<32xbf16>
        %bitcast3A_206 = vector.bitcast %add3A_205 : vector<32xbf16> to vector<16xi32>
        %swap3A_207 = arith.index_cast %scan3A_173 : i32 to index
        %swap3A_208 = arith.constant 32 : index
        %swap3A_209 = tpu.vector_load %arg10[%swap3A_207, %swap3A_208] {strides = array<i32>} : memref<80x128xi32, #tpu.memory_space<vmem>>, vector<16xi32>,
        tpu.vector_store %arg10[%swap3A_207, %swap3A_208], %bitcast3A_206 {strides = array<i32>} : memref<80x128xi32, #tpu.memory_space<vmem>>, vector<16xi32>,
        %get3A_210 = arith.index_cast %scan3A_173 : i32 to index
        %get3A_211 = arith.constant 48 : index
        %get3A_212 = tpu.vector_load %arg10[%get3A_210, %get3A_211] {strides = array<i32>} : memref<80x128xi32, #tpu.memory_space<vmem>>, vector<16xi32>,
        %bitcast3A_213 = vector.bitcast %get3A_212 : vector<16xi32> to vector<32xbf16>
        %get3A_214 = arith.index_cast %scan3A_173 : i32 to index
        %get3A_215 = arith.constant 48 : index
        %get3A_216 = tpu.vector_load %arg14[%get3A_214, %get3A_215] {strides = array<i32>} : memref<80x128xi32, #tpu.memory_space<vmem>>, vector<16xi32>,
        %bitcast3A_217 = vector.bitcast %get3A_216 : vector<16xi32> to vector<32xbf16>
        %add3A_218 = arith.addf %bitcast3A_213, %bitcast3A_217 : vector<32xbf16>
        %bitcast3A_219 = vector.bitcast %add3A_218 : vector<32xbf16> to vector<16xi32>
        %swap3A_220 = arith.index_cast %scan3A_173 : i32 to index
        %swap3A_221 = arith.constant 48 : index
        %swap3A_222 = tpu.vector_load %arg10[%swap3A_220, %swap3A_221] {strides = array<i32>} : memref<80x128xi32, #tpu.memory_space<vmem>>, vector<16xi32>,
        tpu.vector_store %arg10[%swap3A_220, %swap3A_221], %bitcast3A_219 {strides = array<i32>} : memref<80x128xi32, #tpu.memory_space<vmem>>, vector<16xi32>,
        %get3A_223 = arith.index_cast %scan3A_173 : i32 to index
        %get3A_224 = arith.constant 64 : index
        %get3A_225 = tpu.vector_load %arg10[%get3A_223, %get3A_224] {strides = array<i32>} : memref<80x128xi32, #tpu.memory_space<vmem>>, vector<16xi32>,
        %bitcast3A_226 = vector.bitcast %get3A_225 : vector<16xi32> to vector<32xbf16>
        %get3A_227 = arith.index_cast %scan3A_173 : i32 to index
        %get3A_228 = arith.constant 64 : index
        %get3A_229 = tpu.vector_load %arg14[%get3A_227, %get3A_228] {strides = array<i32>} : memref<80x128xi32, #tpu.memory_space<vmem>>, vector<16xi32>,
        %bitcast3A_230 = vector.bitcast %get3A_229 : vector<16xi32> to vector<32xbf16>
        %add3A_231 = arith.addf %bitcast3A_226, %bitcast3A_230 : vector<32xbf16>
        %bitcast3A_232 = vector.bitcast %add3A_231 : vector<32xbf16> to vector<16xi32>
        %swap3A_233 = arith.index_cast %scan3A_173 : i32 to index
        %swap3A_234 = arith.constant 64 : index
        %swap3A_235 = tpu.vector_load %arg10[%swap3A_233, %swap3A_234] {strides = array<i32>} : memref<80x128xi32, #tpu.memory_space<vmem>>, vector<16xi32>,
        tpu.vector_store %arg10[%swap3A_233, %swap3A_234], %bitcast3A_232 {strides = array<i32>} : memref<80x128xi32, #tpu.memory_space<vmem>>, vector<16xi32>,
        %get3A_236 = arith.index_cast %scan3A_173 : i32 to index
        %get3A_237 = arith.constant 80 : index
        %get3A_238 = tpu.vector_load %arg10[%get3A_236, %get3A_237] {strides = array<i32>} : memref<80x128xi32, #tpu.memory_space<vmem>>, vector<16xi32>,
        %bitcast3A_239 = vector.bitcast %get3A_238 : vector<16xi32> to vector<32xbf16>
        %get3A_240 = arith.index_cast %scan3A_173 : i32 to index
        %get3A_241 = arith.constant 80 : index
        %get3A_242 = tpu.vector_load %arg14[%get3A_240, %get3A_241] {strides = array<i32>} : memref<80x128xi32, #tpu.memory_space<vmem>>, vector<16xi32>,
        %bitcast3A_243 = vector.bitcast %get3A_242 : vector<16xi32> to vector<32xbf16>
        %add3A_244 = arith.addf %bitcast3A_239, %bitcast3A_243 : vector<32xbf16>
        %bitcast3A_245 = vector.bitcast %add3A_244 : vector<32xbf16> to vector<16xi32>
        %swap3A_246 = arith.index_cast %scan3A_173 : i32 to index
        %swap3A_247 = arith.constant 80 : index
        %swap3A_248 = tpu.vector_load %arg10[%swap3A_246, %swap3A_247] {strides = array<i32>} : memref<80x128xi32, #tpu.memory_space<vmem>>, vector<16xi32>,
        tpu.vector_store %arg10[%swap3A_246, %swap3A_247], %bitcast3A_245 {strides = array<i32>} : memref<80x128xi32, #tpu.memory_space<vmem>>, vector<16xi32>,
        %get3A_249 = arith.index_cast %scan3A_173 : i32 to index
        %get3A_250 = arith.constant 96 : index
        %get3A_251 = tpu.vector_load %arg10[%get3A_249, %get3A_250] {strides = array<i32>} : memref<80x128xi32, #tpu.memory_space<vmem>>, vector<16xi32>,
        %bitcast3A_252 = vector.bitcast %get3A_251 : vector<16xi32> to vector<32xbf16>
        %get3A_253 = arith.index_cast %scan3A_173 : i32 to index
        %get3A_254 = arith.constant 96 : index
        %get3A_255 = tpu.vector_load %arg14[%get3A_253, %get3A_254] {strides = array<i32>} : memref<80x128xi32, #tpu.memory_space<vmem>>, vector<16xi32>,
        %bitcast3A_256 = vector.bitcast %get3A_255 : vector<16xi32> to vector<32xbf16>
        %add3A_257 = arith.addf %bitcast3A_252, %bitcast3A_256 : vector<32xbf16>
        %bitcast3A_258 = vector.bitcast %add3A_257 : vector<32xbf16> to vector<16xi32>
        %swap3A_259 = arith.index_cast %scan3A_173 : i32 to index
        %swap3A_260 = arith.constant 96 : index
        %swap3A_261 = tpu.vector_load %arg10[%swap3A_259, %swap3A_260] {strides = array<i32>} : memref<80x128xi32, #tpu.memory_space<vmem>>, vector<16xi32>,
        tpu.vector_store %arg10[%swap3A_259, %swap3A_260], %bitcast3A_258 {strides = array<i32>} : memref<80x128xi32, #tpu.memory_space<vmem>>, vector<16xi32>,
        %get3A_262 = arith.index_cast %scan3A_173 : i32 to index
        %get3A_263 = arith.constant 112 : index
        %get3A_264 = tpu.vector_load %arg10[%get3A_262, %get3A_263] {strides = array<i32>} : memref<80x128xi32, #tpu.memory_space<vmem>>, vector<16xi32>,
        %bitcast3A_265 = vector.bitcast %get3A_264 : vector<16xi32> to vector<32xbf16>
        %get3A_266 = arith.index_cast %scan3A_173 : i32 to index
        %get3A_267 = arith.constant 112 : index
        %get3A_268 = tpu.vector_load %arg14[%get3A_266, %get3A_267] {strides = array<i32>} : memref<80x128xi32, #tpu.memory_space<vmem>>, vector<16xi32>,
        %bitcast3A_269 = vector.bitcast %get3A_268 : vector<16xi32> to vector<32xbf16>
        %add3A_270 = arith.addf %bitcast3A_265, %bitcast3A_269 : vector<32xbf16>
        %bitcast3A_271 = vector.bitcast %add3A_270 : vector<32xbf16> to vector<16xi32>
        %swap3A_272 = arith.index_cast %scan3A_173 : i32 to index
        %swap3A_273 = arith.constant 112 : index
        %swap3A_274 = tpu.vector_load %arg10[%swap3A_272, %swap3A_273] {strides = array<i32>} : memref<80x128xi32, #tpu.memory_space<vmem>>, vector<16xi32>,
        tpu.vector_store %arg10[%swap3A_272, %swap3A_273], %bitcast3A_271 {strides = array<i32>} : memref<80x128xi32, #tpu.memory_space<vmem>>, vector<16xi32>,
      }
      %scan3A_109 = arith.constant 80 : i32
      %mul3A_110 = arith.constant 80 : i32
      %mul3A_111 = arith.muli %add3A_84, %mul3A_110 : i32
      %add3A_112 = arith.addi %mul3A_2, %mul3A_111 : i32
      "tpu.region"() ({
        %run_scoped3A = tpu.sem_alloc : memref<!tpu.dma_semaphore, #tpu.memory_space<semaphore_mem>>
        %dma_start3A_173 = arith.constant 0 : i32
        %dma_start3A_174 = tpu.memref_slice %arg6[%add3A_112, %dma_start3A_173] : memref<320000x128xi32, #tpu.memory_space<hbm>> -> memref<80x128xi32, #tpu.memory_space<hbm>>
        %dma_start3A_175 = arith.constant 0 : i32
        %dma_start3A_176 = tpu.memref_slice %arg6[%add3A_112, %dma_start3A_175] : memref<320000x128xi32, #tpu.memory_space<hbm>> -> memref<80x128xi32, #tpu.memory_space<hbm>>
        tpu.enqueue_dma source(%arg10 : memref<80x128xi32, #tpu.memory_space<vmem>>) target(%dma_start3A_176 : memref<80x128xi32, #tpu.memory_space<hbm>>) target_semaphore(%run_scoped3A : memref<!tpu.dma_semaphore, #tpu.memory_space<semaphore_mem>>)
        %dma_wait3A_177 = arith.constant 0 : i32
        %dma_wait3A_178 = tpu.memref_slice %arg6[%add3A_112, %dma_wait3A_177] : memref<320000x128xi32, #tpu.memory_space<hbm>> -> memref<80x128xi32, #tpu.memory_space<hbm>>
        %dma_wait3A_179 = arith.constant 0 : i32
        %dma_wait3A_180 = tpu.memref_slice %arg6[%add3A_112, %dma_wait3A_179] : memref<320000x128xi32, #tpu.memory_space<hbm>> -> memref<80x128xi32, #tpu.memory_space<hbm>>
        tpu.wait_dma2 semaphore(%run_scoped3A : memref<!tpu.dma_semaphore, #tpu.memory_space<semaphore_mem>>) src(%arg10 : memref<80x128xi32, #tpu.memory_space<vmem>>) dst(%dma_wait3A_180 : memref<80x128xi32, #tpu.memory_space<hbm>>)
        tpu.yield
      }) : () -> ()
      %add3A_113 = arith.constant 2 : i32
      %add3A_114 = arith.addi %mul3A_56, %add3A_113 : i32
      %add3A_115 = arith.constant 4 : i32
      %add3A_116 = arith.addi %add3A_114, %add3A_115 : i32
      %sub3A_117 = arith.constant 1 : i32
      %sub3A_118 = arith.subi %add3A_116, %sub3A_117 : i32
      %lt3A_119 = arith.constant 125 : i32
      %lt3A_120 = arith.cmpi slt, %sub3A_118, %lt3A_119 : i32
      %convert_element_type3A_121 = arith.extui %lt3A_120 : i1 to i32
      %cond3A_122 = arith.constant 0 : i32
      %cond3A_123 = arith.cmpi ne, %convert_element_type3A_121, %cond3A_122 : i32
      scf.if %cond3A_123 {
        %add3A_173 = arith.constant 4 : i32
        %add3A_174 = arith.addi %add3A_114, %add3A_173 : i32
        %sub3A_175 = arith.constant 1 : i32
        %sub3A_176 = arith.subi %add3A_174, %sub3A_175 : i32
        %mul3A_177 = arith.constant 80 : i32
        %mul3A_178 = arith.muli %sub3A_176, %mul3A_177 : i32
        %dma_start3A_179 = tpu.memref_slice %arg7[%mul3A_178] : memref<10000xi32, #tpu.memory_space<vmem>> -> memref<80xi32, #tpu.memory_space<vmem>>
        %dma_start3A_180 = arith.constant 0 : i32
        %dma_start3A_181 = arith.constant 0 : i32
        %dma_start3A_182 = tpu.memref_slice %arg4[%dma_start3A_180, %dma_start3A_181] : memref<10000x128xi32, #tpu.memory_space<hbm>> -> memref<10000x128xi32, #tpu.memory_space<hbm>>
        tpu.enqueue_indirect_dma source(%dma_start3A_182 : memref<10000x128xi32, #tpu.memory_space<hbm>>) target(%arg10 : memref<80x128xi32, #tpu.memory_space<vmem>>) offsets(%dma_start3A_179 : memref<80xi32, #tpu.memory_space<vmem>>) semaphore(%arg18 : memref<!tpu.dma_semaphore, #tpu.memory_space<semaphore_mem>>)
        %dma_start3A_183 = tpu.memref_slice %arg8[%mul3A_178] : memref<10000xi32, #tpu.memory_space<vmem>> -> memref<80xi32, #tpu.memory_space<vmem>>
        %dma_start3A_184 = arith.constant 0 : i32
        %dma_start3A_185 = arith.constant 0 : i32
        %dma_start3A_186 = tpu.memref_slice %arg5[%dma_start3A_184, %dma_start3A_185] : memref<10000x128xi32, #tpu.memory_space<hbm>> -> memref<10000x128xi32, #tpu.memory_space<hbm>>
        tpu.enqueue_indirect_dma source(%dma_start3A_186 : memref<10000x128xi32, #tpu.memory_space<hbm>>) target(%arg14 : memref<80x128xi32, #tpu.memory_space<vmem>>) offsets(%dma_start3A_183 : memref<80xi32, #tpu.memory_space<vmem>>) semaphore(%arg22 : memref<!tpu.dma_semaphore, #tpu.memory_space<semaphore_mem>>)
      } else {
      }
      %dma_wait3A_124 = arith.constant 0 : i32
      %dma_wait3A_125 = tpu.memref_slice %arg7[%dma_wait3A_124] : memref<10000xi32, #tpu.memory_space<vmem>> -> memref<80xi32, #tpu.memory_space<vmem>>
      %dma_wait3A_126 = arith.constant 0 : i32
      %dma_wait3A_127 = arith.constant 0 : i32
      %dma_wait3A_128 = tpu.memref_slice %arg4[%dma_wait3A_126, %dma_wait3A_127] : memref<10000x128xi32, #tpu.memory_space<hbm>> -> memref<10000x128xi32, #tpu.memory_space<hbm>>
      tpu.wait_indirect_dma semaphore(%arg19 : memref<!tpu.dma_semaphore, #tpu.memory_space<semaphore_mem>>) src(%dma_wait3A_128 : memref<10000x128xi32, #tpu.memory_space<hbm>>) dst(%arg11 : memref<80x128xi32, #tpu.memory_space<vmem>>)
      %dma_wait3A_129 = arith.constant 0 : i32
      %dma_wait3A_130 = tpu.memref_slice %arg8[%dma_wait3A_129] : memref<10000xi32, #tpu.memory_space<vmem>> -> memref<80xi32, #tpu.memory_space<vmem>>
      %dma_wait3A_131 = arith.constant 0 : i32
      %dma_wait3A_132 = arith.constant 0 : i32
      %dma_wait3A_133 = tpu.memref_slice %arg5[%dma_wait3A_131, %dma_wait3A_132] : memref<10000x128xi32, #tpu.memory_space<hbm>> -> memref<10000x128xi32, #tpu.memory_space<hbm>>
      tpu.wait_indirect_dma semaphore(%arg23 : memref<!tpu.dma_semaphore, #tpu.memory_space<semaphore_mem>>) src(%dma_wait3A_133 : memref<10000x128xi32, #tpu.memory_space<hbm>>) dst(%arg15 : memref<80x128xi32, #tpu.memory_space<vmem>>)
      %scan3A_134 = arith.constant 0 : i32
      %scan3A_135 = arith.constant 0 : i32
      %scan3A_136 = arith.constant 80 : i32
      %scan3A_137 = arith.addi %scan3A_135, %scan3A_136 : i32
      %scan3A_138 = arith.constant 1 : i32
      scf.for %scan3A_173 = %scan3A_135 to %scan3A_137 step %scan3A_138  : i32 {
        %get3A = arith.index_cast %scan3A_173 : i32 to index
        %get3A_174 = arith.constant 0 : index
        %get3A_175 = tpu.vector_load %arg11[%get3A, %get3A_174] {strides = array<i32>} : memref<80x128xi32, #tpu.memory_space<vmem>>, vector<16xi32>,
        %bitcast3A = vector.bitcast %get3A_175 : vector<16xi32> to vector<32xbf16>
        %get3A_176 = arith.index_cast %scan3A_173 : i32 to index
        %get3A_177 = arith.constant 0 : index
        %get3A_178 = tpu.vector_load %arg15[%get3A_176, %get3A_177] {strides = array<i32>} : memref<80x128xi32, #tpu.memory_space<vmem>>, vector<16xi32>,
        %bitcast3A_179 = vector.bitcast %get3A_178 : vector<16xi32> to vector<32xbf16>
        %add3A_180 = arith.addf %bitcast3A, %bitcast3A_179 : vector<32xbf16>
        %bitcast3A_181 = vector.bitcast %add3A_180 : vector<32xbf16> to vector<16xi32>
        %swap3A = arith.index_cast %scan3A_173 : i32 to index
        %swap3A_182 = arith.constant 0 : index
        %swap3A_183 = tpu.vector_load %arg11[%swap3A, %swap3A_182] {strides = array<i32>} : memref<80x128xi32, #tpu.memory_space<vmem>>, vector<16xi32>,
        tpu.vector_store %arg11[%swap3A, %swap3A_182], %bitcast3A_181 {strides = array<i32>} : memref<80x128xi32, #tpu.memory_space<vmem>>, vector<16xi32>,
        %get3A_184 = arith.index_cast %scan3A_173 : i32 to index
        %get3A_185 = arith.constant 16 : index
        %get3A_186 = tpu.vector_load %arg11[%get3A_184, %get3A_185] {strides = array<i32>} : memref<80x128xi32, #tpu.memory_space<vmem>>, vector<16xi32>,
        %bitcast3A_187 = vector.bitcast %get3A_186 : vector<16xi32> to vector<32xbf16>
        %get3A_188 = arith.index_cast %scan3A_173 : i32 to index
        %get3A_189 = arith.constant 16 : index
        %get3A_190 = tpu.vector_load %arg15[%get3A_188, %get3A_189] {strides = array<i32>} : memref<80x128xi32, #tpu.memory_space<vmem>>, vector<16xi32>,
        %bitcast3A_191 = vector.bitcast %get3A_190 : vector<16xi32> to vector<32xbf16>
        %add3A_192 = arith.addf %bitcast3A_187, %bitcast3A_191 : vector<32xbf16>
        %bitcast3A_193 = vector.bitcast %add3A_192 : vector<32xbf16> to vector<16xi32>
        %swap3A_194 = arith.index_cast %scan3A_173 : i32 to index
        %swap3A_195 = arith.constant 16 : index
        %swap3A_196 = tpu.vector_load %arg11[%swap3A_194, %swap3A_195] {strides = array<i32>} : memref<80x128xi32, #tpu.memory_space<vmem>>, vector<16xi32>,
        tpu.vector_store %arg11[%swap3A_194, %swap3A_195], %bitcast3A_193 {strides = array<i32>} : memref<80x128xi32, #tpu.memory_space<vmem>>, vector<16xi32>,
        %get3A_197 = arith.index_cast %scan3A_173 : i32 to index
        %get3A_198 = arith.constant 32 : index
        %get3A_199 = tpu.vector_load %arg11[%get3A_197, %get3A_198] {strides = array<i32>} : memref<80x128xi32, #tpu.memory_space<vmem>>, vector<16xi32>,
        %bitcast3A_200 = vector.bitcast %get3A_199 : vector<16xi32> to vector<32xbf16>
        %get3A_201 = arith.index_cast %scan3A_173 : i32 to index
        %get3A_202 = arith.constant 32 : index
        %get3A_203 = tpu.vector_load %arg15[%get3A_201, %get3A_202] {strides = array<i32>} : memref<80x128xi32, #tpu.memory_space<vmem>>, vector<16xi32>,
        %bitcast3A_204 = vector.bitcast %get3A_203 : vector<16xi32> to vector<32xbf16>
        %add3A_205 = arith.addf %bitcast3A_200, %bitcast3A_204 : vector<32xbf16>
        %bitcast3A_206 = vector.bitcast %add3A_205 : vector<32xbf16> to vector<16xi32>
        %swap3A_207 = arith.index_cast %scan3A_173 : i32 to index
        %swap3A_208 = arith.constant 32 : index
        %swap3A_209 = tpu.vector_load %arg11[%swap3A_207, %swap3A_208] {strides = array<i32>} : memref<80x128xi32, #tpu.memory_space<vmem>>, vector<16xi32>,
        tpu.vector_store %arg11[%swap3A_207, %swap3A_208], %bitcast3A_206 {strides = array<i32>} : memref<80x128xi32, #tpu.memory_space<vmem>>, vector<16xi32>,
        %get3A_210 = arith.index_cast %scan3A_173 : i32 to index
        %get3A_211 = arith.constant 48 : index
        %get3A_212 = tpu.vector_load %arg11[%get3A_210, %get3A_211] {strides = array<i32>} : memref<80x128xi32, #tpu.memory_space<vmem>>, vector<16xi32>,
        %bitcast3A_213 = vector.bitcast %get3A_212 : vector<16xi32> to vector<32xbf16>
        %get3A_214 = arith.index_cast %scan3A_173 : i32 to index
        %get3A_215 = arith.constant 48 : index
        %get3A_216 = tpu.vector_load %arg15[%get3A_214, %get3A_215] {strides = array<i32>} : memref<80x128xi32, #tpu.memory_space<vmem>>, vector<16xi32>,
        %bitcast3A_217 = vector.bitcast %get3A_216 : vector<16xi32> to vector<32xbf16>
        %add3A_218 = arith.addf %bitcast3A_213, %bitcast3A_217 : vector<32xbf16>
        %bitcast3A_219 = vector.bitcast %add3A_218 : vector<32xbf16> to vector<16xi32>
        %swap3A_220 = arith.index_cast %scan3A_173 : i32 to index
        %swap3A_221 = arith.constant 48 : index
        %swap3A_222 = tpu.vector_load %arg11[%swap3A_220, %swap3A_221] {strides = array<i32>} : memref<80x128xi32, #tpu.memory_space<vmem>>, vector<16xi32>,
        tpu.vector_store %arg11[%swap3A_220, %swap3A_221], %bitcast3A_219 {strides = array<i32>} : memref<80x128xi32, #tpu.memory_space<vmem>>, vector<16xi32>,
        %get3A_223 = arith.index_cast %scan3A_173 : i32 to index
        %get3A_224 = arith.constant 64 : index
        %get3A_225 = tpu.vector_load %arg11[%get3A_223, %get3A_224] {strides = array<i32>} : memref<80x128xi32, #tpu.memory_space<vmem>>, vector<16xi32>,
        %bitcast3A_226 = vector.bitcast %get3A_225 : vector<16xi32> to vector<32xbf16>
        %get3A_227 = arith.index_cast %scan3A_173 : i32 to index
        %get3A_228 = arith.constant 64 : index
        %get3A_229 = tpu.vector_load %arg15[%get3A_227, %get3A_228] {strides = array<i32>} : memref<80x128xi32, #tpu.memory_space<vmem>>, vector<16xi32>,
        %bitcast3A_230 = vector.bitcast %get3A_229 : vector<16xi32> to vector<32xbf16>
        %add3A_231 = arith.addf %bitcast3A_226, %bitcast3A_230 : vector<32xbf16>
        %bitcast3A_232 = vector.bitcast %add3A_231 : vector<32xbf16> to vector<16xi32>
        %swap3A_233 = arith.index_cast %scan3A_173 : i32 to index
        %swap3A_234 = arith.constant 64 : index
        %swap3A_235 = tpu.vector_load %arg11[%swap3A_233, %swap3A_234] {strides = array<i32>} : memref<80x128xi32, #tpu.memory_space<vmem>>, vector<16xi32>,
        tpu.vector_store %arg11[%swap3A_233, %swap3A_234], %bitcast3A_232 {strides = array<i32>} : memref<80x128xi32, #tpu.memory_space<vmem>>, vector<16xi32>,
        %get3A_236 = arith.index_cast %scan3A_173 : i32 to index
        %get3A_237 = arith.constant 80 : index
        %get3A_238 = tpu.vector_load %arg11[%get3A_236, %get3A_237] {strides = array<i32>} : memref<80x128xi32, #tpu.memory_space<vmem>>, vector<16xi32>,
        %bitcast3A_239 = vector.bitcast %get3A_238 : vector<16xi32> to vector<32xbf16>
        %get3A_240 = arith.index_cast %scan3A_173 : i32 to index
        %get3A_241 = arith.constant 80 : index
        %get3A_242 = tpu.vector_load %arg15[%get3A_240, %get3A_241] {strides = array<i32>} : memref<80x128xi32, #tpu.memory_space<vmem>>, vector<16xi32>,
        %bitcast3A_243 = vector.bitcast %get3A_242 : vector<16xi32> to vector<32xbf16>
        %add3A_244 = arith.addf %bitcast3A_239, %bitcast3A_243 : vector<32xbf16>
        %bitcast3A_245 = vector.bitcast %add3A_244 : vector<32xbf16> to vector<16xi32>
        %swap3A_246 = arith.index_cast %scan3A_173 : i32 to index
        %swap3A_247 = arith.constant 80 : index
        %swap3A_248 = tpu.vector_load %arg11[%swap3A_246, %swap3A_247] {strides = array<i32>} : memref<80x128xi32, #tpu.memory_space<vmem>>, vector<16xi32>,
        tpu.vector_store %arg11[%swap3A_246, %swap3A_247], %bitcast3A_245 {strides = array<i32>} : memref<80x128xi32, #tpu.memory_space<vmem>>, vector<16xi32>,
        %get3A_249 = arith.index_cast %scan3A_173 : i32 to index
        %get3A_250 = arith.constant 96 : index
        %get3A_251 = tpu.vector_load %arg11[%get3A_249, %get3A_250] {strides = array<i32>} : memref<80x128xi32, #tpu.memory_space<vmem>>, vector<16xi32>,
        %bitcast3A_252 = vector.bitcast %get3A_251 : vector<16xi32> to vector<32xbf16>
        %get3A_253 = arith.index_cast %scan3A_173 : i32 to index
        %get3A_254 = arith.constant 96 : index
        %get3A_255 = tpu.vector_load %arg15[%get3A_253, %get3A_254] {strides = array<i32>} : memref<80x128xi32, #tpu.memory_space<vmem>>, vector<16xi32>,
        %bitcast3A_256 = vector.bitcast %get3A_255 : vector<16xi32> to vector<32xbf16>
        %add3A_257 = arith.addf %bitcast3A_252, %bitcast3A_256 : vector<32xbf16>
        %bitcast3A_258 = vector.bitcast %add3A_257 : vector<32xbf16> to vector<16xi32>
        %swap3A_259 = arith.index_cast %scan3A_173 : i32 to index
        %swap3A_260 = arith.constant 96 : index
        %swap3A_261 = tpu.vector_load %arg11[%swap3A_259, %swap3A_260] {strides = array<i32>} : memref<80x128xi32, #tpu.memory_space<vmem>>, vector<16xi32>,
        tpu.vector_store %arg11[%swap3A_259, %swap3A_260], %bitcast3A_258 {strides = array<i32>} : memref<80x128xi32, #tpu.memory_space<vmem>>, vector<16xi32>,
        %get3A_262 = arith.index_cast %scan3A_173 : i32 to index
        %get3A_263 = arith.constant 112 : index
        %get3A_264 = tpu.vector_load %arg11[%get3A_262, %get3A_263] {strides = array<i32>} : memref<80x128xi32, #tpu.memory_space<vmem>>, vector<16xi32>,
        %bitcast3A_265 = vector.bitcast %get3A_264 : vector<16xi32> to vector<32xbf16>
        %get3A_266 = arith.index_cast %scan3A_173 : i32 to index
        %get3A_267 = arith.constant 112 : index
        %get3A_268 = tpu.vector_load %arg15[%get3A_266, %get3A_267] {strides = array<i32>} : memref<80x128xi32, #tpu.memory_space<vmem>>, vector<16xi32>,
        %bitcast3A_269 = vector.bitcast %get3A_268 : vector<16xi32> to vector<32xbf16>
        %add3A_270 = arith.addf %bitcast3A_265, %bitcast3A_269 : vector<32xbf16>
        %bitcast3A_271 = vector.bitcast %add3A_270 : vector<32xbf16> to vector<16xi32>
        %swap3A_272 = arith.index_cast %scan3A_173 : i32 to index
        %swap3A_273 = arith.constant 112 : index
        %swap3A_274 = tpu.vector_load %arg11[%swap3A_272, %swap3A_273] {strides = array<i32>} : memref<80x128xi32, #tpu.memory_space<vmem>>, vector<16xi32>,
        tpu.vector_store %arg11[%swap3A_272, %swap3A_273], %bitcast3A_271 {strides = array<i32>} : memref<80x128xi32, #tpu.memory_space<vmem>>, vector<16xi32>,
      }
      %scan3A_139 = arith.constant 80 : i32
      %mul3A_140 = arith.constant 80 : i32
      %mul3A_141 = arith.muli %add3A_114, %mul3A_140 : i32
      %add3A_142 = arith.addi %mul3A_2, %mul3A_141 : i32
      "tpu.region"() ({
        %run_scoped3A = tpu.sem_alloc : memref<!tpu.dma_semaphore, #tpu.memory_space<semaphore_mem>>
        %dma_start3A_173 = arith.constant 0 : i32
        %dma_start3A_174 = tpu.memref_slice %arg6[%add3A_142, %dma_start3A_173] : memref<320000x128xi32, #tpu.memory_space<hbm>> -> memref<80x128xi32, #tpu.memory_space<hbm>>
        %dma_start3A_175 = arith.constant 0 : i32
        %dma_start3A_176 = tpu.memref_slice %arg6[%add3A_142, %dma_start3A_175] : memref<320000x128xi32, #tpu.memory_space<hbm>> -> memref<80x128xi32, #tpu.memory_space<hbm>>
        tpu.enqueue_dma source(%arg11 : memref<80x128xi32, #tpu.memory_space<vmem>>) target(%dma_start3A_176 : memref<80x128xi32, #tpu.memory_space<hbm>>) target_semaphore(%run_scoped3A : memref<!tpu.dma_semaphore, #tpu.memory_space<semaphore_mem>>)
        %dma_wait3A_177 = arith.constant 0 : i32
        %dma_wait3A_178 = tpu.memref_slice %arg6[%add3A_142, %dma_wait3A_177] : memref<320000x128xi32, #tpu.memory_space<hbm>> -> memref<80x128xi32, #tpu.memory_space<hbm>>
        %dma_wait3A_179 = arith.constant 0 : i32
        %dma_wait3A_180 = tpu.memref_slice %arg6[%add3A_142, %dma_wait3A_179] : memref<320000x128xi32, #tpu.memory_space<hbm>> -> memref<80x128xi32, #tpu.memory_space<hbm>>
        tpu.wait_dma2 semaphore(%run_scoped3A : memref<!tpu.dma_semaphore, #tpu.memory_space<semaphore_mem>>) src(%arg11 : memref<80x128xi32, #tpu.memory_space<vmem>>) dst(%dma_wait3A_180 : memref<80x128xi32, #tpu.memory_space<hbm>>)
        tpu.yield
      }) : () -> ()
      %add3A_143 = arith.constant 3 : i32
      %add3A_144 = arith.addi %mul3A_56, %add3A_143 : i32
      %add3A_145 = arith.constant 4 : i32
      %add3A_146 = arith.addi %add3A_144, %add3A_145 : i32
      %sub3A_147 = arith.constant 1 : i32
      %sub3A_148 = arith.subi %add3A_146, %sub3A_147 : i32
      %lt3A_149 = arith.constant 125 : i32
      %lt3A_150 = arith.cmpi slt, %sub3A_148, %lt3A_149 : i32
      %convert_element_type3A_151 = arith.extui %lt3A_150 : i1 to i32
      %cond3A_152 = arith.constant 0 : i32
      %cond3A_153 = arith.cmpi ne, %convert_element_type3A_151, %cond3A_152 : i32
      scf.if %cond3A_153 {
        %add3A_173 = arith.constant 4 : i32
        %add3A_174 = arith.addi %add3A_144, %add3A_173 : i32
        %sub3A_175 = arith.constant 1 : i32
        %sub3A_176 = arith.subi %add3A_174, %sub3A_175 : i32
        %mul3A_177 = arith.constant 80 : i32
        %mul3A_178 = arith.muli %sub3A_176, %mul3A_177 : i32
        %dma_start3A_179 = tpu.memref_slice %arg7[%mul3A_178] : memref<10000xi32, #tpu.memory_space<vmem>> -> memref<80xi32, #tpu.memory_space<vmem>>
        %dma_start3A_180 = arith.constant 0 : i32
        %dma_start3A_181 = arith.constant 0 : i32
        %dma_start3A_182 = tpu.memref_slice %arg4[%dma_start3A_180, %dma_start3A_181] : memref<10000x128xi32, #tpu.memory_space<hbm>> -> memref<10000x128xi32, #tpu.memory_space<hbm>>
        tpu.enqueue_indirect_dma source(%dma_start3A_182 : memref<10000x128xi32, #tpu.memory_space<hbm>>) target(%arg11 : memref<80x128xi32, #tpu.memory_space<vmem>>) offsets(%dma_start3A_179 : memref<80xi32, #tpu.memory_space<vmem>>) semaphore(%arg19 : memref<!tpu.dma_semaphore, #tpu.memory_space<semaphore_mem>>)
        %dma_start3A_183 = tpu.memref_slice %arg8[%mul3A_178] : memref<10000xi32, #tpu.memory_space<vmem>> -> memref<80xi32, #tpu.memory_space<vmem>>
        %dma_start3A_184 = arith.constant 0 : i32
        %dma_start3A_185 = arith.constant 0 : i32
        %dma_start3A_186 = tpu.memref_slice %arg5[%dma_start3A_184, %dma_start3A_185] : memref<10000x128xi32, #tpu.memory_space<hbm>> -> memref<10000x128xi32, #tpu.memory_space<hbm>>
        tpu.enqueue_indirect_dma source(%dma_start3A_186 : memref<10000x128xi32, #tpu.memory_space<hbm>>) target(%arg15 : memref<80x128xi32, #tpu.memory_space<vmem>>) offsets(%dma_start3A_183 : memref<80xi32, #tpu.memory_space<vmem>>) semaphore(%arg23 : memref<!tpu.dma_semaphore, #tpu.memory_space<semaphore_mem>>)
      } else {
      }
      %dma_wait3A_154 = arith.constant 0 : i32
      %dma_wait3A_155 = tpu.memref_slice %arg7[%dma_wait3A_154] : memref<10000xi32, #tpu.memory_space<vmem>> -> memref<80xi32, #tpu.memory_space<vmem>>
      %dma_wait3A_156 = arith.constant 0 : i32
      %dma_wait3A_157 = arith.constant 0 : i32
      %dma_wait3A_158 = tpu.memref_slice %arg4[%dma_wait3A_156, %dma_wait3A_157] : memref<10000x128xi32, #tpu.memory_space<hbm>> -> memref<10000x128xi32, #tpu.memory_space<hbm>>
      tpu.wait_indirect_dma semaphore(%arg20 : memref<!tpu.dma_semaphore, #tpu.memory_space<semaphore_mem>>) src(%dma_wait3A_158 : memref<10000x128xi32, #tpu.memory_space<hbm>>) dst(%arg12 : memref<80x128xi32, #tpu.memory_space<vmem>>)
      %dma_wait3A_159 = arith.constant 0 : i32
      %dma_wait3A_160 = tpu.memref_slice %arg8[%dma_wait3A_159] : memref<10000xi32, #tpu.memory_space<vmem>> -> memref<80xi32, #tpu.memory_space<vmem>>
      %dma_wait3A_161 = arith.constant 0 : i32
      %dma_wait3A_162 = arith.constant 0 : i32
      %dma_wait3A_163 = tpu.memref_slice %arg5[%dma_wait3A_161, %dma_wait3A_162] : memref<10000x128xi32, #tpu.memory_space<hbm>> -> memref<10000x128xi32, #tpu.memory_space<hbm>>
      tpu.wait_indirect_dma semaphore(%arg24 : memref<!tpu.dma_semaphore, #tpu.memory_space<semaphore_mem>>) src(%dma_wait3A_163 : memref<10000x128xi32, #tpu.memory_space<hbm>>) dst(%arg16 : memref<80x128xi32, #tpu.memory_space<vmem>>)
      %scan3A_164 = arith.constant 0 : i32
      %scan3A_165 = arith.constant 0 : i32
      %scan3A_166 = arith.constant 80 : i32
      %scan3A_167 = arith.addi %scan3A_165, %scan3A_166 : i32
      %scan3A_168 = arith.constant 1 : i32
      scf.for %scan3A_173 = %scan3A_165 to %scan3A_167 step %scan3A_168  : i32 {
        %get3A = arith.index_cast %scan3A_173 : i32 to index
        %get3A_174 = arith.constant 0 : index
        %get3A_175 = tpu.vector_load %arg12[%get3A, %get3A_174] {strides = array<i32>} : memref<80x128xi32, #tpu.memory_space<vmem>>, vector<16xi32>,
        %bitcast3A = vector.bitcast %get3A_175 : vector<16xi32> to vector<32xbf16>
        %get3A_176 = arith.index_cast %scan3A_173 : i32 to index
        %get3A_177 = arith.constant 0 : index
        %get3A_178 = tpu.vector_load %arg16[%get3A_176, %get3A_177] {strides = array<i32>} : memref<80x128xi32, #tpu.memory_space<vmem>>, vector<16xi32>,
        %bitcast3A_179 = vector.bitcast %get3A_178 : vector<16xi32> to vector<32xbf16>
        %add3A_180 = arith.addf %bitcast3A, %bitcast3A_179 : vector<32xbf16>
        %bitcast3A_181 = vector.bitcast %add3A_180 : vector<32xbf16> to vector<16xi32>
        %swap3A = arith.index_cast %scan3A_173 : i32 to index
        %swap3A_182 = arith.constant 0 : index
        %swap3A_183 = tpu.vector_load %arg12[%swap3A, %swap3A_182] {strides = array<i32>} : memref<80x128xi32, #tpu.memory_space<vmem>>, vector<16xi32>,
        tpu.vector_store %arg12[%swap3A, %swap3A_182], %bitcast3A_181 {strides = array<i32>} : memref<80x128xi32, #tpu.memory_space<vmem>>, vector<16xi32>,
        %get3A_184 = arith.index_cast %scan3A_173 : i32 to index
        %get3A_185 = arith.constant 16 : index
        %get3A_186 = tpu.vector_load %arg12[%get3A_184, %get3A_185] {strides = array<i32>} : memref<80x128xi32, #tpu.memory_space<vmem>>, vector<16xi32>,
        %bitcast3A_187 = vector.bitcast %get3A_186 : vector<16xi32> to vector<32xbf16>
        %get3A_188 = arith.index_cast %scan3A_173 : i32 to index
        %get3A_189 = arith.constant 16 : index
        %get3A_190 = tpu.vector_load %arg16[%get3A_188, %get3A_189] {strides = array<i32>} : memref<80x128xi32, #tpu.memory_space<vmem>>, vector<16xi32>,
        %bitcast3A_191 = vector.bitcast %get3A_190 : vector<16xi32> to vector<32xbf16>
        %add3A_192 = arith.addf %bitcast3A_187, %bitcast3A_191 : vector<32xbf16>
        %bitcast3A_193 = vector.bitcast %add3A_192 : vector<32xbf16> to vector<16xi32>
        %swap3A_194 = arith.index_cast %scan3A_173 : i32 to index
        %swap3A_195 = arith.constant 16 : index
        %swap3A_196 = tpu.vector_load %arg12[%swap3A_194, %swap3A_195] {strides = array<i32>} : memref<80x128xi32, #tpu.memory_space<vmem>>, vector<16xi32>,
        tpu.vector_store %arg12[%swap3A_194, %swap3A_195], %bitcast3A_193 {strides = array<i32>} : memref<80x128xi32, #tpu.memory_space<vmem>>, vector<16xi32>,
        %get3A_197 = arith.index_cast %scan3A_173 : i32 to index
        %get3A_198 = arith.constant 32 : index
        %get3A_199 = tpu.vector_load %arg12[%get3A_197, %get3A_198] {strides = array<i32>} : memref<80x128xi32, #tpu.memory_space<vmem>>, vector<16xi32>,
        %bitcast3A_200 = vector.bitcast %get3A_199 : vector<16xi32> to vector<32xbf16>
        %get3A_201 = arith.index_cast %scan3A_173 : i32 to index
        %get3A_202 = arith.constant 32 : index
        %get3A_203 = tpu.vector_load %arg16[%get3A_201, %get3A_202] {strides = array<i32>} : memref<80x128xi32, #tpu.memory_space<vmem>>, vector<16xi32>,
        %bitcast3A_204 = vector.bitcast %get3A_203 : vector<16xi32> to vector<32xbf16>
        %add3A_205 = arith.addf %bitcast3A_200, %bitcast3A_204 : vector<32xbf16>
        %bitcast3A_206 = vector.bitcast %add3A_205 : vector<32xbf16> to vector<16xi32>
        %swap3A_207 = arith.index_cast %scan3A_173 : i32 to index
        %swap3A_208 = arith.constant 32 : index
        %swap3A_209 = tpu.vector_load %arg12[%swap3A_207, %swap3A_208] {strides = array<i32>} : memref<80x128xi32, #tpu.memory_space<vmem>>, vector<16xi32>,
        tpu.vector_store %arg12[%swap3A_207, %swap3A_208], %bitcast3A_206 {strides = array<i32>} : memref<80x128xi32, #tpu.memory_space<vmem>>, vector<16xi32>,
        %get3A_210 = arith.index_cast %scan3A_173 : i32 to index
        %get3A_211 = arith.constant 48 : index
        %get3A_212 = tpu.vector_load %arg12[%get3A_210, %get3A_211] {strides = array<i32>} : memref<80x128xi32, #tpu.memory_space<vmem>>, vector<16xi32>,
        %bitcast3A_213 = vector.bitcast %get3A_212 : vector<16xi32> to vector<32xbf16>
        %get3A_214 = arith.index_cast %scan3A_173 : i32 to index
        %get3A_215 = arith.constant 48 : index
        %get3A_216 = tpu.vector_load %arg16[%get3A_214, %get3A_215] {strides = array<i32>} : memref<80x128xi32, #tpu.memory_space<vmem>>, vector<16xi32>,
        %bitcast3A_217 = vector.bitcast %get3A_216 : vector<16xi32> to vector<32xbf16>
        %add3A_218 = arith.addf %bitcast3A_213, %bitcast3A_217 : vector<32xbf16>
        %bitcast3A_219 = vector.bitcast %add3A_218 : vector<32xbf16> to vector<16xi32>
        %swap3A_220 = arith.index_cast %scan3A_173 : i32 to index
        %swap3A_221 = arith.constant 48 : index
        %swap3A_222 = tpu.vector_load %arg12[%swap3A_220, %swap3A_221] {strides = array<i32>} : memref<80x128xi32, #tpu.memory_space<vmem>>, vector<16xi32>,
        tpu.vector_store %arg12[%swap3A_220, %swap3A_221], %bitcast3A_219 {strides = array<i32>} : memref<80x128xi32, #tpu.memory_space<vmem>>, vector<16xi32>,
        %get3A_223 = arith.index_cast %scan3A_173 : i32 to index
        %get3A_224 = arith.constant 64 : index
        %get3A_225 = tpu.vector_load %arg12[%get3A_223, %get3A_224] {strides = array<i32>} : memref<80x128xi32, #tpu.memory_space<vmem>>, vector<16xi32>,
        %bitcast3A_226 = vector.bitcast %get3A_225 : vector<16xi32> to vector<32xbf16>
        %get3A_227 = arith.index_cast %scan3A_173 : i32 to index
        %get3A_228 = arith.constant 64 : index
        %get3A_229 = tpu.vector_load %arg16[%get3A_227, %get3A_228] {strides = array<i32>} : memref<80x128xi32, #tpu.memory_space<vmem>>, vector<16xi32>,
        %bitcast3A_230 = vector.bitcast %get3A_229 : vector<16xi32> to vector<32xbf16>
        %add3A_231 = arith.addf %bitcast3A_226, %bitcast3A_230 : vector<32xbf16>
        %bitcast3A_232 = vector.bitcast %add3A_231 : vector<32xbf16> to vector<16xi32>
        %swap3A_233 = arith.index_cast %scan3A_173 : i32 to index
        %swap3A_234 = arith.constant 64 : index
        %swap3A_235 = tpu.vector_load %arg12[%swap3A_233, %swap3A_234] {strides = array<i32>} : memref<80x128xi32, #tpu.memory_space<vmem>>, vector<16xi32>,
        tpu.vector_store %arg12[%swap3A_233, %swap3A_234], %bitcast3A_232 {strides = array<i32>} : memref<80x128xi32, #tpu.memory_space<vmem>>, vector<16xi32>,
        %get3A_236 = arith.index_cast %scan3A_173 : i32 to index
        %get3A_237 = arith.constant 80 : index
        %get3A_238 = tpu.vector_load %arg12[%get3A_236, %get3A_237] {strides = array<i32>} : memref<80x128xi32, #tpu.memory_space<vmem>>, vector<16xi32>,
        %bitcast3A_239 = vector.bitcast %get3A_238 : vector<16xi32> to vector<32xbf16>
        %get3A_240 = arith.index_cast %scan3A_173 : i32 to index
        %get3A_241 = arith.constant 80 : index
        %get3A_242 = tpu.vector_load %arg16[%get3A_240, %get3A_241] {strides = array<i32>} : memref<80x128xi32, #tpu.memory_space<vmem>>, vector<16xi32>,
        %bitcast3A_243 = vector.bitcast %get3A_242 : vector<16xi32> to vector<32xbf16>
        %add3A_244 = arith.addf %bitcast3A_239, %bitcast3A_243 : vector<32xbf16>
        %bitcast3A_245 = vector.bitcast %add3A_244 : vector<32xbf16> to vector<16xi32>
        %swap3A_246 = arith.index_cast %scan3A_173 : i32 to index
        %swap3A_247 = arith.constant 80 : index
        %swap3A_248 = tpu.vector_load %arg12[%swap3A_246, %swap3A_247] {strides = array<i32>} : memref<80x128xi32, #tpu.memory_space<vmem>>, vector<16xi32>,
        tpu.vector_store %arg12[%swap3A_246, %swap3A_247], %bitcast3A_245 {strides = array<i32>} : memref<80x128xi32, #tpu.memory_space<vmem>>, vector<16xi32>,
        %get3A_249 = arith.index_cast %scan3A_173 : i32 to index
        %get3A_250 = arith.constant 96 : index
        %get3A_251 = tpu.vector_load %arg12[%get3A_249, %get3A_250] {strides = array<i32>} : memref<80x128xi32, #tpu.memory_space<vmem>>, vector<16xi32>,
        %bitcast3A_252 = vector.bitcast %get3A_251 : vector<16xi32> to vector<32xbf16>
        %get3A_253 = arith.index_cast %scan3A_173 : i32 to index
        %get3A_254 = arith.constant 96 : index
        %get3A_255 = tpu.vector_load %arg16[%get3A_253, %get3A_254] {strides = array<i32>} : memref<80x128xi32, #tpu.memory_space<vmem>>, vector<16xi32>,
        %bitcast3A_256 = vector.bitcast %get3A_255 : vector<16xi32> to vector<32xbf16>
        %add3A_257 = arith.addf %bitcast3A_252, %bitcast3A_256 : vector<32xbf16>
        %bitcast3A_258 = vector.bitcast %add3A_257 : vector<32xbf16> to vector<16xi32>
        %swap3A_259 = arith.index_cast %scan3A_173 : i32 to index
        %swap3A_260 = arith.constant 96 : index
        %swap3A_261 = tpu.vector_load %arg12[%swap3A_259, %swap3A_260] {strides = array<i32>} : memref<80x128xi32, #tpu.memory_space<vmem>>, vector<16xi32>,
        tpu.vector_store %arg12[%swap3A_259, %swap3A_260], %bitcast3A_258 {strides = array<i32>} : memref<80x128xi32, #tpu.memory_space<vmem>>, vector<16xi32>,
        %get3A_262 = arith.index_cast %scan3A_173 : i32 to index
        %get3A_263 = arith.constant 112 : index
        %get3A_264 = tpu.vector_load %arg12[%get3A_262, %get3A_263] {strides = array<i32>} : memref<80x128xi32, #tpu.memory_space<vmem>>, vector<16xi32>,
        %bitcast3A_265 = vector.bitcast %get3A_264 : vector<16xi32> to vector<32xbf16>
        %get3A_266 = arith.index_cast %scan3A_173 : i32 to index
        %get3A_267 = arith.constant 112 : index
        %get3A_268 = tpu.vector_load %arg16[%get3A_266, %get3A_267] {strides = array<i32>} : memref<80x128xi32, #tpu.memory_space<vmem>>, vector<16xi32>,
        %bitcast3A_269 = vector.bitcast %get3A_268 : vector<16xi32> to vector<32xbf16>
        %add3A_270 = arith.addf %bitcast3A_265, %bitcast3A_269 : vector<32xbf16>
        %bitcast3A_271 = vector.bitcast %add3A_270 : vector<32xbf16> to vector<16xi32>
        %swap3A_272 = arith.index_cast %scan3A_173 : i32 to index
        %swap3A_273 = arith.constant 112 : index
        %swap3A_274 = tpu.vector_load %arg12[%swap3A_272, %swap3A_273] {strides = array<i32>} : memref<80x128xi32, #tpu.memory_space<vmem>>, vector<16xi32>,
        tpu.vector_store %arg12[%swap3A_272, %swap3A_273], %bitcast3A_271 {strides = array<i32>} : memref<80x128xi32, #tpu.memory_space<vmem>>, vector<16xi32>,
      }
      %scan3A_169 = arith.constant 80 : i32
      %mul3A_170 = arith.constant 80 : i32
      %mul3A_171 = arith.muli %add3A_144, %mul3A_170 : i32
      %add3A_172 = arith.addi %mul3A_2, %mul3A_171 : i32
      "tpu.region"() ({
        %run_scoped3A = tpu.sem_alloc : memref<!tpu.dma_semaphore, #tpu.memory_space<semaphore_mem>>
        %dma_start3A_173 = arith.constant 0 : i32
        %dma_start3A_174 = tpu.memref_slice %arg6[%add3A_172, %dma_start3A_173] : memref<320000x128xi32, #tpu.memory_space<hbm>> -> memref<80x128xi32, #tpu.memory_space<hbm>>
        %dma_start3A_175 = arith.constant 0 : i32
        %dma_start3A_176 = tpu.memref_slice %arg6[%add3A_172, %dma_start3A_175] : memref<320000x128xi32, #tpu.memory_space<hbm>> -> memref<80x128xi32, #tpu.memory_space<hbm>>
        tpu.enqueue_dma source(%arg12 : memref<80x128xi32, #tpu.memory_space<vmem>>) target(%dma_start3A_176 : memref<80x128xi32, #tpu.memory_space<hbm>>) target_semaphore(%run_scoped3A : memref<!tpu.dma_semaphore, #tpu.memory_space<semaphore_mem>>)
        %dma_wait3A_177 = arith.constant 0 : i32
        %dma_wait3A_178 = tpu.memref_slice %arg6[%add3A_172, %dma_wait3A_177] : memref<320000x128xi32, #tpu.memory_space<hbm>> -> memref<80x128xi32, #tpu.memory_space<hbm>>
        %dma_wait3A_179 = arith.constant 0 : i32
        %dma_wait3A_180 = tpu.memref_slice %arg6[%add3A_172, %dma_wait3A_179] : memref<320000x128xi32, #tpu.memory_space<hbm>> -> memref<80x128xi32, #tpu.memory_space<hbm>>
        tpu.wait_dma2 semaphore(%run_scoped3A : memref<!tpu.dma_semaphore, #tpu.memory_space<semaphore_mem>>) src(%arg12 : memref<80x128xi32, #tpu.memory_space<vmem>>) dst(%dma_wait3A_180 : memref<80x128xi32, #tpu.memory_space<hbm>>)
        tpu.yield
      }) : () -> ()
    }
    %scan3A_36 = arith.constant 31 : i32
    %dma_wait3A = arith.constant 0 : i32
    %dma_wait3A_37 = tpu.memref_slice %arg7[%dma_wait3A] : memref<10000xi32, #tpu.memory_space<vmem>> -> memref<80xi32, #tpu.memory_space<vmem>>
    %dma_wait3A_38 = arith.constant 0 : i32
    %dma_wait3A_39 = arith.constant 0 : i32
    %dma_wait3A_40 = tpu.memref_slice %arg4[%dma_wait3A_38, %dma_wait3A_39] : memref<10000x128xi32, #tpu.memory_space<hbm>> -> memref<10000x128xi32, #tpu.memory_space<hbm>>
    tpu.wait_indirect_dma semaphore(%arg17 : memref<!tpu.dma_semaphore, #tpu.memory_space<semaphore_mem>>) src(%dma_wait3A_40 : memref<10000x128xi32, #tpu.memory_space<hbm>>) dst(%arg9 : memref<80x128xi32, #tpu.memory_space<vmem>>)
    %dma_wait3A_41 = arith.constant 0 : i32
    %dma_wait3A_42 = tpu.memref_slice %arg8[%dma_wait3A_41] : memref<10000xi32, #tpu.memory_space<vmem>> -> memref<80xi32, #tpu.memory_space<vmem>>
    %dma_wait3A_43 = arith.constant 0 : i32
    %dma_wait3A_44 = arith.constant 0 : i32
    %dma_wait3A_45 = tpu.memref_slice %arg5[%dma_wait3A_43, %dma_wait3A_44] : memref<10000x128xi32, #tpu.memory_space<hbm>> -> memref<10000x128xi32, #tpu.memory_space<hbm>>
    tpu.wait_indirect_dma semaphore(%arg21 : memref<!tpu.dma_semaphore, #tpu.memory_space<semaphore_mem>>) src(%dma_wait3A_45 : memref<10000x128xi32, #tpu.memory_space<hbm>>) dst(%arg13 : memref<80x128xi32, #tpu.memory_space<vmem>>)
    %scan3A_46 = arith.constant 0 : i32
    %scan3A_47 = arith.constant 0 : i32
    %scan3A_48 = arith.constant 80 : i32
    %scan3A_49 = arith.addi %scan3A_47, %scan3A_48 : i32
    %scan3A_50 = arith.constant 1 : i32
    scf.for %scan3A_54 = %scan3A_47 to %scan3A_49 step %scan3A_50  : i32 {
      %get3A = arith.index_cast %scan3A_54 : i32 to index
      %get3A_55 = arith.constant 0 : index
      %get3A_56 = tpu.vector_load %arg9[%get3A, %get3A_55] {strides = array<i32>} : memref<80x128xi32, #tpu.memory_space<vmem>>, vector<16xi32>,
      %bitcast3A = vector.bitcast %get3A_56 : vector<16xi32> to vector<32xbf16>
      %get3A_57 = arith.index_cast %scan3A_54 : i32 to index
      %get3A_58 = arith.constant 0 : index
      %get3A_59 = tpu.vector_load %arg13[%get3A_57, %get3A_58] {strides = array<i32>} : memref<80x128xi32, #tpu.memory_space<vmem>>, vector<16xi32>,
      %bitcast3A_60 = vector.bitcast %get3A_59 : vector<16xi32> to vector<32xbf16>
      %add3A_61 = arith.addf %bitcast3A, %bitcast3A_60 : vector<32xbf16>
      %bitcast3A_62 = vector.bitcast %add3A_61 : vector<32xbf16> to vector<16xi32>
      %swap3A = arith.index_cast %scan3A_54 : i32 to index
      %swap3A_63 = arith.constant 0 : index
      %swap3A_64 = tpu.vector_load %arg9[%swap3A, %swap3A_63] {strides = array<i32>} : memref<80x128xi32, #tpu.memory_space<vmem>>, vector<16xi32>,
      tpu.vector_store %arg9[%swap3A, %swap3A_63], %bitcast3A_62 {strides = array<i32>} : memref<80x128xi32, #tpu.memory_space<vmem>>, vector<16xi32>,
      %get3A_65 = arith.index_cast %scan3A_54 : i32 to index
      %get3A_66 = arith.constant 16 : index
      %get3A_67 = tpu.vector_load %arg9[%get3A_65, %get3A_66] {strides = array<i32>} : memref<80x128xi32, #tpu.memory_space<vmem>>, vector<16xi32>,
      %bitcast3A_68 = vector.bitcast %get3A_67 : vector<16xi32> to vector<32xbf16>
      %get3A_69 = arith.index_cast %scan3A_54 : i32 to index
      %get3A_70 = arith.constant 16 : index
      %get3A_71 = tpu.vector_load %arg13[%get3A_69, %get3A_70] {strides = array<i32>} : memref<80x128xi32, #tpu.memory_space<vmem>>, vector<16xi32>,
      %bitcast3A_72 = vector.bitcast %get3A_71 : vector<16xi32> to vector<32xbf16>
      %add3A_73 = arith.addf %bitcast3A_68, %bitcast3A_72 : vector<32xbf16>
      %bitcast3A_74 = vector.bitcast %add3A_73 : vector<32xbf16> to vector<16xi32>
      %swap3A_75 = arith.index_cast %scan3A_54 : i32 to index
      %swap3A_76 = arith.constant 16 : index
      %swap3A_77 = tpu.vector_load %arg9[%swap3A_75, %swap3A_76] {strides = array<i32>} : memref<80x128xi32, #tpu.memory_space<vmem>>, vector<16xi32>,
      tpu.vector_store %arg9[%swap3A_75, %swap3A_76], %bitcast3A_74 {strides = array<i32>} : memref<80x128xi32, #tpu.memory_space<vmem>>, vector<16xi32>,
      %get3A_78 = arith.index_cast %scan3A_54 : i32 to index
      %get3A_79 = arith.constant 32 : index
      %get3A_80 = tpu.vector_load %arg9[%get3A_78, %get3A_79] {strides = array<i32>} : memref<80x128xi32, #tpu.memory_space<vmem>>, vector<16xi32>,
      %bitcast3A_81 = vector.bitcast %get3A_80 : vector<16xi32> to vector<32xbf16>
      %get3A_82 = arith.index_cast %scan3A_54 : i32 to index
      %get3A_83 = arith.constant 32 : index
      %get3A_84 = tpu.vector_load %arg13[%get3A_82, %get3A_83] {strides = array<i32>} : memref<80x128xi32, #tpu.memory_space<vmem>>, vector<16xi32>,
      %bitcast3A_85 = vector.bitcast %get3A_84 : vector<16xi32> to vector<32xbf16>
      %add3A_86 = arith.addf %bitcast3A_81, %bitcast3A_85 : vector<32xbf16>
      %bitcast3A_87 = vector.bitcast %add3A_86 : vector<32xbf16> to vector<16xi32>
      %swap3A_88 = arith.index_cast %scan3A_54 : i32 to index
      %swap3A_89 = arith.constant 32 : index
      %swap3A_90 = tpu.vector_load %arg9[%swap3A_88, %swap3A_89] {strides = array<i32>} : memref<80x128xi32, #tpu.memory_space<vmem>>, vector<16xi32>,
      tpu.vector_store %arg9[%swap3A_88, %swap3A_89], %bitcast3A_87 {strides = array<i32>} : memref<80x128xi32, #tpu.memory_space<vmem>>, vector<16xi32>,
      %get3A_91 = arith.index_cast %scan3A_54 : i32 to index
      %get3A_92 = arith.constant 48 : index
      %get3A_93 = tpu.vector_load %arg9[%get3A_91, %get3A_92] {strides = array<i32>} : memref<80x128xi32, #tpu.memory_space<vmem>>, vector<16xi32>,
      %bitcast3A_94 = vector.bitcast %get3A_93 : vector<16xi32> to vector<32xbf16>
      %get3A_95 = arith.index_cast %scan3A_54 : i32 to index
      %get3A_96 = arith.constant 48 : index
      %get3A_97 = tpu.vector_load %arg13[%get3A_95, %get3A_96] {strides = array<i32>} : memref<80x128xi32, #tpu.memory_space<vmem>>, vector<16xi32>,
      %bitcast3A_98 = vector.bitcast %get3A_97 : vector<16xi32> to vector<32xbf16>
      %add3A_99 = arith.addf %bitcast3A_94, %bitcast3A_98 : vector<32xbf16>
      %bitcast3A_100 = vector.bitcast %add3A_99 : vector<32xbf16> to vector<16xi32>
      %swap3A_101 = arith.index_cast %scan3A_54 : i32 to index
      %swap3A_102 = arith.constant 48 : index
      %swap3A_103 = tpu.vector_load %arg9[%swap3A_101, %swap3A_102] {strides = array<i32>} : memref<80x128xi32, #tpu.memory_space<vmem>>, vector<16xi32>,
      tpu.vector_store %arg9[%swap3A_101, %swap3A_102], %bitcast3A_100 {strides = array<i32>} : memref<80x128xi32, #tpu.memory_space<vmem>>, vector<16xi32>,
      %get3A_104 = arith.index_cast %scan3A_54 : i32 to index
      %get3A_105 = arith.constant 64 : index
      %get3A_106 = tpu.vector_load %arg9[%get3A_104, %get3A_105] {strides = array<i32>} : memref<80x128xi32, #tpu.memory_space<vmem>>, vector<16xi32>,
      %bitcast3A_107 = vector.bitcast %get3A_106 : vector<16xi32> to vector<32xbf16>
      %get3A_108 = arith.index_cast %scan3A_54 : i32 to index
      %get3A_109 = arith.constant 64 : index
      %get3A_110 = tpu.vector_load %arg13[%get3A_108, %get3A_109] {strides = array<i32>} : memref<80x128xi32, #tpu.memory_space<vmem>>, vector<16xi32>,
      %bitcast3A_111 = vector.bitcast %get3A_110 : vector<16xi32> to vector<32xbf16>
      %add3A_112 = arith.addf %bitcast3A_107, %bitcast3A_111 : vector<32xbf16>
      %bitcast3A_113 = vector.bitcast %add3A_112 : vector<32xbf16> to vector<16xi32>
      %swap3A_114 = arith.index_cast %scan3A_54 : i32 to index
      %swap3A_115 = arith.constant 64 : index
      %swap3A_116 = tpu.vector_load %arg9[%swap3A_114, %swap3A_115] {strides = array<i32>} : memref<80x128xi32, #tpu.memory_space<vmem>>, vector<16xi32>,
      tpu.vector_store %arg9[%swap3A_114, %swap3A_115], %bitcast3A_113 {strides = array<i32>} : memref<80x128xi32, #tpu.memory_space<vmem>>, vector<16xi32>,
      %get3A_117 = arith.index_cast %scan3A_54 : i32 to index
      %get3A_118 = arith.constant 80 : index
      %get3A_119 = tpu.vector_load %arg9[%get3A_117, %get3A_118] {strides = array<i32>} : memref<80x128xi32, #tpu.memory_space<vmem>>, vector<16xi32>,
      %bitcast3A_120 = vector.bitcast %get3A_119 : vector<16xi32> to vector<32xbf16>
      %get3A_121 = arith.index_cast %scan3A_54 : i32 to index
      %get3A_122 = arith.constant 80 : index
      %get3A_123 = tpu.vector_load %arg13[%get3A_121, %get3A_122] {strides = array<i32>} : memref<80x128xi32, #tpu.memory_space<vmem>>, vector<16xi32>,
      %bitcast3A_124 = vector.bitcast %get3A_123 : vector<16xi32> to vector<32xbf16>
      %add3A_125 = arith.addf %bitcast3A_120, %bitcast3A_124 : vector<32xbf16>
      %bitcast3A_126 = vector.bitcast %add3A_125 : vector<32xbf16> to vector<16xi32>
      %swap3A_127 = arith.index_cast %scan3A_54 : i32 to index
      %swap3A_128 = arith.constant 80 : index
      %swap3A_129 = tpu.vector_load %arg9[%swap3A_127, %swap3A_128] {strides = array<i32>} : memref<80x128xi32, #tpu.memory_space<vmem>>, vector<16xi32>,
      tpu.vector_store %arg9[%swap3A_127, %swap3A_128], %bitcast3A_126 {strides = array<i32>} : memref<80x128xi32, #tpu.memory_space<vmem>>, vector<16xi32>,
      %get3A_130 = arith.index_cast %scan3A_54 : i32 to index
      %get3A_131 = arith.constant 96 : index
      %get3A_132 = tpu.vector_load %arg9[%get3A_130, %get3A_131] {strides = array<i32>} : memref<80x128xi32, #tpu.memory_space<vmem>>, vector<16xi32>,
      %bitcast3A_133 = vector.bitcast %get3A_132 : vector<16xi32> to vector<32xbf16>
      %get3A_134 = arith.index_cast %scan3A_54 : i32 to index
      %get3A_135 = arith.constant 96 : index
      %get3A_136 = tpu.vector_load %arg13[%get3A_134, %get3A_135] {strides = array<i32>} : memref<80x128xi32, #tpu.memory_space<vmem>>, vector<16xi32>,
      %bitcast3A_137 = vector.bitcast %get3A_136 : vector<16xi32> to vector<32xbf16>
      %add3A_138 = arith.addf %bitcast3A_133, %bitcast3A_137 : vector<32xbf16>
      %bitcast3A_139 = vector.bitcast %add3A_138 : vector<32xbf16> to vector<16xi32>
      %swap3A_140 = arith.index_cast %scan3A_54 : i32 to index
      %swap3A_141 = arith.constant 96 : index
      %swap3A_142 = tpu.vector_load %arg9[%swap3A_140, %swap3A_141] {strides = array<i32>} : memref<80x128xi32, #tpu.memory_space<vmem>>, vector<16xi32>,
      tpu.vector_store %arg9[%swap3A_140, %swap3A_141], %bitcast3A_139 {strides = array<i32>} : memref<80x128xi32, #tpu.memory_space<vmem>>, vector<16xi32>,
      %get3A_143 = arith.index_cast %scan3A_54 : i32 to index
      %get3A_144 = arith.constant 112 : index
      %get3A_145 = tpu.vector_load %arg9[%get3A_143, %get3A_144] {strides = array<i32>} : memref<80x128xi32, #tpu.memory_space<vmem>>, vector<16xi32>,
      %bitcast3A_146 = vector.bitcast %get3A_145 : vector<16xi32> to vector<32xbf16>
      %get3A_147 = arith.index_cast %scan3A_54 : i32 to index
      %get3A_148 = arith.constant 112 : index
      %get3A_149 = tpu.vector_load %arg13[%get3A_147, %get3A_148] {strides = array<i32>} : memref<80x128xi32, #tpu.memory_space<vmem>>, vector<16xi32>,
      %bitcast3A_150 = vector.bitcast %get3A_149 : vector<16xi32> to vector<32xbf16>
      %add3A_151 = arith.addf %bitcast3A_146, %bitcast3A_150 : vector<32xbf16>
      %bitcast3A_152 = vector.bitcast %add3A_151 : vector<32xbf16> to vector<16xi32>
      %swap3A_153 = arith.index_cast %scan3A_54 : i32 to index
      %swap3A_154 = arith.constant 112 : index
      %swap3A_155 = tpu.vector_load %arg9[%swap3A_153, %swap3A_154] {strides = array<i32>} : memref<80x128xi32, #tpu.memory_space<vmem>>, vector<16xi32>,
      tpu.vector_store %arg9[%swap3A_153, %swap3A_154], %bitcast3A_152 {strides = array<i32>} : memref<80x128xi32, #tpu.memory_space<vmem>>, vector<16xi32>,
    }
    %scan3A_51 = arith.constant 80 : i32
    %add3A_52 = arith.constant 9920 : i32
    %add3A_53 = arith.addi %mul3A_2, %add3A_52 : i32
    "tpu.region"() ({
      %run_scoped3A = tpu.sem_alloc : memref<!tpu.dma_semaphore, #tpu.memory_space<semaphore_mem>>
      %dma_start3A_54 = arith.constant 0 : i32
      %dma_start3A_55 = tpu.memref_slice %arg6[%add3A_53, %dma_start3A_54] : memref<320000x128xi32, #tpu.memory_space<hbm>> -> memref<80x128xi32, #tpu.memory_space<hbm>>
      %dma_start3A_56 = arith.constant 0 : i32
      %dma_start3A_57 = tpu.memref_slice %arg6[%add3A_53, %dma_start3A_56] : memref<320000x128xi32, #tpu.memory_space<hbm>> -> memref<80x128xi32, #tpu.memory_space<hbm>>
      tpu.enqueue_dma source(%arg9 : memref<80x128xi32, #tpu.memory_space<vmem>>) target(%dma_start3A_57 : memref<80x128xi32, #tpu.memory_space<hbm>>) target_semaphore(%run_scoped3A : memref<!tpu.dma_semaphore, #tpu.memory_space<semaphore_mem>>)
      %dma_wait3A_58 = arith.constant 0 : i32
      %dma_wait3A_59 = tpu.memref_slice %arg6[%add3A_53, %dma_wait3A_58] : memref<320000x128xi32, #tpu.memory_space<hbm>> -> memref<80x128xi32, #tpu.memory_space<hbm>>
      %dma_wait3A_60 = arith.constant 0 : i32
      %dma_wait3A_61 = tpu.memref_slice %arg6[%add3A_53, %dma_wait3A_60] : memref<320000x128xi32, #tpu.memory_space<hbm>> -> memref<80x128xi32, #tpu.memory_space<hbm>>
      tpu.wait_dma2 semaphore(%run_scoped3A : memref<!tpu.dma_semaphore, #tpu.memory_space<semaphore_mem>>) src(%arg9 : memref<80x128xi32, #tpu.memory_space<vmem>>) dst(%dma_wait3A_61 : memref<80x128xi32, #tpu.memory_space<hbm>>)
      tpu.yield
    }) : () -> ()
    return
  }
}

#map = affine_map<(d0, d1) -> (0)>
#map1 = affine_map<(d0, d1) -> (0, 0)>
#map2 = affine_map<(d0, d1) -> (0, 0, 0)>
module attributes {stable_mosaic.version = 14 : i64} {
  func.func @body(%arg0: i32, %arg1: i32, %arg2: memref<320000xi32, #tpu.memory_space<hbm>>, %arg3: memref<320000x128xf32, #tpu.memory_space<hbm>>, %arg4: memref<10000x128xf32, #tpu.memory_space<hbm>>, %arg5: memref<2x10000x128xf32, #tpu.memory_space<hbm>>, %arg6: memref<80xi32, #tpu.memory_space<vmem>>, %arg7: memref<80xi32, #tpu.memory_space<vmem>>, %arg8: memref<80xi32, #tpu.memory_space<vmem>>, %arg9: memref<80xi32, #tpu.memory_space<vmem>>, %arg10: memref<80x128xf32, #tpu.memory_space<vmem>>, %arg11: memref<80x128xf32, #tpu.memory_space<vmem>>, %arg12: memref<80x128xf32, #tpu.memory_space<vmem>>, %arg13: memref<80x128xf32, #tpu.memory_space<vmem>>, %arg14: memref<10000x128xf32, #tpu.memory_space<vmem_shared>>, %arg15: memref<!tpu.dma_semaphore, #tpu.memory_space<semaphore_mem>>, %arg16: memref<!tpu.dma_semaphore, #tpu.memory_space<semaphore_mem>>, %arg17: memref<!tpu.dma_semaphore, #tpu.memory_space<semaphore_mem>>, %arg18: memref<!tpu.dma_semaphore, #tpu.memory_space<semaphore_mem>>, %arg19: memref<!tpu.dma_semaphore, #tpu.memory_space<semaphore_mem>>, %arg20: memref<!tpu.dma_semaphore, #tpu.memory_space<semaphore_mem>>, %arg21: memref<!tpu.dma_semaphore, #tpu.memory_space<semaphore_mem>>, %arg22: memref<!tpu.dma_semaphore, #tpu.memory_space<semaphore_mem>>) attributes {dimension_semantics = [#tpu.dimension_semantics<core_parallel>, #tpu.dimension_semantics<subcore_parallel>], iteration_bounds = array<i64: 2, 16>, scalar_prefetch = 0 : i64, scratch_operands = 17 : i64, tpu.core_type = #tpu.core_type<sc_vector_subcore>, window_params = [{transform_indices = #map}, {transform_indices = #map1}, {transform_indices = #map1}, {transform_indices = #map2}]} {
    %mul3A = arith.constant 2 : i32
    %mul3A_0 = arith.muli %arg1, %mul3A : i32
    %add3A = arith.addi %mul3A_0, %arg0 : i32
    %mul3A_1 = arith.constant 10000 : i32
    %mul3A_2 = arith.muli %add3A, %mul3A_1 : i32
    %mul3A_3 = arith.constant 632 : i32
    %mul3A_4 = arith.muli %arg1, %mul3A_3 : i32
    %lt3A = arith.constant 15 : i32
    %lt3A_5 = arith.cmpi slt, %arg1, %lt3A : i32
    %convert_element_type3A = arith.extui %lt3A_5 : i1 to i32
    %cond3A = arith.constant 0 : i32
    %cond3A_6 = arith.cmpi ne, %convert_element_type3A, %cond3A : i32
    scf.if %cond3A_6 {
      "tpu.region"() ({
        %run_scoped3A = tpu.sem_alloc : memref<!tpu.dma_semaphore, #tpu.memory_space<semaphore_mem>>
        %dma_start3A_59 = arith.constant 0 : i32
        %dma_start3A_60 = tpu.memref_slice %arg14[%mul3A_4, %dma_start3A_59] : memref<10000x128xf32, #tpu.memory_space<vmem_shared>> -> memref<632x128xf32, #tpu.memory_space<vmem_shared>>
        %dma_start3A_61 = arith.constant 0 : i32
        %dma_start3A_62 = tpu.memref_slice %arg4[%mul3A_4, %dma_start3A_61] : memref<10000x128xf32, #tpu.memory_space<hbm>> -> memref<632x128xf32, #tpu.memory_space<hbm>>
        tpu.enqueue_dma source(%dma_start3A_62 : memref<632x128xf32, #tpu.memory_space<hbm>>) target(%dma_start3A_60 : memref<632x128xf32, #tpu.memory_space<vmem_shared>>) target_semaphore(%run_scoped3A : memref<!tpu.dma_semaphore, #tpu.memory_space<semaphore_mem>>)
        %dma_wait3A_63 = arith.constant 0 : i32
        %dma_wait3A_64 = tpu.memref_slice %arg14[%mul3A_4, %dma_wait3A_63] : memref<10000x128xf32, #tpu.memory_space<vmem_shared>> -> memref<632x128xf32, #tpu.memory_space<vmem_shared>>
        %dma_wait3A_65 = arith.constant 0 : i32
        %dma_wait3A_66 = tpu.memref_slice %arg4[%mul3A_4, %dma_wait3A_65] : memref<10000x128xf32, #tpu.memory_space<hbm>> -> memref<632x128xf32, #tpu.memory_space<hbm>>
        tpu.wait_dma2 semaphore(%run_scoped3A : memref<!tpu.dma_semaphore, #tpu.memory_space<semaphore_mem>>) src(%dma_wait3A_66 : memref<632x128xf32, #tpu.memory_space<hbm>>) dst(%dma_wait3A_64 : memref<632x128xf32, #tpu.memory_space<vmem_shared>>)
        tpu.yield
      }) : () -> ()
    } else {
    }
    %eq3A = arith.constant 15 : i32
    %eq3A_7 = arith.cmpi eq, %arg1, %eq3A : i32
    %convert_element_type3A_8 = arith.extui %eq3A_7 : i1 to i32
    %cond3A_9 = arith.constant 0 : i32
    %cond3A_10 = arith.cmpi ne, %convert_element_type3A_8, %cond3A_9 : i32
    scf.if %cond3A_10 {
      "tpu.region"() ({
        %run_scoped3A = tpu.sem_alloc : memref<!tpu.dma_semaphore, #tpu.memory_space<semaphore_mem>>
        %dma_start3A_59 = arith.constant 9480 : i32
        %dma_start3A_60 = arith.constant 0 : i32
        %dma_start3A_61 = tpu.memref_slice %arg14[%dma_start3A_59, %dma_start3A_60] : memref<10000x128xf32, #tpu.memory_space<vmem_shared>> -> memref<520x128xf32, #tpu.memory_space<vmem_shared>>
        %dma_start3A_62 = arith.constant 9480 : i32
        %dma_start3A_63 = arith.constant 0 : i32
        %dma_start3A_64 = tpu.memref_slice %arg4[%dma_start3A_62, %dma_start3A_63] : memref<10000x128xf32, #tpu.memory_space<hbm>> -> memref<520x128xf32, #tpu.memory_space<hbm>>
        tpu.enqueue_dma source(%dma_start3A_64 : memref<520x128xf32, #tpu.memory_space<hbm>>) target(%dma_start3A_61 : memref<520x128xf32, #tpu.memory_space<vmem_shared>>) target_semaphore(%run_scoped3A : memref<!tpu.dma_semaphore, #tpu.memory_space<semaphore_mem>>)
        %dma_wait3A_65 = arith.constant 9480 : i32
        %dma_wait3A_66 = arith.constant 0 : i32
        %dma_wait3A_67 = tpu.memref_slice %arg14[%dma_wait3A_65, %dma_wait3A_66] : memref<10000x128xf32, #tpu.memory_space<vmem_shared>> -> memref<520x128xf32, #tpu.memory_space<vmem_shared>>
        %dma_wait3A_68 = arith.constant 9480 : i32
        %dma_wait3A_69 = arith.constant 0 : i32
        %dma_wait3A_70 = tpu.memref_slice %arg4[%dma_wait3A_68, %dma_wait3A_69] : memref<10000x128xf32, #tpu.memory_space<hbm>> -> memref<520x128xf32, #tpu.memory_space<hbm>>
        tpu.wait_dma2 semaphore(%run_scoped3A : memref<!tpu.dma_semaphore, #tpu.memory_space<semaphore_mem>>) src(%dma_wait3A_70 : memref<520x128xf32, #tpu.memory_space<hbm>>) dst(%dma_wait3A_67 : memref<520x128xf32, #tpu.memory_space<vmem_shared>>)
        tpu.yield
      }) : () -> ()
    } else {
    }
    %barrier3A = arith.constant 0 : index
    tpu.barrier barrier_id(%barrier3A)
    %add3A_11 = arith.constant 0 : i32
    %add3A_12 = arith.addi %mul3A_2, %add3A_11 : i32
    %dma_start3A = tpu.memref_slice %arg2[%add3A_12] : memref<320000xi32, #tpu.memory_space<hbm>> -> memref<80xi32, #tpu.memory_space<hbm>>
    %dma_start3A_13 = tpu.memref_slice %arg2[%add3A_12] : memref<320000xi32, #tpu.memory_space<hbm>> -> memref<80xi32, #tpu.memory_space<hbm>>
    tpu.enqueue_dma source(%dma_start3A_13 : memref<80xi32, #tpu.memory_space<hbm>>) target(%arg6 : memref<80xi32, #tpu.memory_space<vmem>>) target_semaphore(%arg15 : memref<!tpu.dma_semaphore, #tpu.memory_space<semaphore_mem>>)
    %dma_start3A_14 = arith.constant 0 : i32
    %dma_start3A_15 = tpu.memref_slice %arg3[%add3A_12, %dma_start3A_14] : memref<320000x128xf32, #tpu.memory_space<hbm>> -> memref<80x128xf32, #tpu.memory_space<hbm>>
    %dma_start3A_16 = arith.constant 0 : i32
    %dma_start3A_17 = tpu.memref_slice %arg3[%add3A_12, %dma_start3A_16] : memref<320000x128xf32, #tpu.memory_space<hbm>> -> memref<80x128xf32, #tpu.memory_space<hbm>>
    tpu.enqueue_dma source(%dma_start3A_17 : memref<80x128xf32, #tpu.memory_space<hbm>>) target(%arg10 : memref<80x128xf32, #tpu.memory_space<vmem>>) target_semaphore(%arg19 : memref<!tpu.dma_semaphore, #tpu.memory_space<semaphore_mem>>)
    %add3A_18 = arith.constant 80 : i32
    %add3A_19 = arith.addi %mul3A_2, %add3A_18 : i32
    %dma_start3A_20 = tpu.memref_slice %arg2[%add3A_19] : memref<320000xi32, #tpu.memory_space<hbm>> -> memref<80xi32, #tpu.memory_space<hbm>>
    %dma_start3A_21 = tpu.memref_slice %arg2[%add3A_19] : memref<320000xi32, #tpu.memory_space<hbm>> -> memref<80xi32, #tpu.memory_space<hbm>>
    tpu.enqueue_dma source(%dma_start3A_21 : memref<80xi32, #tpu.memory_space<hbm>>) target(%arg7 : memref<80xi32, #tpu.memory_space<vmem>>) target_semaphore(%arg16 : memref<!tpu.dma_semaphore, #tpu.memory_space<semaphore_mem>>)
    %dma_start3A_22 = arith.constant 0 : i32
    %dma_start3A_23 = tpu.memref_slice %arg3[%add3A_19, %dma_start3A_22] : memref<320000x128xf32, #tpu.memory_space<hbm>> -> memref<80x128xf32, #tpu.memory_space<hbm>>
    %dma_start3A_24 = arith.constant 0 : i32
    %dma_start3A_25 = tpu.memref_slice %arg3[%add3A_19, %dma_start3A_24] : memref<320000x128xf32, #tpu.memory_space<hbm>> -> memref<80x128xf32, #tpu.memory_space<hbm>>
    tpu.enqueue_dma source(%dma_start3A_25 : memref<80x128xf32, #tpu.memory_space<hbm>>) target(%arg11 : memref<80x128xf32, #tpu.memory_space<vmem>>) target_semaphore(%arg20 : memref<!tpu.dma_semaphore, #tpu.memory_space<semaphore_mem>>)
    %add3A_26 = arith.constant 160 : i32
    %add3A_27 = arith.addi %mul3A_2, %add3A_26 : i32
    %dma_start3A_28 = tpu.memref_slice %arg2[%add3A_27] : memref<320000xi32, #tpu.memory_space<hbm>> -> memref<80xi32, #tpu.memory_space<hbm>>
    %dma_start3A_29 = tpu.memref_slice %arg2[%add3A_27] : memref<320000xi32, #tpu.memory_space<hbm>> -> memref<80xi32, #tpu.memory_space<hbm>>
    tpu.enqueue_dma source(%dma_start3A_29 : memref<80xi32, #tpu.memory_space<hbm>>) target(%arg8 : memref<80xi32, #tpu.memory_space<vmem>>) target_semaphore(%arg17 : memref<!tpu.dma_semaphore, #tpu.memory_space<semaphore_mem>>)
    %dma_start3A_30 = arith.constant 0 : i32
    %dma_start3A_31 = tpu.memref_slice %arg3[%add3A_27, %dma_start3A_30] : memref<320000x128xf32, #tpu.memory_space<hbm>> -> memref<80x128xf32, #tpu.memory_space<hbm>>
    %dma_start3A_32 = arith.constant 0 : i32
    %dma_start3A_33 = tpu.memref_slice %arg3[%add3A_27, %dma_start3A_32] : memref<320000x128xf32, #tpu.memory_space<hbm>> -> memref<80x128xf32, #tpu.memory_space<hbm>>
    tpu.enqueue_dma source(%dma_start3A_33 : memref<80x128xf32, #tpu.memory_space<hbm>>) target(%arg12 : memref<80x128xf32, #tpu.memory_space<vmem>>) target_semaphore(%arg21 : memref<!tpu.dma_semaphore, #tpu.memory_space<semaphore_mem>>)
    %scan3A = arith.constant 0 : i32
    %scan3A_34 = arith.constant 0 : i32
    %scan3A_35 = arith.constant 31 : i32
    %scan3A_36 = arith.addi %scan3A_34, %scan3A_35 : i32
    %scan3A_37 = arith.constant 1 : i32
    scf.for %scan3A_59 = %scan3A_34 to %scan3A_36 step %scan3A_37  : i32 {
      %mul3A_60 = arith.constant 4 : i32
      %mul3A_61 = arith.muli %mul3A_60, %scan3A_59 : i32
      %add3A_62 = arith.constant 0 : i32
      %add3A_63 = arith.addi %mul3A_61, %add3A_62 : i32
      %add3A_64 = arith.constant 4 : i32
      %add3A_65 = arith.addi %add3A_63, %add3A_64 : i32
      %sub3A = arith.constant 1 : i32
      %sub3A_66 = arith.subi %add3A_65, %sub3A : i32
      %lt3A_67 = arith.constant 125 : i32
      %lt3A_68 = arith.cmpi slt, %sub3A_66, %lt3A_67 : i32
      %convert_element_type3A_69 = arith.extui %lt3A_68 : i1 to i32
      %cond3A_70 = arith.constant 0 : i32
      %cond3A_71 = arith.cmpi ne, %convert_element_type3A_69, %cond3A_70 : i32
      scf.if %cond3A_71 {
        %add3A_145 = arith.constant 4 : i32
        %add3A_146 = arith.addi %add3A_63, %add3A_145 : i32
        %sub3A_147 = arith.constant 1 : i32
        %sub3A_148 = arith.subi %add3A_146, %sub3A_147 : i32
        %mul3A_149 = arith.constant 80 : i32
        %mul3A_150 = arith.muli %sub3A_148, %mul3A_149 : i32
        %add3A_151 = arith.addi %mul3A_2, %mul3A_150 : i32
        %dma_start3A_152 = tpu.memref_slice %arg2[%add3A_151] : memref<320000xi32, #tpu.memory_space<hbm>> -> memref<80xi32, #tpu.memory_space<hbm>>
        %dma_start3A_153 = tpu.memref_slice %arg2[%add3A_151] : memref<320000xi32, #tpu.memory_space<hbm>> -> memref<80xi32, #tpu.memory_space<hbm>>
        tpu.enqueue_dma source(%dma_start3A_153 : memref<80xi32, #tpu.memory_space<hbm>>) target(%arg9 : memref<80xi32, #tpu.memory_space<vmem>>) target_semaphore(%arg18 : memref<!tpu.dma_semaphore, #tpu.memory_space<semaphore_mem>>)
        %dma_start3A_154 = arith.constant 0 : i32
        %dma_start3A_155 = tpu.memref_slice %arg3[%add3A_151, %dma_start3A_154] : memref<320000x128xf32, #tpu.memory_space<hbm>> -> memref<80x128xf32, #tpu.memory_space<hbm>>
        %dma_start3A_156 = arith.constant 0 : i32
        %dma_start3A_157 = tpu.memref_slice %arg3[%add3A_151, %dma_start3A_156] : memref<320000x128xf32, #tpu.memory_space<hbm>> -> memref<80x128xf32, #tpu.memory_space<hbm>>
        tpu.enqueue_dma source(%dma_start3A_157 : memref<80x128xf32, #tpu.memory_space<hbm>>) target(%arg13 : memref<80x128xf32, #tpu.memory_space<vmem>>) target_semaphore(%arg22 : memref<!tpu.dma_semaphore, #tpu.memory_space<semaphore_mem>>)
      } else {
      }
      %dma_wait3A_72 = arith.constant 0 : i32
      %dma_wait3A_73 = tpu.memref_slice %arg2[%dma_wait3A_72] : memref<320000xi32, #tpu.memory_space<hbm>> -> memref<80xi32, #tpu.memory_space<hbm>>
      %dma_wait3A_74 = arith.constant 0 : i32
      %dma_wait3A_75 = tpu.memref_slice %arg2[%dma_wait3A_74] : memref<320000xi32, #tpu.memory_space<hbm>> -> memref<80xi32, #tpu.memory_space<hbm>>
      tpu.wait_dma2 semaphore(%arg15 : memref<!tpu.dma_semaphore, #tpu.memory_space<semaphore_mem>>) src(%dma_wait3A_75 : memref<80xi32, #tpu.memory_space<hbm>>) dst(%arg6 : memref<80xi32, #tpu.memory_space<vmem>>)
      %dma_wait3A_76 = arith.constant 0 : i32
      %dma_wait3A_77 = arith.constant 0 : i32
      %dma_wait3A_78 = tpu.memref_slice %arg3[%dma_wait3A_76, %dma_wait3A_77] : memref<320000x128xf32, #tpu.memory_space<hbm>> -> memref<80x128xf32, #tpu.memory_space<hbm>>
      %dma_wait3A_79 = arith.constant 0 : i32
      %dma_wait3A_80 = arith.constant 0 : i32
      %dma_wait3A_81 = tpu.memref_slice %arg3[%dma_wait3A_79, %dma_wait3A_80] : memref<320000x128xf32, #tpu.memory_space<hbm>> -> memref<80x128xf32, #tpu.memory_space<hbm>>
      tpu.wait_dma2 semaphore(%arg19 : memref<!tpu.dma_semaphore, #tpu.memory_space<semaphore_mem>>) src(%dma_wait3A_81 : memref<80x128xf32, #tpu.memory_space<hbm>>) dst(%arg10 : memref<80x128xf32, #tpu.memory_space<vmem>>)
      "tpu.region"() ({
        %run_scoped3A = tpu.sem_alloc : memref<!tpu.dma_semaphore, #tpu.memory_space<semaphore_mem>>
        %dma_start3A_145 = arith.constant 0 : i32
        %dma_start3A_146 = arith.constant 0 : i32
        %dma_start3A_147 = tpu.memref_slice %arg14[%dma_start3A_145, %dma_start3A_146] : memref<10000x128xf32, #tpu.memory_space<vmem_shared>> -> memref<10000x128xf32, #tpu.memory_space<vmem_shared>>
        tpu.enqueue_indirect_dma source(%arg10 : memref<80x128xf32, #tpu.memory_space<vmem>>) target(%dma_start3A_147 : memref<10000x128xf32, #tpu.memory_space<vmem_shared>>) offsets(%arg6 : memref<80xi32, #tpu.memory_space<vmem>>) semaphore(%run_scoped3A : memref<!tpu.dma_semaphore, #tpu.memory_space<semaphore_mem>>) {add = true}
        %dma_wait3A_148 = arith.constant 0 : i32
        %dma_wait3A_149 = arith.constant 0 : i32
        %dma_wait3A_150 = tpu.memref_slice %arg14[%dma_wait3A_148, %dma_wait3A_149] : memref<10000x128xf32, #tpu.memory_space<vmem_shared>> -> memref<10000x128xf32, #tpu.memory_space<vmem_shared>>
        tpu.wait_indirect_dma semaphore(%run_scoped3A : memref<!tpu.dma_semaphore, #tpu.memory_space<semaphore_mem>>) src(%arg10 : memref<80x128xf32, #tpu.memory_space<vmem>>) dst(%dma_wait3A_150 : memref<10000x128xf32, #tpu.memory_space<vmem_shared>>)
        tpu.yield
      }) : () -> ()
      %add3A_82 = arith.constant 1 : i32
      %add3A_83 = arith.addi %mul3A_61, %add3A_82 : i32
      %add3A_84 = arith.constant 4 : i32
      %add3A_85 = arith.addi %add3A_83, %add3A_84 : i32
      %sub3A_86 = arith.constant 1 : i32
      %sub3A_87 = arith.subi %add3A_85, %sub3A_86 : i32
      %lt3A_88 = arith.constant 125 : i32
      %lt3A_89 = arith.cmpi slt, %sub3A_87, %lt3A_88 : i32
      %convert_element_type3A_90 = arith.extui %lt3A_89 : i1 to i32
      %cond3A_91 = arith.constant 0 : i32
      %cond3A_92 = arith.cmpi ne, %convert_element_type3A_90, %cond3A_91 : i32
      scf.if %cond3A_92 {
        %add3A_145 = arith.constant 4 : i32
        %add3A_146 = arith.addi %add3A_83, %add3A_145 : i32
        %sub3A_147 = arith.constant 1 : i32
        %sub3A_148 = arith.subi %add3A_146, %sub3A_147 : i32
        %mul3A_149 = arith.constant 80 : i32
        %mul3A_150 = arith.muli %sub3A_148, %mul3A_149 : i32
        %add3A_151 = arith.addi %mul3A_2, %mul3A_150 : i32
        %dma_start3A_152 = tpu.memref_slice %arg2[%add3A_151] : memref<320000xi32, #tpu.memory_space<hbm>> -> memref<80xi32, #tpu.memory_space<hbm>>
        %dma_start3A_153 = tpu.memref_slice %arg2[%add3A_151] : memref<320000xi32, #tpu.memory_space<hbm>> -> memref<80xi32, #tpu.memory_space<hbm>>
        tpu.enqueue_dma source(%dma_start3A_153 : memref<80xi32, #tpu.memory_space<hbm>>) target(%arg6 : memref<80xi32, #tpu.memory_space<vmem>>) target_semaphore(%arg15 : memref<!tpu.dma_semaphore, #tpu.memory_space<semaphore_mem>>)
        %dma_start3A_154 = arith.constant 0 : i32
        %dma_start3A_155 = tpu.memref_slice %arg3[%add3A_151, %dma_start3A_154] : memref<320000x128xf32, #tpu.memory_space<hbm>> -> memref<80x128xf32, #tpu.memory_space<hbm>>
        %dma_start3A_156 = arith.constant 0 : i32
        %dma_start3A_157 = tpu.memref_slice %arg3[%add3A_151, %dma_start3A_156] : memref<320000x128xf32, #tpu.memory_space<hbm>> -> memref<80x128xf32, #tpu.memory_space<hbm>>
        tpu.enqueue_dma source(%dma_start3A_157 : memref<80x128xf32, #tpu.memory_space<hbm>>) target(%arg10 : memref<80x128xf32, #tpu.memory_space<vmem>>) target_semaphore(%arg19 : memref<!tpu.dma_semaphore, #tpu.memory_space<semaphore_mem>>)
      } else {
      }
      %dma_wait3A_93 = arith.constant 0 : i32
      %dma_wait3A_94 = tpu.memref_slice %arg2[%dma_wait3A_93] : memref<320000xi32, #tpu.memory_space<hbm>> -> memref<80xi32, #tpu.memory_space<hbm>>
      %dma_wait3A_95 = arith.constant 0 : i32
      %dma_wait3A_96 = tpu.memref_slice %arg2[%dma_wait3A_95] : memref<320000xi32, #tpu.memory_space<hbm>> -> memref<80xi32, #tpu.memory_space<hbm>>
      tpu.wait_dma2 semaphore(%arg16 : memref<!tpu.dma_semaphore, #tpu.memory_space<semaphore_mem>>) src(%dma_wait3A_96 : memref<80xi32, #tpu.memory_space<hbm>>) dst(%arg7 : memref<80xi32, #tpu.memory_space<vmem>>)
      %dma_wait3A_97 = arith.constant 0 : i32
      %dma_wait3A_98 = arith.constant 0 : i32
      %dma_wait3A_99 = tpu.memref_slice %arg3[%dma_wait3A_97, %dma_wait3A_98] : memref<320000x128xf32, #tpu.memory_space<hbm>> -> memref<80x128xf32, #tpu.memory_space<hbm>>
      %dma_wait3A_100 = arith.constant 0 : i32
      %dma_wait3A_101 = arith.constant 0 : i32
      %dma_wait3A_102 = tpu.memref_slice %arg3[%dma_wait3A_100, %dma_wait3A_101] : memref<320000x128xf32, #tpu.memory_space<hbm>> -> memref<80x128xf32, #tpu.memory_space<hbm>>
      tpu.wait_dma2 semaphore(%arg20 : memref<!tpu.dma_semaphore, #tpu.memory_space<semaphore_mem>>) src(%dma_wait3A_102 : memref<80x128xf32, #tpu.memory_space<hbm>>) dst(%arg11 : memref<80x128xf32, #tpu.memory_space<vmem>>)
      "tpu.region"() ({
        %run_scoped3A = tpu.sem_alloc : memref<!tpu.dma_semaphore, #tpu.memory_space<semaphore_mem>>
        %dma_start3A_145 = arith.constant 0 : i32
        %dma_start3A_146 = arith.constant 0 : i32
        %dma_start3A_147 = tpu.memref_slice %arg14[%dma_start3A_145, %dma_start3A_146] : memref<10000x128xf32, #tpu.memory_space<vmem_shared>> -> memref<10000x128xf32, #tpu.memory_space<vmem_shared>>
        tpu.enqueue_indirect_dma source(%arg11 : memref<80x128xf32, #tpu.memory_space<vmem>>) target(%dma_start3A_147 : memref<10000x128xf32, #tpu.memory_space<vmem_shared>>) offsets(%arg7 : memref<80xi32, #tpu.memory_space<vmem>>) semaphore(%run_scoped3A : memref<!tpu.dma_semaphore, #tpu.memory_space<semaphore_mem>>) {add = true}
        %dma_wait3A_148 = arith.constant 0 : i32
        %dma_wait3A_149 = arith.constant 0 : i32
        %dma_wait3A_150 = tpu.memref_slice %arg14[%dma_wait3A_148, %dma_wait3A_149] : memref<10000x128xf32, #tpu.memory_space<vmem_shared>> -> memref<10000x128xf32, #tpu.memory_space<vmem_shared>>
        tpu.wait_indirect_dma semaphore(%run_scoped3A : memref<!tpu.dma_semaphore, #tpu.memory_space<semaphore_mem>>) src(%arg11 : memref<80x128xf32, #tpu.memory_space<vmem>>) dst(%dma_wait3A_150 : memref<10000x128xf32, #tpu.memory_space<vmem_shared>>)
        tpu.yield
      }) : () -> ()
      %add3A_103 = arith.constant 2 : i32
      %add3A_104 = arith.addi %mul3A_61, %add3A_103 : i32
      %add3A_105 = arith.constant 4 : i32
      %add3A_106 = arith.addi %add3A_104, %add3A_105 : i32
      %sub3A_107 = arith.constant 1 : i32
      %sub3A_108 = arith.subi %add3A_106, %sub3A_107 : i32
      %lt3A_109 = arith.constant 125 : i32
      %lt3A_110 = arith.cmpi slt, %sub3A_108, %lt3A_109 : i32
      %convert_element_type3A_111 = arith.extui %lt3A_110 : i1 to i32
      %cond3A_112 = arith.constant 0 : i32
      %cond3A_113 = arith.cmpi ne, %convert_element_type3A_111, %cond3A_112 : i32
      scf.if %cond3A_113 {
        %add3A_145 = arith.constant 4 : i32
        %add3A_146 = arith.addi %add3A_104, %add3A_145 : i32
        %sub3A_147 = arith.constant 1 : i32
        %sub3A_148 = arith.subi %add3A_146, %sub3A_147 : i32
        %mul3A_149 = arith.constant 80 : i32
        %mul3A_150 = arith.muli %sub3A_148, %mul3A_149 : i32
        %add3A_151 = arith.addi %mul3A_2, %mul3A_150 : i32
        %dma_start3A_152 = tpu.memref_slice %arg2[%add3A_151] : memref<320000xi32, #tpu.memory_space<hbm>> -> memref<80xi32, #tpu.memory_space<hbm>>
        %dma_start3A_153 = tpu.memref_slice %arg2[%add3A_151] : memref<320000xi32, #tpu.memory_space<hbm>> -> memref<80xi32, #tpu.memory_space<hbm>>
        tpu.enqueue_dma source(%dma_start3A_153 : memref<80xi32, #tpu.memory_space<hbm>>) target(%arg7 : memref<80xi32, #tpu.memory_space<vmem>>) target_semaphore(%arg16 : memref<!tpu.dma_semaphore, #tpu.memory_space<semaphore_mem>>)
        %dma_start3A_154 = arith.constant 0 : i32
        %dma_start3A_155 = tpu.memref_slice %arg3[%add3A_151, %dma_start3A_154] : memref<320000x128xf32, #tpu.memory_space<hbm>> -> memref<80x128xf32, #tpu.memory_space<hbm>>
        %dma_start3A_156 = arith.constant 0 : i32
        %dma_start3A_157 = tpu.memref_slice %arg3[%add3A_151, %dma_start3A_156] : memref<320000x128xf32, #tpu.memory_space<hbm>> -> memref<80x128xf32, #tpu.memory_space<hbm>>
        tpu.enqueue_dma source(%dma_start3A_157 : memref<80x128xf32, #tpu.memory_space<hbm>>) target(%arg11 : memref<80x128xf32, #tpu.memory_space<vmem>>) target_semaphore(%arg20 : memref<!tpu.dma_semaphore, #tpu.memory_space<semaphore_mem>>)
      } else {
      }
      %dma_wait3A_114 = arith.constant 0 : i32
      %dma_wait3A_115 = tpu.memref_slice %arg2[%dma_wait3A_114] : memref<320000xi32, #tpu.memory_space<hbm>> -> memref<80xi32, #tpu.memory_space<hbm>>
      %dma_wait3A_116 = arith.constant 0 : i32
      %dma_wait3A_117 = tpu.memref_slice %arg2[%dma_wait3A_116] : memref<320000xi32, #tpu.memory_space<hbm>> -> memref<80xi32, #tpu.memory_space<hbm>>
      tpu.wait_dma2 semaphore(%arg17 : memref<!tpu.dma_semaphore, #tpu.memory_space<semaphore_mem>>) src(%dma_wait3A_117 : memref<80xi32, #tpu.memory_space<hbm>>) dst(%arg8 : memref<80xi32, #tpu.memory_space<vmem>>)
      %dma_wait3A_118 = arith.constant 0 : i32
      %dma_wait3A_119 = arith.constant 0 : i32
      %dma_wait3A_120 = tpu.memref_slice %arg3[%dma_wait3A_118, %dma_wait3A_119] : memref<320000x128xf32, #tpu.memory_space<hbm>> -> memref<80x128xf32, #tpu.memory_space<hbm>>
      %dma_wait3A_121 = arith.constant 0 : i32
      %dma_wait3A_122 = arith.constant 0 : i32
      %dma_wait3A_123 = tpu.memref_slice %arg3[%dma_wait3A_121, %dma_wait3A_122] : memref<320000x128xf32, #tpu.memory_space<hbm>> -> memref<80x128xf32, #tpu.memory_space<hbm>>
      tpu.wait_dma2 semaphore(%arg21 : memref<!tpu.dma_semaphore, #tpu.memory_space<semaphore_mem>>) src(%dma_wait3A_123 : memref<80x128xf32, #tpu.memory_space<hbm>>) dst(%arg12 : memref<80x128xf32, #tpu.memory_space<vmem>>)
      "tpu.region"() ({
        %run_scoped3A = tpu.sem_alloc : memref<!tpu.dma_semaphore, #tpu.memory_space<semaphore_mem>>
        %dma_start3A_145 = arith.constant 0 : i32
        %dma_start3A_146 = arith.constant 0 : i32
        %dma_start3A_147 = tpu.memref_slice %arg14[%dma_start3A_145, %dma_start3A_146] : memref<10000x128xf32, #tpu.memory_space<vmem_shared>> -> memref<10000x128xf32, #tpu.memory_space<vmem_shared>>
        tpu.enqueue_indirect_dma source(%arg12 : memref<80x128xf32, #tpu.memory_space<vmem>>) target(%dma_start3A_147 : memref<10000x128xf32, #tpu.memory_space<vmem_shared>>) offsets(%arg8 : memref<80xi32, #tpu.memory_space<vmem>>) semaphore(%run_scoped3A : memref<!tpu.dma_semaphore, #tpu.memory_space<semaphore_mem>>) {add = true}
        %dma_wait3A_148 = arith.constant 0 : i32
        %dma_wait3A_149 = arith.constant 0 : i32
        %dma_wait3A_150 = tpu.memref_slice %arg14[%dma_wait3A_148, %dma_wait3A_149] : memref<10000x128xf32, #tpu.memory_space<vmem_shared>> -> memref<10000x128xf32, #tpu.memory_space<vmem_shared>>
        tpu.wait_indirect_dma semaphore(%run_scoped3A : memref<!tpu.dma_semaphore, #tpu.memory_space<semaphore_mem>>) src(%arg12 : memref<80x128xf32, #tpu.memory_space<vmem>>) dst(%dma_wait3A_150 : memref<10000x128xf32, #tpu.memory_space<vmem_shared>>)
        tpu.yield
      }) : () -> ()
      %add3A_124 = arith.constant 3 : i32
      %add3A_125 = arith.addi %mul3A_61, %add3A_124 : i32
      %add3A_126 = arith.constant 4 : i32
      %add3A_127 = arith.addi %add3A_125, %add3A_126 : i32
      %sub3A_128 = arith.constant 1 : i32
      %sub3A_129 = arith.subi %add3A_127, %sub3A_128 : i32
      %lt3A_130 = arith.constant 125 : i32
      %lt3A_131 = arith.cmpi slt, %sub3A_129, %lt3A_130 : i32
      %convert_element_type3A_132 = arith.extui %lt3A_131 : i1 to i32
      %cond3A_133 = arith.constant 0 : i32
      %cond3A_134 = arith.cmpi ne, %convert_element_type3A_132, %cond3A_133 : i32
      scf.if %cond3A_134 {
        %add3A_145 = arith.constant 4 : i32
        %add3A_146 = arith.addi %add3A_125, %add3A_145 : i32
        %sub3A_147 = arith.constant 1 : i32
        %sub3A_148 = arith.subi %add3A_146, %sub3A_147 : i32
        %mul3A_149 = arith.constant 80 : i32
        %mul3A_150 = arith.muli %sub3A_148, %mul3A_149 : i32
        %add3A_151 = arith.addi %mul3A_2, %mul3A_150 : i32
        %dma_start3A_152 = tpu.memref_slice %arg2[%add3A_151] : memref<320000xi32, #tpu.memory_space<hbm>> -> memref<80xi32, #tpu.memory_space<hbm>>
        %dma_start3A_153 = tpu.memref_slice %arg2[%add3A_151] : memref<320000xi32, #tpu.memory_space<hbm>> -> memref<80xi32, #tpu.memory_space<hbm>>
        tpu.enqueue_dma source(%dma_start3A_153 : memref<80xi32, #tpu.memory_space<hbm>>) target(%arg8 : memref<80xi32, #tpu.memory_space<vmem>>) target_semaphore(%arg17 : memref<!tpu.dma_semaphore, #tpu.memory_space<semaphore_mem>>)
        %dma_start3A_154 = arith.constant 0 : i32
        %dma_start3A_155 = tpu.memref_slice %arg3[%add3A_151, %dma_start3A_154] : memref<320000x128xf32, #tpu.memory_space<hbm>> -> memref<80x128xf32, #tpu.memory_space<hbm>>
        %dma_start3A_156 = arith.constant 0 : i32
        %dma_start3A_157 = tpu.memref_slice %arg3[%add3A_151, %dma_start3A_156] : memref<320000x128xf32, #tpu.memory_space<hbm>> -> memref<80x128xf32, #tpu.memory_space<hbm>>
        tpu.enqueue_dma source(%dma_start3A_157 : memref<80x128xf32, #tpu.memory_space<hbm>>) target(%arg12 : memref<80x128xf32, #tpu.memory_space<vmem>>) target_semaphore(%arg21 : memref<!tpu.dma_semaphore, #tpu.memory_space<semaphore_mem>>)
      } else {
      }
      %dma_wait3A_135 = arith.constant 0 : i32
      %dma_wait3A_136 = tpu.memref_slice %arg2[%dma_wait3A_135] : memref<320000xi32, #tpu.memory_space<hbm>> -> memref<80xi32, #tpu.memory_space<hbm>>
      %dma_wait3A_137 = arith.constant 0 : i32
      %dma_wait3A_138 = tpu.memref_slice %arg2[%dma_wait3A_137] : memref<320000xi32, #tpu.memory_space<hbm>> -> memref<80xi32, #tpu.memory_space<hbm>>
      tpu.wait_dma2 semaphore(%arg18 : memref<!tpu.dma_semaphore, #tpu.memory_space<semaphore_mem>>) src(%dma_wait3A_138 : memref<80xi32, #tpu.memory_space<hbm>>) dst(%arg9 : memref<80xi32, #tpu.memory_space<vmem>>)
      %dma_wait3A_139 = arith.constant 0 : i32
      %dma_wait3A_140 = arith.constant 0 : i32
      %dma_wait3A_141 = tpu.memref_slice %arg3[%dma_wait3A_139, %dma_wait3A_140] : memref<320000x128xf32, #tpu.memory_space<hbm>> -> memref<80x128xf32, #tpu.memory_space<hbm>>
      %dma_wait3A_142 = arith.constant 0 : i32
      %dma_wait3A_143 = arith.constant 0 : i32
      %dma_wait3A_144 = tpu.memref_slice %arg3[%dma_wait3A_142, %dma_wait3A_143] : memref<320000x128xf32, #tpu.memory_space<hbm>> -> memref<80x128xf32, #tpu.memory_space<hbm>>
      tpu.wait_dma2 semaphore(%arg22 : memref<!tpu.dma_semaphore, #tpu.memory_space<semaphore_mem>>) src(%dma_wait3A_144 : memref<80x128xf32, #tpu.memory_space<hbm>>) dst(%arg13 : memref<80x128xf32, #tpu.memory_space<vmem>>)
      "tpu.region"() ({
        %run_scoped3A = tpu.sem_alloc : memref<!tpu.dma_semaphore, #tpu.memory_space<semaphore_mem>>
        %dma_start3A_145 = arith.constant 0 : i32
        %dma_start3A_146 = arith.constant 0 : i32
        %dma_start3A_147 = tpu.memref_slice %arg14[%dma_start3A_145, %dma_start3A_146] : memref<10000x128xf32, #tpu.memory_space<vmem_shared>> -> memref<10000x128xf32, #tpu.memory_space<vmem_shared>>
        tpu.enqueue_indirect_dma source(%arg13 : memref<80x128xf32, #tpu.memory_space<vmem>>) target(%dma_start3A_147 : memref<10000x128xf32, #tpu.memory_space<vmem_shared>>) offsets(%arg9 : memref<80xi32, #tpu.memory_space<vmem>>) semaphore(%run_scoped3A : memref<!tpu.dma_semaphore, #tpu.memory_space<semaphore_mem>>) {add = true}
        %dma_wait3A_148 = arith.constant 0 : i32
        %dma_wait3A_149 = arith.constant 0 : i32
        %dma_wait3A_150 = tpu.memref_slice %arg14[%dma_wait3A_148, %dma_wait3A_149] : memref<10000x128xf32, #tpu.memory_space<vmem_shared>> -> memref<10000x128xf32, #tpu.memory_space<vmem_shared>>
        tpu.wait_indirect_dma semaphore(%run_scoped3A : memref<!tpu.dma_semaphore, #tpu.memory_space<semaphore_mem>>) src(%arg13 : memref<80x128xf32, #tpu.memory_space<vmem>>) dst(%dma_wait3A_150 : memref<10000x128xf32, #tpu.memory_space<vmem_shared>>)
        tpu.yield
      }) : () -> ()
    }
    %scan3A_38 = arith.constant 31 : i32
    %dma_wait3A = arith.constant 0 : i32
    %dma_wait3A_39 = tpu.memref_slice %arg2[%dma_wait3A] : memref<320000xi32, #tpu.memory_space<hbm>> -> memref<80xi32, #tpu.memory_space<hbm>>
    %dma_wait3A_40 = arith.constant 0 : i32
    %dma_wait3A_41 = tpu.memref_slice %arg2[%dma_wait3A_40] : memref<320000xi32, #tpu.memory_space<hbm>> -> memref<80xi32, #tpu.memory_space<hbm>>
    tpu.wait_dma2 semaphore(%arg15 : memref<!tpu.dma_semaphore, #tpu.memory_space<semaphore_mem>>) src(%dma_wait3A_41 : memref<80xi32, #tpu.memory_space<hbm>>) dst(%arg6 : memref<80xi32, #tpu.memory_space<vmem>>)
    %dma_wait3A_42 = arith.constant 0 : i32
    %dma_wait3A_43 = arith.constant 0 : i32
    %dma_wait3A_44 = tpu.memref_slice %arg3[%dma_wait3A_42, %dma_wait3A_43] : memref<320000x128xf32, #tpu.memory_space<hbm>> -> memref<80x128xf32, #tpu.memory_space<hbm>>
    %dma_wait3A_45 = arith.constant 0 : i32
    %dma_wait3A_46 = arith.constant 0 : i32
    %dma_wait3A_47 = tpu.memref_slice %arg3[%dma_wait3A_45, %dma_wait3A_46] : memref<320000x128xf32, #tpu.memory_space<hbm>> -> memref<80x128xf32, #tpu.memory_space<hbm>>
    tpu.wait_dma2 semaphore(%arg19 : memref<!tpu.dma_semaphore, #tpu.memory_space<semaphore_mem>>) src(%dma_wait3A_47 : memref<80x128xf32, #tpu.memory_space<hbm>>) dst(%arg10 : memref<80x128xf32, #tpu.memory_space<vmem>>)
    "tpu.region"() ({
      %run_scoped3A = tpu.sem_alloc : memref<!tpu.dma_semaphore, #tpu.memory_space<semaphore_mem>>
      %dma_start3A_59 = arith.constant 0 : i32
      %dma_start3A_60 = arith.constant 0 : i32
      %dma_start3A_61 = tpu.memref_slice %arg14[%dma_start3A_59, %dma_start3A_60] : memref<10000x128xf32, #tpu.memory_space<vmem_shared>> -> memref<10000x128xf32, #tpu.memory_space<vmem_shared>>
      tpu.enqueue_indirect_dma source(%arg10 : memref<80x128xf32, #tpu.memory_space<vmem>>) target(%dma_start3A_61 : memref<10000x128xf32, #tpu.memory_space<vmem_shared>>) offsets(%arg6 : memref<80xi32, #tpu.memory_space<vmem>>) semaphore(%run_scoped3A : memref<!tpu.dma_semaphore, #tpu.memory_space<semaphore_mem>>) {add = true}
      %dma_wait3A_62 = arith.constant 0 : i32
      %dma_wait3A_63 = arith.constant 0 : i32
      %dma_wait3A_64 = tpu.memref_slice %arg14[%dma_wait3A_62, %dma_wait3A_63] : memref<10000x128xf32, #tpu.memory_space<vmem_shared>> -> memref<10000x128xf32, #tpu.memory_space<vmem_shared>>
      tpu.wait_indirect_dma semaphore(%run_scoped3A : memref<!tpu.dma_semaphore, #tpu.memory_space<semaphore_mem>>) src(%arg10 : memref<80x128xf32, #tpu.memory_space<vmem>>) dst(%dma_wait3A_64 : memref<10000x128xf32, #tpu.memory_space<vmem_shared>>)
      tpu.yield
    }) : () -> ()
    %barrier3A_48 = arith.constant 0 : index
    tpu.barrier barrier_id(%barrier3A_48)
    %lt3A_49 = arith.constant 15 : i32
    %lt3A_50 = arith.cmpi slt, %arg1, %lt3A_49 : i32
    %convert_element_type3A_51 = arith.extui %lt3A_50 : i1 to i32
    %cond3A_52 = arith.constant 0 : i32
    %cond3A_53 = arith.cmpi ne, %convert_element_type3A_51, %cond3A_52 : i32
    scf.if %cond3A_53 {
      "tpu.region"() ({
        %run_scoped3A = tpu.sem_alloc : memref<!tpu.dma_semaphore, #tpu.memory_space<semaphore_mem>>
        %dma_start3A_59 = arith.constant 0 : i32
        %dma_start3A_60 = tpu.memref_slice %arg5[%arg0, %mul3A_4, %dma_start3A_59] : memref<2x10000x128xf32, #tpu.memory_space<hbm>> -> memref<1x632x128xf32, #tpu.memory_space<hbm>>
        %dma_start3A_61 = tpu.memref_squeeze %dma_start3A_60 : memref<1x632x128xf32, #tpu.memory_space<hbm>> -> memref<632x128xf32, #tpu.memory_space<hbm>>
        %dma_start3A_62 = arith.constant 0 : i32
        %dma_start3A_63 = tpu.memref_slice %arg14[%mul3A_4, %dma_start3A_62] : memref<10000x128xf32, #tpu.memory_space<vmem_shared>> -> memref<632x128xf32, #tpu.memory_space<vmem_shared>>
        tpu.enqueue_dma source(%dma_start3A_63 : memref<632x128xf32, #tpu.memory_space<vmem_shared>>) target(%dma_start3A_61 : memref<632x128xf32, #tpu.memory_space<hbm>>) target_semaphore(%run_scoped3A : memref<!tpu.dma_semaphore, #tpu.memory_space<semaphore_mem>>)
        %dma_wait3A_64 = arith.constant 0 : i32
        %dma_wait3A_65 = tpu.memref_slice %arg5[%arg0, %mul3A_4, %dma_wait3A_64] : memref<2x10000x128xf32, #tpu.memory_space<hbm>> -> memref<1x632x128xf32, #tpu.memory_space<hbm>>
        %dma_wait3A_66 = tpu.memref_squeeze %dma_wait3A_65 : memref<1x632x128xf32, #tpu.memory_space<hbm>> -> memref<632x128xf32, #tpu.memory_space<hbm>>
        %dma_wait3A_67 = arith.constant 0 : i32
        %dma_wait3A_68 = tpu.memref_slice %arg14[%mul3A_4, %dma_wait3A_67] : memref<10000x128xf32, #tpu.memory_space<vmem_shared>> -> memref<632x128xf32, #tpu.memory_space<vmem_shared>>
        tpu.wait_dma2 semaphore(%run_scoped3A : memref<!tpu.dma_semaphore, #tpu.memory_space<semaphore_mem>>) src(%dma_wait3A_68 : memref<632x128xf32, #tpu.memory_space<vmem_shared>>) dst(%dma_wait3A_66 : memref<632x128xf32, #tpu.memory_space<hbm>>)
        tpu.yield
      }) : () -> ()
    } else {
    }
    %eq3A_54 = arith.constant 15 : i32
    %eq3A_55 = arith.cmpi eq, %arg1, %eq3A_54 : i32
    %convert_element_type3A_56 = arith.extui %eq3A_55 : i1 to i32
    %cond3A_57 = arith.constant 0 : i32
    %cond3A_58 = arith.cmpi ne, %convert_element_type3A_56, %cond3A_57 : i32
    scf.if %cond3A_58 {
      "tpu.region"() ({
        %run_scoped3A = tpu.sem_alloc : memref<!tpu.dma_semaphore, #tpu.memory_space<semaphore_mem>>
        %dma_start3A_59 = arith.constant 9480 : i32
        %dma_start3A_60 = arith.constant 0 : i32
        %dma_start3A_61 = tpu.memref_slice %arg5[%arg0, %dma_start3A_59, %dma_start3A_60] : memref<2x10000x128xf32, #tpu.memory_space<hbm>> -> memref<1x520x128xf32, #tpu.memory_space<hbm>>
        %dma_start3A_62 = tpu.memref_squeeze %dma_start3A_61 : memref<1x520x128xf32, #tpu.memory_space<hbm>> -> memref<520x128xf32, #tpu.memory_space<hbm>>
        %dma_start3A_63 = arith.constant 9480 : i32
        %dma_start3A_64 = arith.constant 0 : i32
        %dma_start3A_65 = tpu.memref_slice %arg14[%dma_start3A_63, %dma_start3A_64] : memref<10000x128xf32, #tpu.memory_space<vmem_shared>> -> memref<520x128xf32, #tpu.memory_space<vmem_shared>>
        tpu.enqueue_dma source(%dma_start3A_65 : memref<520x128xf32, #tpu.memory_space<vmem_shared>>) target(%dma_start3A_62 : memref<520x128xf32, #tpu.memory_space<hbm>>) target_semaphore(%run_scoped3A : memref<!tpu.dma_semaphore, #tpu.memory_space<semaphore_mem>>)
        %dma_wait3A_66 = arith.constant 9480 : i32
        %dma_wait3A_67 = arith.constant 0 : i32
        %dma_wait3A_68 = tpu.memref_slice %arg5[%arg0, %dma_wait3A_66, %dma_wait3A_67] : memref<2x10000x128xf32, #tpu.memory_space<hbm>> -> memref<1x520x128xf32, #tpu.memory_space<hbm>>
        %dma_wait3A_69 = tpu.memref_squeeze %dma_wait3A_68 : memref<1x520x128xf32, #tpu.memory_space<hbm>> -> memref<520x128xf32, #tpu.memory_space<hbm>>
        %dma_wait3A_70 = arith.constant 9480 : i32
        %dma_wait3A_71 = arith.constant 0 : i32
        %dma_wait3A_72 = tpu.memref_slice %arg14[%dma_wait3A_70, %dma_wait3A_71] : memref<10000x128xf32, #tpu.memory_space<vmem_shared>> -> memref<520x128xf32, #tpu.memory_space<vmem_shared>>
        tpu.wait_dma2 semaphore(%run_scoped3A : memref<!tpu.dma_semaphore, #tpu.memory_space<semaphore_mem>>) src(%dma_wait3A_72 : memref<520x128xf32, #tpu.memory_space<vmem_shared>>) dst(%dma_wait3A_69 : memref<520x128xf32, #tpu.memory_space<hbm>>)
        tpu.yield
      }) : () -> ()
    } else {
    }
    return
  }
}

#map = affine_map<(d0, d1) -> (0)>
module attributes {stable_mosaic.version = 14 : i64} {
  func.func @body(%arg0: i32, %arg1: i32, %arg2: memref<320000xi32, #tpu.memory_space<hbm>>, %arg3: memref<320000xi32, #tpu.memory_space<hbm>>, %arg4: memref<320000xf32, #tpu.memory_space<hbm>>, %arg5: memref<40000xf32, #tpu.memory_space<hbm>>, %arg6: memref<40000xf32, #tpu.memory_space<hbm>>, %arg7: memref<1280000xf32, #tpu.memory_space<hbm>>, %arg8: memref<10000xi32, #tpu.memory_space<vmem>>, %arg9: memref<10000xi32, #tpu.memory_space<vmem>>, %arg10: memref<10000xf32, #tpu.memory_space<vmem>>, %arg11: memref<40000xf32, #tpu.memory_space<vmem>>, %arg12: memref<40000xf32, #tpu.memory_space<vmem>>) attributes {dimension_semantics = [#tpu.dimension_semantics<core_parallel>, #tpu.dimension_semantics<subcore_parallel>], iteration_bounds = array<i64: 2, 16>, scalar_prefetch = 0 : i64, scratch_operands = 5 : i64, tpu.core_type = #tpu.core_type<sc_vector_subcore>, window_params = [{transform_indices = #map}, {transform_indices = #map}, {transform_indices = #map}, {transform_indices = #map}, {transform_indices = #map}, {transform_indices = #map}]} {
    %mul3A = arith.constant 2 : i32
    %mul3A_0 = arith.muli %arg1, %mul3A : i32
    %add3A = arith.addi %mul3A_0, %arg0 : i32
    %mul3A_1 = arith.constant 10000 : i32
    %mul3A_2 = arith.muli %add3A, %mul3A_1 : i32
    "tpu.region"() ({
      %run_scoped3A = tpu.sem_alloc : memref<!tpu.dma_semaphore, #tpu.memory_space<semaphore_mem>>
      %dma_start3A = arith.constant 0 : i32
      %dma_start3A_11 = tpu.memref_slice %arg8[%dma_start3A] : memref<10000xi32, #tpu.memory_space<vmem>> -> memref<10000xi32, #tpu.memory_space<vmem>>
      %dma_start3A_12 = tpu.memref_slice %arg2[%mul3A_2] : memref<320000xi32, #tpu.memory_space<hbm>> -> memref<10000xi32, #tpu.memory_space<hbm>>
      %dma_start3A_13 = arith.constant 0 : i32
      %dma_start3A_14 = tpu.memref_slice %arg8[%dma_start3A_13] : memref<10000xi32, #tpu.memory_space<vmem>> -> memref<10000xi32, #tpu.memory_space<vmem>>
      %dma_start3A_15 = tpu.memref_slice %arg2[%mul3A_2] : memref<320000xi32, #tpu.memory_space<hbm>> -> memref<10000xi32, #tpu.memory_space<hbm>>
      tpu.enqueue_dma source(%dma_start3A_15 : memref<10000xi32, #tpu.memory_space<hbm>>) target(%dma_start3A_14 : memref<10000xi32, #tpu.memory_space<vmem>>) target_semaphore(%run_scoped3A : memref<!tpu.dma_semaphore, #tpu.memory_space<semaphore_mem>>)
      %dma_wait3A = arith.constant 0 : i32
      %dma_wait3A_16 = tpu.memref_slice %arg8[%dma_wait3A] : memref<10000xi32, #tpu.memory_space<vmem>> -> memref<10000xi32, #tpu.memory_space<vmem>>
      %dma_wait3A_17 = tpu.memref_slice %arg2[%mul3A_2] : memref<320000xi32, #tpu.memory_space<hbm>> -> memref<10000xi32, #tpu.memory_space<hbm>>
      %dma_wait3A_18 = arith.constant 0 : i32
      %dma_wait3A_19 = tpu.memref_slice %arg8[%dma_wait3A_18] : memref<10000xi32, #tpu.memory_space<vmem>> -> memref<10000xi32, #tpu.memory_space<vmem>>
      %dma_wait3A_20 = tpu.memref_slice %arg2[%mul3A_2] : memref<320000xi32, #tpu.memory_space<hbm>> -> memref<10000xi32, #tpu.memory_space<hbm>>
      tpu.wait_dma2 semaphore(%run_scoped3A : memref<!tpu.dma_semaphore, #tpu.memory_space<semaphore_mem>>) src(%dma_wait3A_20 : memref<10000xi32, #tpu.memory_space<hbm>>) dst(%dma_wait3A_19 : memref<10000xi32, #tpu.memory_space<vmem>>)
      tpu.yield
    }) : () -> ()
    "tpu.region"() ({
      %run_scoped3A = tpu.sem_alloc : memref<!tpu.dma_semaphore, #tpu.memory_space<semaphore_mem>>
      %dma_start3A = arith.constant 0 : i32
      %dma_start3A_11 = tpu.memref_slice %arg9[%dma_start3A] : memref<10000xi32, #tpu.memory_space<vmem>> -> memref<10000xi32, #tpu.memory_space<vmem>>
      %dma_start3A_12 = tpu.memref_slice %arg3[%mul3A_2] : memref<320000xi32, #tpu.memory_space<hbm>> -> memref<10000xi32, #tpu.memory_space<hbm>>
      %dma_start3A_13 = arith.constant 0 : i32
      %dma_start3A_14 = tpu.memref_slice %arg9[%dma_start3A_13] : memref<10000xi32, #tpu.memory_space<vmem>> -> memref<10000xi32, #tpu.memory_space<vmem>>
      %dma_start3A_15 = tpu.memref_slice %arg3[%mul3A_2] : memref<320000xi32, #tpu.memory_space<hbm>> -> memref<10000xi32, #tpu.memory_space<hbm>>
      tpu.enqueue_dma source(%dma_start3A_15 : memref<10000xi32, #tpu.memory_space<hbm>>) target(%dma_start3A_14 : memref<10000xi32, #tpu.memory_space<vmem>>) target_semaphore(%run_scoped3A : memref<!tpu.dma_semaphore, #tpu.memory_space<semaphore_mem>>)
      %dma_wait3A = arith.constant 0 : i32
      %dma_wait3A_16 = tpu.memref_slice %arg9[%dma_wait3A] : memref<10000xi32, #tpu.memory_space<vmem>> -> memref<10000xi32, #tpu.memory_space<vmem>>
      %dma_wait3A_17 = tpu.memref_slice %arg3[%mul3A_2] : memref<320000xi32, #tpu.memory_space<hbm>> -> memref<10000xi32, #tpu.memory_space<hbm>>
      %dma_wait3A_18 = arith.constant 0 : i32
      %dma_wait3A_19 = tpu.memref_slice %arg9[%dma_wait3A_18] : memref<10000xi32, #tpu.memory_space<vmem>> -> memref<10000xi32, #tpu.memory_space<vmem>>
      %dma_wait3A_20 = tpu.memref_slice %arg3[%mul3A_2] : memref<320000xi32, #tpu.memory_space<hbm>> -> memref<10000xi32, #tpu.memory_space<hbm>>
      tpu.wait_dma2 semaphore(%run_scoped3A : memref<!tpu.dma_semaphore, #tpu.memory_space<semaphore_mem>>) src(%dma_wait3A_20 : memref<10000xi32, #tpu.memory_space<hbm>>) dst(%dma_wait3A_19 : memref<10000xi32, #tpu.memory_space<vmem>>)
      tpu.yield
    }) : () -> ()
    "tpu.region"() ({
      %run_scoped3A = tpu.sem_alloc : memref<!tpu.dma_semaphore, #tpu.memory_space<semaphore_mem>>
      %dma_start3A = arith.constant 0 : i32
      %dma_start3A_11 = tpu.memref_slice %arg10[%dma_start3A] : memref<10000xf32, #tpu.memory_space<vmem>> -> memref<10000xf32, #tpu.memory_space<vmem>>
      %dma_start3A_12 = tpu.memref_slice %arg4[%mul3A_2] : memref<320000xf32, #tpu.memory_space<hbm>> -> memref<10000xf32, #tpu.memory_space<hbm>>
      %dma_start3A_13 = arith.constant 0 : i32
      %dma_start3A_14 = tpu.memref_slice %arg10[%dma_start3A_13] : memref<10000xf32, #tpu.memory_space<vmem>> -> memref<10000xf32, #tpu.memory_space<vmem>>
      %dma_start3A_15 = tpu.memref_slice %arg4[%mul3A_2] : memref<320000xf32, #tpu.memory_space<hbm>> -> memref<10000xf32, #tpu.memory_space<hbm>>
      tpu.enqueue_dma source(%dma_start3A_15 : memref<10000xf32, #tpu.memory_space<hbm>>) target(%dma_start3A_14 : memref<10000xf32, #tpu.memory_space<vmem>>) target_semaphore(%run_scoped3A : memref<!tpu.dma_semaphore, #tpu.memory_space<semaphore_mem>>)
      %dma_wait3A = arith.constant 0 : i32
      %dma_wait3A_16 = tpu.memref_slice %arg10[%dma_wait3A] : memref<10000xf32, #tpu.memory_space<vmem>> -> memref<10000xf32, #tpu.memory_space<vmem>>
      %dma_wait3A_17 = tpu.memref_slice %arg4[%mul3A_2] : memref<320000xf32, #tpu.memory_space<hbm>> -> memref<10000xf32, #tpu.memory_space<hbm>>
      %dma_wait3A_18 = arith.constant 0 : i32
      %dma_wait3A_19 = tpu.memref_slice %arg10[%dma_wait3A_18] : memref<10000xf32, #tpu.memory_space<vmem>> -> memref<10000xf32, #tpu.memory_space<vmem>>
      %dma_wait3A_20 = tpu.memref_slice %arg4[%mul3A_2] : memref<320000xf32, #tpu.memory_space<hbm>> -> memref<10000xf32, #tpu.memory_space<hbm>>
      tpu.wait_dma2 semaphore(%run_scoped3A : memref<!tpu.dma_semaphore, #tpu.memory_space<semaphore_mem>>) src(%dma_wait3A_20 : memref<10000xf32, #tpu.memory_space<hbm>>) dst(%dma_wait3A_19 : memref<10000xf32, #tpu.memory_space<vmem>>)
      tpu.yield
    }) : () -> ()
    "tpu.region"() ({
      %run_scoped3A = tpu.sem_alloc : memref<!tpu.dma_semaphore, #tpu.memory_space<semaphore_mem>>
      tpu.enqueue_dma source(%arg5 : memref<40000xf32, #tpu.memory_space<hbm>>) target(%arg11 : memref<40000xf32, #tpu.memory_space<vmem>>) target_semaphore(%run_scoped3A : memref<!tpu.dma_semaphore, #tpu.memory_space<semaphore_mem>>)
      tpu.wait_dma2 semaphore(%run_scoped3A : memref<!tpu.dma_semaphore, #tpu.memory_space<semaphore_mem>>) src(%arg5 : memref<40000xf32, #tpu.memory_space<hbm>>) dst(%arg11 : memref<40000xf32, #tpu.memory_space<vmem>>)
      tpu.yield
    }) : () -> ()
    "tpu.region"() ({
      %run_scoped3A = tpu.sem_alloc : memref<!tpu.dma_semaphore, #tpu.memory_space<semaphore_mem>>
      tpu.enqueue_dma source(%arg6 : memref<40000xf32, #tpu.memory_space<hbm>>) target(%arg12 : memref<40000xf32, #tpu.memory_space<vmem>>) target_semaphore(%run_scoped3A : memref<!tpu.dma_semaphore, #tpu.memory_space<semaphore_mem>>)
      tpu.wait_dma2 semaphore(%run_scoped3A : memref<!tpu.dma_semaphore, #tpu.memory_space<semaphore_mem>>) src(%arg6 : memref<40000xf32, #tpu.memory_space<hbm>>) dst(%arg12 : memref<40000xf32, #tpu.memory_space<vmem>>)
      tpu.yield
    }) : () -> ()
    %broadcast_in_dim3A = arith.constant 1.000000e+00 : f32
    %broadcast_in_dim3A_3 = vector.broadcast %broadcast_in_dim3A : f32 to vector<16xf32>
    %scan3A = arith.constant 0 : i32
    %scan3A_4 = arith.constant 0 : i32
    %scan3A_5 = arith.constant 625 : i32
    %scan3A_6 = arith.addi %scan3A_4, %scan3A_5 : i32
    %scan3A_7 = arith.constant 1 : i32
    scf.for %scan3A_11 = %scan3A_4 to %scan3A_6 step %scan3A_7  : i32 {
      %mul3A_12 = arith.constant 16 : i32
      %mul3A_13 = arith.muli %scan3A_11, %mul3A_12 : i32
      %get3A = arith.index_cast %mul3A_13 : i32 to index
      %get3A_14 = tpu.vector_load %arg8[%get3A] {strides = array<i32>} : memref<10000xi32, #tpu.memory_space<vmem>>, vector<16xi32>,
      %mul3A_15 = arith.constant 4 : i32
      %mul3A_16 = vector.broadcast %mul3A_15 : i32 to vector<16xi32>
      %mul3A_17 = arith.muli %get3A_14, %mul3A_16 : vector<16xi32>
      %get3A_18 = arith.index_cast %mul3A_13 : i32 to index
      %get3A_19 = tpu.vector_load %arg9[%get3A_18] {strides = array<i32>} : memref<10000xi32, #tpu.memory_space<vmem>>, vector<16xi32>,
      %mul3A_20 = arith.constant 4 : i32
      %mul3A_21 = vector.broadcast %mul3A_20 : i32 to vector<16xi32>
      %mul3A_22 = arith.muli %get3A_19, %mul3A_21 : vector<16xi32>
      %get3A_23 = arith.index_cast %mul3A_13 : i32 to index
      %get3A_24 = tpu.vector_load %arg10[%get3A_23] {strides = array<i32>} : memref<10000xf32, #tpu.memory_space<vmem>>, vector<16xf32>,
      %add3A_25 = arith.constant 0 : i32
      %add3A_26 = vector.broadcast %add3A_25 : i32 to vector<16xi32>
      %add3A_27 = arith.addi %mul3A_17, %add3A_26 : vector<16xi32>
      %gather3A = tpu.vector_load_idx %arg11[%add3A_27] : memref<40000xf32, #tpu.memory_space<vmem>>[vector<16xi32>], vector<16xf32>,
      %add3A_28 = arith.constant 0 : i32
      %add3A_29 = vector.broadcast %add3A_28 : i32 to vector<16xi32>
      %add3A_30 = arith.addi %mul3A_22, %add3A_29 : vector<16xi32>
      %gather3A_31 = tpu.vector_load_idx %arg11[%add3A_30] : memref<40000xf32, #tpu.memory_space<vmem>>[vector<16xi32>], vector<16xf32>,
      %add3A_32 = arith.constant 0 : i32
      %add3A_33 = vector.broadcast %add3A_32 : i32 to vector<16xi32>
      %add3A_34 = arith.addi %mul3A_22, %add3A_33 : vector<16xi32>
      %sub3A = arith.subf %gather3A, %gather3A_31 : vector<16xf32>
      %mul3A_35 = arith.mulf %get3A_24, %sub3A : vector<16xf32>
      tpu.vector_store_idx %arg12[%add3A_34], %mul3A_35 {add = true} : memref<40000xf32, #tpu.memory_space<vmem>>[vector<16xi32>], vector<16xf32>,
      %add3A_36 = arith.constant 1 : i32
      %add3A_37 = vector.broadcast %add3A_36 : i32 to vector<16xi32>
      %add3A_38 = arith.addi %mul3A_17, %add3A_37 : vector<16xi32>
      %gather3A_39 = tpu.vector_load_idx %arg11[%add3A_38] : memref<40000xf32, #tpu.memory_space<vmem>>[vector<16xi32>], vector<16xf32>,
      %add3A_40 = arith.constant 1 : i32
      %add3A_41 = vector.broadcast %add3A_40 : i32 to vector<16xi32>
      %add3A_42 = arith.addi %mul3A_22, %add3A_41 : vector<16xi32>
      %gather3A_43 = tpu.vector_load_idx %arg11[%add3A_42] : memref<40000xf32, #tpu.memory_space<vmem>>[vector<16xi32>], vector<16xf32>,
      %add3A_44 = arith.constant 1 : i32
      %add3A_45 = vector.broadcast %add3A_44 : i32 to vector<16xi32>
      %add3A_46 = arith.addi %mul3A_22, %add3A_45 : vector<16xi32>
      %sub3A_47 = arith.subf %gather3A_39, %gather3A_43 : vector<16xf32>
      %mul3A_48 = arith.mulf %get3A_24, %sub3A_47 : vector<16xf32>
      tpu.vector_store_idx %arg12[%add3A_46], %mul3A_48 {add = true} : memref<40000xf32, #tpu.memory_space<vmem>>[vector<16xi32>], vector<16xf32>,
      %add3A_49 = arith.constant 2 : i32
      %add3A_50 = vector.broadcast %add3A_49 : i32 to vector<16xi32>
      %add3A_51 = arith.addi %mul3A_17, %add3A_50 : vector<16xi32>
      %gather3A_52 = tpu.vector_load_idx %arg11[%add3A_51] : memref<40000xf32, #tpu.memory_space<vmem>>[vector<16xi32>], vector<16xf32>,
      %add3A_53 = arith.constant 2 : i32
      %add3A_54 = vector.broadcast %add3A_53 : i32 to vector<16xi32>
      %add3A_55 = arith.addi %mul3A_22, %add3A_54 : vector<16xi32>
      %gather3A_56 = tpu.vector_load_idx %arg11[%add3A_55] : memref<40000xf32, #tpu.memory_space<vmem>>[vector<16xi32>], vector<16xf32>,
      %add3A_57 = arith.constant 2 : i32
      %add3A_58 = vector.broadcast %add3A_57 : i32 to vector<16xi32>
      %add3A_59 = arith.addi %mul3A_22, %add3A_58 : vector<16xi32>
      %sub3A_60 = arith.subf %gather3A_52, %gather3A_56 : vector<16xf32>
      %mul3A_61 = arith.mulf %get3A_24, %sub3A_60 : vector<16xf32>
      tpu.vector_store_idx %arg12[%add3A_59], %mul3A_61 {add = true} : memref<40000xf32, #tpu.memory_space<vmem>>[vector<16xi32>], vector<16xf32>,
      %add3A_62 = arith.constant 3 : i32
      %add3A_63 = vector.broadcast %add3A_62 : i32 to vector<16xi32>
      %add3A_64 = arith.addi %mul3A_22, %add3A_63 : vector<16xi32>
      tpu.vector_store_idx %arg12[%add3A_64], %broadcast_in_dim3A_3 {add = true} : memref<40000xf32, #tpu.memory_space<vmem>>[vector<16xi32>], vector<16xf32>,
    }
    %scan3A_8 = arith.constant 625 : i32
    %mul3A_9 = arith.constant 40000 : i32
    %mul3A_10 = arith.muli %add3A, %mul3A_9 : i32
    "tpu.region"() ({
      %run_scoped3A = tpu.sem_alloc : memref<!tpu.dma_semaphore, #tpu.memory_space<semaphore_mem>>
      %dma_start3A = tpu.memref_slice %arg7[%mul3A_10] : memref<1280000xf32, #tpu.memory_space<hbm>> -> memref<40000xf32, #tpu.memory_space<hbm>>
      %dma_start3A_11 = tpu.memref_slice %arg7[%mul3A_10] : memref<1280000xf32, #tpu.memory_space<hbm>> -> memref<40000xf32, #tpu.memory_space<hbm>>
      tpu.enqueue_dma source(%arg12 : memref<40000xf32, #tpu.memory_space<vmem>>) target(%dma_start3A_11 : memref<40000xf32, #tpu.memory_space<hbm>>) target_semaphore(%run_scoped3A : memref<!tpu.dma_semaphore, #tpu.memory_space<semaphore_mem>>)
      %dma_wait3A = tpu.memref_slice %arg7[%mul3A_10] : memref<1280000xf32, #tpu.memory_space<hbm>> -> memref<40000xf32, #tpu.memory_space<hbm>>
      %dma_wait3A_12 = tpu.memref_slice %arg7[%mul3A_10] : memref<1280000xf32, #tpu.memory_space<hbm>> -> memref<40000xf32, #tpu.memory_space<hbm>>
      tpu.wait_dma2 semaphore(%run_scoped3A : memref<!tpu.dma_semaphore, #tpu.memory_space<semaphore_mem>>) src(%arg12 : memref<40000xf32, #tpu.memory_space<vmem>>) dst(%dma_wait3A_12 : memref<40000xf32, #tpu.memory_space<hbm>>)
      tpu.yield
    }) : () -> ()
    return
  }
}

module attributes {stable_mosaic.version = 14 : i64} {
  func.func @_proj_body(%arg0: memref<10000x128xf32, #tpu.memory_space<vmem>>, %arg1: memref<128x256xf32, #tpu.memory_space<vmem>>, %arg2: memref<128x256xf32, #tpu.memory_space<vmem>>, %arg3: memref<10000x128xi32, #tpu.memory_space<vmem>>, %arg4: memref<10000x128xi32, #tpu.memory_space<vmem>>) attributes {dimension_semantics = [], scalar_prefetch = 0 : i64, scratch_operands = 0 : i64, tpu.core_type = #tpu.core_type<tc>} {
    %get3A = arith.constant 0 : index
    %get3A_0 = arith.constant 0 : index
    %get3A_1 = vector.load %arg0[%get3A, %get3A_0] : memref<10000x128xf32, #tpu.memory_space<vmem>>, vector<10000x128xf32>
    %get3A_2 = arith.constant 0 : index
    %get3A_3 = arith.constant 0 : index
    %get3A_4 = vector.load %arg1[%get3A_2, %get3A_3] : memref<128x256xf32, #tpu.memory_space<vmem>>, vector<128x128xf32>
    %dot_general3A = arith.constant dense<0.000000e+00> : vector<10000x128xf32>
    %dot_general3A_5 = tpu.matmul %get3A_1, %get3A_4, %dot_general3A {dimension_numbers = #tpu.dot_dimension_numbers<[1], [0], [0], [1], [0, 0, 1, 1], [], []>, transpose_lhs_hint = false} : vector<10000x128xf32>, vector<128x128xf32>, vector<10000x128xf32> -> vector<10000x128xf32>
    %get3A_6 = arith.constant 0 : index
    %get3A_7 = arith.constant 128 : index
    %get3A_8 = vector.load %arg1[%get3A_6, %get3A_7] : memref<128x256xf32, #tpu.memory_space<vmem>>, vector<128x128xf32>
    %dot_general3A_9 = arith.constant dense<0.000000e+00> : vector<10000x128xf32>
    %dot_general3A_10 = tpu.matmul %get3A_1, %get3A_8, %dot_general3A_9 {dimension_numbers = #tpu.dot_dimension_numbers<[1], [0], [0], [1], [0, 0, 1, 1], [], []>, transpose_lhs_hint = false} : vector<10000x128xf32>, vector<128x128xf32>, vector<10000x128xf32> -> vector<10000x128xf32>
    %bitcast_convert_type3A = tpu.bitcast %dot_general3A_5 : vector<10000x128xf32> -> vector<10000x128xi32>
    %add3A = arith.constant 32767 : i32
    %add3A_11 = vector.broadcast %add3A : i32 to vector<10000x128xi32>
    %add3A_12 = arith.addi %bitcast_convert_type3A, %add3A_11 : vector<10000x128xi32>
    %shift_right_logical3A = arith.constant 16 : i32
    %shift_right_logical3A_13 = vector.broadcast %shift_right_logical3A : i32 to vector<10000x128xi32>
    %shift_right_logical3A_14 = arith.shrui %bitcast_convert_type3A, %shift_right_logical3A_13 : vector<10000x128xi32>
    %and3A = arith.constant 1 : i32
    %and3A_15 = vector.broadcast %and3A : i32 to vector<10000x128xi32>
    %and3A_16 = arith.andi %shift_right_logical3A_14, %and3A_15 : vector<10000x128xi32>
    %add3A_17 = arith.addi %add3A_12, %and3A_16 : vector<10000x128xi32>
    %shift_right_logical3A_18 = arith.constant 16 : i32
    %shift_right_logical3A_19 = vector.broadcast %shift_right_logical3A_18 : i32 to vector<10000x128xi32>
    %shift_right_logical3A_20 = arith.shrui %add3A_17, %shift_right_logical3A_19 : vector<10000x128xi32>
    %bitcast_convert_type3A_21 = tpu.bitcast %dot_general3A_10 : vector<10000x128xf32> -> vector<10000x128xi32>
    %add3A_22 = arith.constant 32767 : i32
    %add3A_23 = vector.broadcast %add3A_22 : i32 to vector<10000x128xi32>
    %add3A_24 = arith.addi %bitcast_convert_type3A_21, %add3A_23 : vector<10000x128xi32>
    %shift_right_logical3A_25 = arith.constant 16 : i32
    %shift_right_logical3A_26 = vector.broadcast %shift_right_logical3A_25 : i32 to vector<10000x128xi32>
    %shift_right_logical3A_27 = arith.shrui %bitcast_convert_type3A_21, %shift_right_logical3A_26 : vector<10000x128xi32>
    %and3A_28 = arith.constant 1 : i32
    %and3A_29 = vector.broadcast %and3A_28 : i32 to vector<10000x128xi32>
    %and3A_30 = arith.andi %shift_right_logical3A_27, %and3A_29 : vector<10000x128xi32>
    %add3A_31 = arith.addi %add3A_24, %and3A_30 : vector<10000x128xi32>
    %shift_right_logical3A_32 = arith.constant 16 : i32
    %shift_right_logical3A_33 = vector.broadcast %shift_right_logical3A_32 : i32 to vector<10000x128xi32>
    %shift_right_logical3A_34 = arith.shrui %add3A_31, %shift_right_logical3A_33 : vector<10000x128xi32>
    %shift_left3A = arith.constant 16 : i32
    %shift_left3A_35 = vector.broadcast %shift_left3A : i32 to vector<10000x128xi32>
    %shift_left3A_36 = arith.shli %shift_right_logical3A_34, %shift_left3A_35 : vector<10000x128xi32>
    %or3A = arith.ori %shift_right_logical3A_20, %shift_left3A_36 : vector<10000x128xi32>
    %swap3A = arith.constant 0 : index
    %swap3A_37 = arith.constant 0 : index
    %swap3A_38 = vector.load %arg3[%swap3A, %swap3A_37] : memref<10000x128xi32, #tpu.memory_space<vmem>>, vector<10000x128xi32>
    tpu.vector_store %arg3[%swap3A, %swap3A_37], %or3A {strides = array<i32>} : memref<10000x128xi32, #tpu.memory_space<vmem>>, vector<10000x128xi32>,
    %get3A_39 = arith.constant 0 : index
    %get3A_40 = arith.constant 0 : index
    %get3A_41 = vector.load %arg2[%get3A_39, %get3A_40] : memref<128x256xf32, #tpu.memory_space<vmem>>, vector<128x128xf32>
    %dot_general3A_42 = arith.constant dense<0.000000e+00> : vector<10000x128xf32>
    %dot_general3A_43 = tpu.matmul %get3A_1, %get3A_41, %dot_general3A_42 {dimension_numbers = #tpu.dot_dimension_numbers<[1], [0], [0], [1], [0, 0, 1, 1], [], []>, transpose_lhs_hint = false} : vector<10000x128xf32>, vector<128x128xf32>, vector<10000x128xf32> -> vector<10000x128xf32>
    %get3A_44 = arith.constant 0 : index
    %get3A_45 = arith.constant 128 : index
    %get3A_46 = vector.load %arg2[%get3A_44, %get3A_45] : memref<128x256xf32, #tpu.memory_space<vmem>>, vector<128x128xf32>
    %dot_general3A_47 = arith.constant dense<0.000000e+00> : vector<10000x128xf32>
    %dot_general3A_48 = tpu.matmul %get3A_1, %get3A_46, %dot_general3A_47 {dimension_numbers = #tpu.dot_dimension_numbers<[1], [0], [0], [1], [0, 0, 1, 1], [], []>, transpose_lhs_hint = false} : vector<10000x128xf32>, vector<128x128xf32>, vector<10000x128xf32> -> vector<10000x128xf32>
    %bitcast_convert_type3A_49 = tpu.bitcast %dot_general3A_43 : vector<10000x128xf32> -> vector<10000x128xi32>
    %add3A_50 = arith.constant 32767 : i32
    %add3A_51 = vector.broadcast %add3A_50 : i32 to vector<10000x128xi32>
    %add3A_52 = arith.addi %bitcast_convert_type3A_49, %add3A_51 : vector<10000x128xi32>
    %shift_right_logical3A_53 = arith.constant 16 : i32
    %shift_right_logical3A_54 = vector.broadcast %shift_right_logical3A_53 : i32 to vector<10000x128xi32>
    %shift_right_logical3A_55 = arith.shrui %bitcast_convert_type3A_49, %shift_right_logical3A_54 : vector<10000x128xi32>
    %and3A_56 = arith.constant 1 : i32
    %and3A_57 = vector.broadcast %and3A_56 : i32 to vector<10000x128xi32>
    %and3A_58 = arith.andi %shift_right_logical3A_55, %and3A_57 : vector<10000x128xi32>
    %add3A_59 = arith.addi %add3A_52, %and3A_58 : vector<10000x128xi32>
    %shift_right_logical3A_60 = arith.constant 16 : i32
    %shift_right_logical3A_61 = vector.broadcast %shift_right_logical3A_60 : i32 to vector<10000x128xi32>
    %shift_right_logical3A_62 = arith.shrui %add3A_59, %shift_right_logical3A_61 : vector<10000x128xi32>
    %bitcast_convert_type3A_63 = tpu.bitcast %dot_general3A_48 : vector<10000x128xf32> -> vector<10000x128xi32>
    %add3A_64 = arith.constant 32767 : i32
    %add3A_65 = vector.broadcast %add3A_64 : i32 to vector<10000x128xi32>
    %add3A_66 = arith.addi %bitcast_convert_type3A_63, %add3A_65 : vector<10000x128xi32>
    %shift_right_logical3A_67 = arith.constant 16 : i32
    %shift_right_logical3A_68 = vector.broadcast %shift_right_logical3A_67 : i32 to vector<10000x128xi32>
    %shift_right_logical3A_69 = arith.shrui %bitcast_convert_type3A_63, %shift_right_logical3A_68 : vector<10000x128xi32>
    %and3A_70 = arith.constant 1 : i32
    %and3A_71 = vector.broadcast %and3A_70 : i32 to vector<10000x128xi32>
    %and3A_72 = arith.andi %shift_right_logical3A_69, %and3A_71 : vector<10000x128xi32>
    %add3A_73 = arith.addi %add3A_66, %and3A_72 : vector<10000x128xi32>
    %shift_right_logical3A_74 = arith.constant 16 : i32
    %shift_right_logical3A_75 = vector.broadcast %shift_right_logical3A_74 : i32 to vector<10000x128xi32>
    %shift_right_logical3A_76 = arith.shrui %add3A_73, %shift_right_logical3A_75 : vector<10000x128xi32>
    %shift_left3A_77 = arith.constant 16 : i32
    %shift_left3A_78 = vector.broadcast %shift_left3A_77 : i32 to vector<10000x128xi32>
    %shift_left3A_79 = arith.shli %shift_right_logical3A_76, %shift_left3A_78 : vector<10000x128xi32>
    %or3A_80 = arith.ori %shift_right_logical3A_62, %shift_left3A_79 : vector<10000x128xi32>
    %swap3A_81 = arith.constant 0 : index
    %swap3A_82 = arith.constant 0 : index
    %swap3A_83 = vector.load %arg4[%swap3A_81, %swap3A_82] : memref<10000x128xi32, #tpu.memory_space<vmem>>, vector<10000x128xi32>
    tpu.vector_store %arg4[%swap3A_81, %swap3A_82], %or3A_80 {strides = array<i32>} : memref<10000x128xi32, #tpu.memory_space<vmem>>, vector<10000x128xi32>,
    return
  }
}

module attributes {stable_mosaic.version = 14 : i64} {
  func.func @body(%arg0: i32, %arg1: memref<320000xf32, #tpu.memory_space<vmem>>, %arg2: memref<3200x128xi32, #tpu.memory_space<vmem>>, %arg3: memref<1x16xf32, #tpu.memory_space<vmem>>, %arg4: memref<1x16xf32, #tpu.memory_space<vmem>>, %arg5: memref<16x16xf32, #tpu.memory_space<vmem>>, %arg6: memref<1x16xf32, #tpu.memory_space<vmem>>, %arg7: memref<16x128xf32, #tpu.memory_space<vmem>>, %arg8: memref<16x128xf32, #tpu.memory_space<vmem>>, %arg9: memref<1x128xf32, #tpu.memory_space<vmem>>, %arg10: memref<1x128xf32, #tpu.memory_space<vmem>>, %arg11: memref<1x128xf32, #tpu.memory_space<vmem>>, %arg12: memref<3200x128xf32, #tpu.memory_space<vmem>>, %arg13: memref<1x25x128xf32, #tpu.memory_space<vmem>>) attributes {dimension_semantics = [#tpu.dimension_semantics<arbitrary>], iteration_bounds = array<i64: 100>, scalar_prefetch = 0 : i64, scratch_operands = 0 : i64, tpu.core_type = #tpu.core_type<tc>, window_params = [{pipeline_mode = #tpu.pipeline_mode<synchronous>, transform_indices = @transform_0, window_bounds = array<i64: 320000>}, {transform_indices = @transform_1, window_bounds = array<i64: 3200, 128>}, {pipeline_mode = #tpu.pipeline_mode<synchronous>, transform_indices = @transform_2, window_bounds = array<i64: 1, 16>}, {pipeline_mode = #tpu.pipeline_mode<synchronous>, transform_indices = @transform_3, window_bounds = array<i64: 1, 16>}, {pipeline_mode = #tpu.pipeline_mode<synchronous>, transform_indices = @transform_4, window_bounds = array<i64: 16, 16>}, {pipeline_mode = #tpu.pipeline_mode<synchronous>, transform_indices = @transform_5, window_bounds = array<i64: 1, 16>}, {pipeline_mode = #tpu.pipeline_mode<synchronous>, transform_indices = @transform_6, window_bounds = array<i64: 16, 128>}, {pipeline_mode = #tpu.pipeline_mode<synchronous>, transform_indices = @transform_7, window_bounds = array<i64: 16, 128>}, {pipeline_mode = #tpu.pipeline_mode<synchronous>, transform_indices = @transform_8, window_bounds = array<i64: 1, 128>}, {pipeline_mode = #tpu.pipeline_mode<synchronous>, transform_indices = @transform_9, window_bounds = array<i64: 1, 128>}, {pipeline_mode = #tpu.pipeline_mode<synchronous>, transform_indices = @transform_10, window_bounds = array<i64: 1, 128>}, {transform_indices = @transform_11, window_bounds = array<i64: 3200, 128>}, {transform_indices = @transform_12, window_bounds = array<i64: 1, 25, 128>}]} {
    %mul3A = arith.constant 3200 : i32
    %mul3A_0 = arith.muli %arg0, %mul3A : i32
    %get3A = arith.index_cast %mul3A_0 : i32 to index
    %get3A_1 = vector.load %arg1[%get3A] : memref<320000xf32, #tpu.memory_space<vmem>>, vector<3200xf32>
    %broadcast_in_dim3A = vector.shape_cast %get3A_1 : vector<3200xf32> to vector<3200x1xf32>
    %get3A_2 = arith.constant 0 : index
    %get3A_3 = arith.constant 0 : index
    %get3A_4 = vector.load %arg3[%get3A_2, %get3A_3] : memref<1x16xf32, #tpu.memory_space<vmem>>, vector<1x16xf32>
    %mul3A_5 = vector.broadcast %broadcast_in_dim3A : vector<3200x1xf32> to vector<3200x16xf32>
    %mul3A_6 = vector.broadcast %get3A_4 : vector<1x16xf32> to vector<3200x16xf32>
    %mul3A_7 = arith.mulf %mul3A_5, %mul3A_6 : vector<3200x16xf32>
    %get3A_8 = arith.constant 0 : index
    %get3A_9 = arith.constant 0 : index
    %get3A_10 = vector.load %arg4[%get3A_8, %get3A_9] : memref<1x16xf32, #tpu.memory_space<vmem>>, vector<1x16xf32>
    %add3A = vector.broadcast %get3A_10 : vector<1x16xf32> to vector<3200x16xf32>
    %add3A_11 = arith.addf %mul3A_7, %add3A : vector<3200x16xf32>
    %neg3A = arith.constant 0.000000e+00 : f32
    %neg3A_12 = vector.broadcast %neg3A : f32 to vector<3200x16xf32>
    %neg3A_13 = arith.subf %neg3A_12, %add3A_11 : vector<3200x16xf32>
    %exp3A = math.exp %neg3A_13 : vector<3200x16xf32>
    %add3A_14 = arith.constant 1.000000e+00 : f32
    %add3A_15 = vector.broadcast %add3A_14 : f32 to vector<3200x16xf32>
    %add3A_16 = arith.addf %add3A_15, %exp3A : vector<3200x16xf32>
    %div3A = arith.constant 1.000000e+00 : f32
    %div3A_17 = vector.broadcast %div3A : f32 to vector<3200x16xf32>
    %div3A_18 = arith.divf %div3A_17, %add3A_16 : vector<3200x16xf32>
    %mul3A_19 = arith.mulf %add3A_11, %div3A_18 : vector<3200x16xf32>
    %get3A_20 = arith.constant 0 : index
    %get3A_21 = arith.constant 0 : index
    %get3A_22 = vector.load %arg5[%get3A_20, %get3A_21] : memref<16x16xf32, #tpu.memory_space<vmem>>, vector<16x16xf32>
    %dot_general3A = arith.constant dense<0.000000e+00> : vector<3200x16xf32>
    %dot_general3A_23 = tpu.matmul %mul3A_19, %get3A_22, %dot_general3A {dimension_numbers = #tpu.dot_dimension_numbers<[1], [0], [0], [1], [0, 0, 1, 1], [], []>, transpose_lhs_hint = false} : vector<3200x16xf32>, vector<16x16xf32>, vector<3200x16xf32> -> vector<3200x16xf32>
    %get3A_24 = arith.constant 0 : index
    %get3A_25 = arith.constant 0 : index
    %get3A_26 = vector.load %arg6[%get3A_24, %get3A_25] : memref<1x16xf32, #tpu.memory_space<vmem>>, vector<1x16xf32>
    %add3A_27 = vector.broadcast %get3A_26 : vector<1x16xf32> to vector<3200x16xf32>
    %add3A_28 = arith.addf %dot_general3A_23, %add3A_27 : vector<3200x16xf32>
    %get3A_29 = arith.constant 0 : index
    %get3A_30 = arith.constant 0 : index
    %get3A_31 = vector.load %arg2[%get3A_29, %get3A_30] : memref<3200x128xi32, #tpu.memory_space<vmem>>, vector<3200x128xi32>
    %shift_left3A = arith.constant 16 : i32
    %shift_left3A_32 = vector.broadcast %shift_left3A : i32 to vector<3200x128xi32>
    %shift_left3A_33 = arith.shli %get3A_31, %shift_left3A_32 : vector<3200x128xi32>
    %bitcast_convert_type3A = tpu.bitcast %shift_left3A_33 : vector<3200x128xi32> -> vector<3200x128xf32>
    %get3A_34 = arith.constant 0 : index
    %get3A_35 = arith.constant 0 : index
    %get3A_36 = vector.load %arg7[%get3A_34, %get3A_35] : memref<16x128xf32, #tpu.memory_space<vmem>>, vector<16x128xf32>
    %dot_general3A_37 = arith.constant dense<0.000000e+00> : vector<3200x128xf32>
    %dot_general3A_38 = tpu.matmul %add3A_28, %get3A_36, %dot_general3A_37 {dimension_numbers = #tpu.dot_dimension_numbers<[1], [0], [0], [1], [0, 0, 1, 1], [], []>, transpose_lhs_hint = false} : vector<3200x16xf32>, vector<16x128xf32>, vector<3200x128xf32> -> vector<3200x128xf32>
    %add3A_39 = arith.addf %bitcast_convert_type3A, %dot_general3A_38 : vector<3200x128xf32>
    %get3A_40 = arith.constant 0 : index
    %get3A_41 = arith.constant 0 : index
    %get3A_42 = vector.load %arg9[%get3A_40, %get3A_41] : memref<1x128xf32, #tpu.memory_space<vmem>>, vector<1x128xf32>
    %add3A_43 = vector.broadcast %get3A_42 : vector<1x128xf32> to vector<3200x128xf32>
    %add3A_44 = arith.addf %add3A_39, %add3A_43 : vector<3200x128xf32>
    %and3A = arith.constant -65536 : i32
    %and3A_45 = vector.broadcast %and3A : i32 to vector<3200x128xi32>
    %and3A_46 = arith.andi %get3A_31, %and3A_45 : vector<3200x128xi32>
    %bitcast_convert_type3A_47 = tpu.bitcast %and3A_46 : vector<3200x128xi32> -> vector<3200x128xf32>
    %get3A_48 = arith.constant 0 : index
    %get3A_49 = arith.constant 0 : index
    %get3A_50 = vector.load %arg8[%get3A_48, %get3A_49] : memref<16x128xf32, #tpu.memory_space<vmem>>, vector<16x128xf32>
    %dot_general3A_51 = arith.constant dense<0.000000e+00> : vector<3200x128xf32>
    %dot_general3A_52 = tpu.matmul %add3A_28, %get3A_50, %dot_general3A_51 {dimension_numbers = #tpu.dot_dimension_numbers<[1], [0], [0], [1], [0, 0, 1, 1], [], []>, transpose_lhs_hint = false} : vector<3200x16xf32>, vector<16x128xf32>, vector<3200x128xf32> -> vector<3200x128xf32>
    %add3A_53 = arith.addf %bitcast_convert_type3A_47, %dot_general3A_52 : vector<3200x128xf32>
    %get3A_54 = arith.constant 0 : index
    %get3A_55 = arith.constant 0 : index
    %get3A_56 = vector.load %arg10[%get3A_54, %get3A_55] : memref<1x128xf32, #tpu.memory_space<vmem>>, vector<1x128xf32>
    %add3A_57 = vector.broadcast %get3A_56 : vector<1x128xf32> to vector<3200x128xf32>
    %add3A_58 = arith.addf %add3A_53, %add3A_57 : vector<3200x128xf32>
    %neg3A_59 = arith.constant 0.000000e+00 : f32
    %neg3A_60 = vector.broadcast %neg3A_59 : f32 to vector<3200x128xf32>
    %neg3A_61 = arith.subf %neg3A_60, %add3A_44 : vector<3200x128xf32>
    %exp3A_62 = math.exp %neg3A_61 : vector<3200x128xf32>
    %add3A_63 = arith.constant 1.000000e+00 : f32
    %add3A_64 = vector.broadcast %add3A_63 : f32 to vector<3200x128xf32>
    %add3A_65 = arith.addf %add3A_64, %exp3A_62 : vector<3200x128xf32>
    %div3A_66 = arith.constant 1.000000e+00 : f32
    %div3A_67 = vector.broadcast %div3A_66 : f32 to vector<3200x128xf32>
    %div3A_68 = arith.divf %div3A_67, %add3A_65 : vector<3200x128xf32>
    %mul3A_69 = arith.mulf %add3A_44, %div3A_68 : vector<3200x128xf32>
    %swap3A = arith.constant 0 : index
    %swap3A_70 = arith.constant 0 : index
    %swap3A_71 = vector.load %arg12[%swap3A, %swap3A_70] : memref<3200x128xf32, #tpu.memory_space<vmem>>, vector<3200x128xf32>
    tpu.vector_store %arg12[%swap3A, %swap3A_70], %mul3A_69 {strides = array<i32>} : memref<3200x128xf32, #tpu.memory_space<vmem>>, vector<3200x128xf32>,
    %neg3A_72 = arith.constant 0.000000e+00 : f32
    %neg3A_73 = vector.broadcast %neg3A_72 : f32 to vector<3200x128xf32>
    %neg3A_74 = arith.subf %neg3A_73, %add3A_58 : vector<3200x128xf32>
    %exp3A_75 = math.exp %neg3A_74 : vector<3200x128xf32>
    %add3A_76 = arith.constant 1.000000e+00 : f32
    %add3A_77 = vector.broadcast %add3A_76 : f32 to vector<3200x128xf32>
    %add3A_78 = arith.addf %add3A_77, %exp3A_75 : vector<3200x128xf32>
    %div3A_79 = arith.constant 1.000000e+00 : f32
    %div3A_80 = vector.broadcast %div3A_79 : f32 to vector<3200x128xf32>
    %div3A_81 = arith.divf %div3A_80, %add3A_78 : vector<3200x128xf32>
    %mul3A_82 = arith.mulf %add3A_58, %div3A_81 : vector<3200x128xf32>
    %reshape3A = vector.shape_cast %mul3A_82 : vector<3200x128xf32> to vector<25x128x128xf32>
    %get3A_83 = arith.constant 0 : index
    %get3A_84 = arith.constant 0 : index
    %get3A_85 = vector.load %arg11[%get3A_83, %get3A_84] : memref<1x128xf32, #tpu.memory_space<vmem>>, vector<1x128xf32>
    %reshape3A_86 = vector.shape_cast %get3A_85 : vector<1x128xf32> to vector<1x1x128xf32>
    %broadcast_in_dim3A_87 = vector.shape_cast %reshape3A_86 : vector<1x1x128xf32> to vector<1x1x128xf32>
    %broadcast_in_dim3A_88 = vector.broadcast %broadcast_in_dim3A_87 : vector<1x1x128xf32> to vector<25x1x128xf32>
    %dot_general3A_89 = arith.constant dense<0.000000e+00> : vector<25x1x128xf32>
    %dot_general3A_90 = tpu.matmul %broadcast_in_dim3A_88, %reshape3A, %dot_general3A_89 {dimension_numbers = #tpu.dot_dimension_numbers<[2], [2], [1], [1], [0, 0, 0, 1, 1, 1], [0], [0]>, transpose_lhs_hint = false} : vector<25x1x128xf32>, vector<25x128x128xf32>, vector<25x1x128xf32> -> vector<25x1x128xf32>
    %reshape3A_91 = vector.shape_cast %dot_general3A_90 : vector<25x1x128xf32> to vector<1x25x128xf32>
    %swap3A_92 = arith.constant 0 : index
    %swap3A_93 = arith.constant 0 : index
    %swap3A_94 = arith.constant 0 : index
    %swap3A_95 = vector.load %arg13[%swap3A_92, %swap3A_93, %swap3A_94] : memref<1x25x128xf32, #tpu.memory_space<vmem>>, vector<1x25x128xf32>
    tpu.vector_store %arg13[%swap3A_92, %swap3A_93, %swap3A_94], %reshape3A_91 {strides = array<i32>} : memref<1x25x128xf32, #tpu.memory_space<vmem>>, vector<1x25x128xf32>,
    return
  }
  func.func @transform_0(%arg0: i32) -> i32 {
    %c0_i32 = arith.constant 0 : i32
    %c0_i32_0 = arith.constant 0 : i32
    return %c0_i32 : i32
  }
  func.func @transform_1(%arg0: i32) -> (i32, i32) {
    %c0_i32 = arith.constant 0 : i32
    %c0_i32_0 = arith.constant 0 : i32
    return %arg0, %c0_i32 : i32, i32
  }
  func.func @transform_2(%arg0: i32) -> (i32, i32) {
    %c0_i32 = arith.constant 0 : i32
    %c0_i32_0 = arith.constant 0 : i32
    %c0_i32_1 = arith.constant 0 : i32
    return %c0_i32, %c0_i32_0 : i32, i32
  }
  func.func @transform_3(%arg0: i32) -> (i32, i32) {
    %c0_i32 = arith.constant 0 : i32
    %c0_i32_0 = arith.constant 0 : i32
    %c0_i32_1 = arith.constant 0 : i32
    return %c0_i32, %c0_i32_0 : i32, i32
  }
  func.func @transform_4(%arg0: i32) -> (i32, i32) {
    %c0_i32 = arith.constant 0 : i32
    %c0_i32_0 = arith.constant 0 : i32
    %c0_i32_1 = arith.constant 0 : i32
    return %c0_i32, %c0_i32_0 : i32, i32
  }
  func.func @transform_5(%arg0: i32) -> (i32, i32) {
    %c0_i32 = arith.constant 0 : i32
    %c0_i32_0 = arith.constant 0 : i32
    %c0_i32_1 = arith.constant 0 : i32
    return %c0_i32, %c0_i32_0 : i32, i32
  }
  func.func @transform_6(%arg0: i32) -> (i32, i32) {
    %c0_i32 = arith.constant 0 : i32
    %c0_i32_0 = arith.constant 0 : i32
    %c0_i32_1 = arith.constant 0 : i32
    return %c0_i32, %c0_i32_0 : i32, i32
  }
  func.func @transform_7(%arg0: i32) -> (i32, i32) {
    %c0_i32 = arith.constant 0 : i32
    %c0_i32_0 = arith.constant 0 : i32
    %c0_i32_1 = arith.constant 0 : i32
    return %c0_i32, %c0_i32_0 : i32, i32
  }
  func.func @transform_8(%arg0: i32) -> (i32, i32) {
    %c0_i32 = arith.constant 0 : i32
    %c0_i32_0 = arith.constant 0 : i32
    %c0_i32_1 = arith.constant 0 : i32
    return %c0_i32, %c0_i32_0 : i32, i32
  }
  func.func @transform_9(%arg0: i32) -> (i32, i32) {
    %c0_i32 = arith.constant 0 : i32
    %c0_i32_0 = arith.constant 0 : i32
    %c0_i32_1 = arith.constant 0 : i32
    return %c0_i32, %c0_i32_0 : i32, i32
  }
  func.func @transform_10(%arg0: i32) -> (i32, i32) {
    %c0_i32 = arith.constant 0 : i32
    %c0_i32_0 = arith.constant 0 : i32
    %c0_i32_1 = arith.constant 0 : i32
    return %c0_i32, %c0_i32_0 : i32, i32
  }
  func.func @transform_11(%arg0: i32) -> (i32, i32) {
    %c0_i32 = arith.constant 0 : i32
    %c0_i32_0 = arith.constant 0 : i32
    return %arg0, %c0_i32 : i32, i32
  }
  func.func @transform_12(%arg0: i32) -> (i32, i32, i32) {
    %c0_i32 = arith.constant 0 : i32
    %c0_i32_0 = arith.constant 0 : i32
    %c0_i32_1 = arith.constant 0 : i32
    return %arg0, %c0_i32, %c0_i32_0 : i32, i32, i32
  }
}

module attributes {stable_mosaic.version = 14 : i64} {
  func.func @_xred_body(%arg0: memref<32x40000xf32, #tpu.memory_space<vmem>>, %arg1: memref<40000xf32, #tpu.memory_space<vmem>>) attributes {dimension_semantics = [], scalar_prefetch = 0 : i64, scratch_operands = 0 : i64, tpu.core_type = #tpu.core_type<tc>} {
    %get3A = arith.constant 0 : index
    %get3A_0 = arith.constant 0 : index
    %get3A_1 = vector.load %arg0[%get3A, %get3A_0] : memref<32x40000xf32, #tpu.memory_space<vmem>>, vector<32x40000xf32>
    %reduce_sum3A = arith.constant dense<0.000000e+00> : vector<40000xf32>
    %reduce_sum3A_2 = vector.multi_reduction <add>, %get3A_1, %reduce_sum3A [0] : vector<32x40000xf32> to vector<40000xf32>
    %swap3A = arith.constant 0 : index
    %swap3A_3 = vector.load %arg1[%swap3A] : memref<40000xf32, #tpu.memory_space<vmem>>, vector<40000xf32>
    tpu.vector_store %arg1[%swap3A], %reduce_sum3A_2 {strides = array<i32>} : memref<40000xf32, #tpu.memory_space<vmem>>, vector<40000xf32>,
    return
  }
}

module attributes {stable_mosaic.version = 14 : i64} {
  func.func @_fold_body(%arg0: memref<10000x128xf32, #tpu.memory_space<vmem>>, %arg1: memref<10000x4xf32, #tpu.memory_space<vmem>>, %arg2: memref<2x10000x128xf32, #tpu.memory_space<vmem>>, %arg3: memref<10000x4xf32, #tpu.memory_space<vmem>>, %arg4: memref<128x128xf32, #tpu.memory_space<vmem>>, %arg5: memref<1x128xf32, #tpu.memory_space<vmem>>, %arg6: memref<10000x128xf32, #tpu.memory_space<vmem>>, %arg7: memref<10000x4xf32, #tpu.memory_space<vmem>>) attributes {dimension_semantics = [], scalar_prefetch = 0 : i64, scratch_operands = 0 : i64, tpu.core_type = #tpu.core_type<tc>} {
    %get3A = arith.constant 0 : index
    %get3A_0 = arith.constant 0 : index
    %get3A_1 = arith.constant 0 : index
    %get3A_2 = vector.load %arg2[%get3A, %get3A_0, %get3A_1] : memref<2x10000x128xf32, #tpu.memory_space<vmem>>, vector<1x10000x128xf32>
    %get3A_3 = vector.shape_cast %get3A_2 : vector<1x10000x128xf32> to vector<10000x128xf32>
    %get3A_4 = arith.constant 1 : index
    %get3A_5 = arith.constant 0 : index
    %get3A_6 = arith.constant 0 : index
    %get3A_7 = vector.load %arg2[%get3A_4, %get3A_5, %get3A_6] : memref<2x10000x128xf32, #tpu.memory_space<vmem>>, vector<1x10000x128xf32>
    %get3A_8 = vector.shape_cast %get3A_7 : vector<1x10000x128xf32> to vector<10000x128xf32>
    %add3A = arith.addf %get3A_3, %get3A_8 : vector<10000x128xf32>
    %get3A_9 = arith.constant 0 : index
    %get3A_10 = arith.constant 0 : index
    %get3A_11 = vector.load %arg3[%get3A_9, %get3A_10] : memref<10000x4xf32, #tpu.memory_space<vmem>>, vector<10000x4xf32>
    %slice3A = vector.extract_strided_slice %get3A_11 {offsets = [0, 3], sizes = [10000, 1], strides = [1, 1]} : vector<10000x4xf32> to vector<10000x1xf32>
    %get3A_12 = arith.constant 0 : index
    %get3A_13 = arith.constant 0 : index
    %get3A_14 = vector.load %arg0[%get3A_12, %get3A_13] : memref<10000x128xf32, #tpu.memory_space<vmem>>, vector<10000x128xf32>
    %get3A_15 = arith.constant 0 : index
    %get3A_16 = arith.constant 0 : index
    %get3A_17 = vector.load %arg4[%get3A_15, %get3A_16] : memref<128x128xf32, #tpu.memory_space<vmem>>, vector<128x128xf32>
    %dot_general3A = arith.constant dense<0.000000e+00> : vector<10000x128xf32>
    %dot_general3A_18 = tpu.matmul %add3A, %get3A_17, %dot_general3A {dimension_numbers = #tpu.dot_dimension_numbers<[1], [0], [0], [1], [0, 0, 1, 1], [], []>, transpose_lhs_hint = false} : vector<10000x128xf32>, vector<128x128xf32>, vector<10000x128xf32> -> vector<10000x128xf32>
    %add3A_19 = arith.addf %get3A_14, %dot_general3A_18 : vector<10000x128xf32>
    %get3A_20 = arith.constant 0 : index
    %get3A_21 = arith.constant 0 : index
    %get3A_22 = vector.load %arg5[%get3A_20, %get3A_21] : memref<1x128xf32, #tpu.memory_space<vmem>>, vector<1x128xf32>
    %mul3A = vector.broadcast %slice3A : vector<10000x1xf32> to vector<10000x128xf32>
    %mul3A_23 = vector.broadcast %get3A_22 : vector<1x128xf32> to vector<10000x128xf32>
    %mul3A_24 = arith.mulf %mul3A, %mul3A_23 : vector<10000x128xf32>
    %add3A_25 = arith.addf %add3A_19, %mul3A_24 : vector<10000x128xf32>
    %swap3A = arith.constant 0 : index
    %swap3A_26 = arith.constant 0 : index
    %swap3A_27 = vector.load %arg6[%swap3A, %swap3A_26] : memref<10000x128xf32, #tpu.memory_space<vmem>>, vector<10000x128xf32>
    tpu.vector_store %arg6[%swap3A, %swap3A_26], %add3A_25 {strides = array<i32>} : memref<10000x128xf32, #tpu.memory_space<vmem>>, vector<10000x128xf32>,
    %get3A_28 = arith.constant 0 : index
    %get3A_29 = arith.constant 0 : index
    %get3A_30 = vector.load %arg1[%get3A_28, %get3A_29] : memref<10000x4xf32, #tpu.memory_space<vmem>>, vector<10000x4xf32>
    %add3A_31 = arith.addf %get3A_30, %get3A_11 : vector<10000x4xf32>
    %swap3A_32 = arith.constant 0 : index
    %swap3A_33 = arith.constant 0 : index
    %swap3A_34 = vector.load %arg7[%swap3A_32, %swap3A_33] : memref<10000x4xf32, #tpu.memory_space<vmem>>, vector<10000x4xf32>
    tpu.vector_store %arg7[%swap3A_32, %swap3A_33], %add3A_31 {strides = array<i32>} : memref<10000x4xf32, #tpu.memory_space<vmem>>, vector<10000x4xf32>,
    return
  }
}

</mosaic_0001>

<sc_bundles>
// kernel: kernel.12.cloned.1.call-start
scs
__scs_entry_jumppad:
0x0: {  	(pc) =	sbr.rel $0x88, $3  }
0x1: {  	(tag) =	ssettag $0x0;
	lr =	simm.s32 $0x1  }
0x2: {  	[smem:$0x3F92] =	sst lr;
	_ =	strace $0xD0000000  }
0x3: {  	_ = 	snop  }
0x4: {  	_ = 	snop  }
0x5: {  	_ = 	snop  }
0x6: {  	_ = 	snop  }
0x7: {  	_ = 	snop  }
__scs_overlays_trampoline_lowered:
0x8: {  	[smem:$0x3FA1] =	sst s0  }
0x9: {  	[smem:$0x3FA2] =	sst s1  }
0xa: {  	[smem:$0x3FA3] =	sst s2  }
0xb: {  	[smem:$0x3FA4] =	sst s3  }
0xc: {  	[smem:$0x3FA5] =	sst s4  }
0xd: {  	[smem:$0x3FA6] =	sst s5  }
0xe: {  	[smem:$0x3FA7] =	sst s6  }
0xf: {  	[smem:$0x3FA8] =	sst s7  }
0x10: {  	[smem:$0x3FA9] =	sst s8  }
0x11: {  	[smem:$0x3FAA] =	sst s9;
	s0 =	simm.s32 @!p0 $0x0  }
0x12: {  	s1 =	sld [smem:$0x3F90];
	s0 =	simm.s32 @p0 $0x1  }
0x13: {  	[smem:$0x3FAB] =	sst s0;
	s0 =	simm.s32 @!p1 $0x0  }
0x14: {  	s2 =	sld [smem:$0x3F8F];
	s0 =	simm.s32 @p1 $0x1  }
0x15: {  	[smem:$0x3FAC] =	sst s0;
	s0 =	simm.s32 @!p2 $0x0  }
0x16: {  	s3 =	sld [smem:$0x3FDB];
	s0 =	simm.s32 @p2 $0x1  }
0x17: {  	s4 =	simm.s32 $0x1BF5;
	[smem:$0x3FAE] =	sst s0  }
0x18: {  	s0 =	sld [smem:$0x3F91];
	_ =	swait.ge [sflag:s4], $0x0  }
0x19: {  	s7 =	sld [smem:$0x3F92]  }
0x1a: {  	s8 =	sadd.s32 $0xFFFFE003, lr  }
0x1b: {  	s9 =	sadd.s32 $0xFFFFFEF7, lr;
	s5 =	simm.s32 $0xFFFFFFFF;
	p2 =	slt.u32 s8, $0xFFFFF086  }
0x1c: {  	p1 =	slt.u32 s9, $0xF7A;
	s5 =	simm.s32 @!p2 $0x0  }
0x1d: {  	s5 =	simm.s32 @p1 $0x1;
	p0 =	seq.s32 s7, s2  }
0x1e: {  	s7 =	smul.u32 @!p0 $0xF7A, s2;
	p2 =	seq.s32 @!p0 s5, $0x0  }
0x1f: {  	s9 =	smul.u32 $0xF7A, s1;
	s8 =	simm.s32 @!p0 $0x1BF5;
	p2 =	por !p2, p0  }
0x20: {  	[sflag:s8] =	ssyncset.s32 @!p0 $0xFFFFF086;
	s6 =	sadd.s32 @!p0 s3, s7;
	s7 =	simm.s32 @!p0 $0x108  }
0x21: {  	s3 =	sadd.s32 s3, s9;
	s6 =	sadd.s32 @!p0 $0x88, s6;
	s7 =	simm.s32 @p2 $0x1082  }
0x22: {  	[simem:s7], [sflag:s8] =	dma.local @!p0 [hbm:s6], $0xF7A  }
0x23: {  	s9 =	sor.u32 $0xD0000000, s2;
	s6 =	simm.s32 $0x108;
	_ =	swait.ge @!p0 [sflag:s8], $0x0  }
0x24: {  	s3 =	sadd.s32 $0x88, s3;
	s6 =	simm.s32 @!p1 $0x1082;
	[sflag:s4] =	ssyncset.s32 $0xFFFFF086  }
0x25: {  	[simem:s6], [sflag:s4] =	dma.local [hbm:s3], $0xF7A  }
0x26: {  	[smem:$0x3F92] =	sst s1;
	(tag) =	ssettag s2;
	_ =	strace s9  }
0x27: {  	s1 =	sld [smem:$0x3FA2]  }
0x28: {  	s2 =	sld [smem:$0x3FA3]  }
0x29: {  	s4 =	sld [smem:$0x3FA5]  }
0x2a: {  	p0 =	seq.s32 s5, $0x0;
	s5 =	sld [smem:$0x3FA6]  }
0x2b: {  	s6 =	sld [smem:$0x3FA7]  }
0x2c: {  	s7 =	sld [smem:$0x3FA8]  }
0x2d: {  	s3 =	simm.s32 $0x108;
	s8 =	sld [smem:$0x3FA9]  }
0x2e: {  	s3 =	simm.s32 @!p0 $0x1082;
	s9 =	sld [smem:$0x3FAA]  }
0x2f: {  	lr =	sadd.s32 s0, s3;
	s0 =	sld [smem:$0x3FA1]  }
0x30: {  	s3 =	sld [smem:$0x3FA4]  }
0x31: {  	[smem:$0x3FAD] =	sst s10  }
0x32: {  	s10 =	sld [smem:$0x3FAB];
	_ =	sdelay $0x3  }
0x33: {  	p0 =	seq.s32 s10, $0x1;
	s10 =	sld [smem:$0x3FAD];
	_ =	sdelay $0x3  }
0x34: {  	[smem:$0x3FAD] =	sst s10  }
0x35: {  	s10 =	sld [smem:$0x3FAC];
	_ =	sdelay $0x3  }
0x36: {  	p1 =	seq.s32 s10, $0x1;
	s10 =	sld [smem:$0x3FAD];
	_ =	sdelay $0x3  }
0x37: {  	[smem:$0x3FAD] =	sst s10  }
0x38: {  	s10 =	sld [smem:$0x3FAE]  }
0x39: {  	_ = 	snop;
	(pc) =	sbr.ind lr, $3  }
0x3a: {  	_ = 	snop  }
0x3b: {  	_ = 	snop  }
0x3c: {  	p2 =	seq.s32 s10, $0x1;
	s10 =	sld [smem:$0x3FAD]  }
0x3d: {  	_ =	shalt  }
0x3e: {  	_ =	shalt  }
0x3f: {  	_ =	shalt  }
0x40: {  	_ =	shalt  }
0x41: {  	_ =	shalt  }
0x42: {  	_ =	shalt  }
0x43: {  	_ =	shalt  }
0x44: {  	_ =	shalt  }
0x45: {  	_ =	shalt  }
0x46: {  	_ =	shalt  }
0x47: {  	_ =	shalt  }
0x48: {  	_ =	shalt  }
0x49: {  	_ =	shalt  }
0x4a: {  	_ =	shalt  }
0x4b: {  	_ =	shalt  }
0x4c: {  	_ =	shalt  }
0x4d: {  	_ =	shalt  }
0x4e: {  	_ =	shalt  }
0x4f: {  	_ =	shalt  }
0x50: {  	_ =	shalt  }
0x51: {  	_ =	shalt  }
0x52: {  	_ =	shalt  }
0x53: {  	_ =	shalt  }
0x54: {  	_ =	shalt  }
0x55: {  	_ =	shalt  }
0x56: {  	_ =	shalt  }
0x57: {  	_ =	shalt  }
0x58: {  	_ =	shalt  }
0x59: {  	_ =	shalt  }
0x5a: {  	_ =	shalt  }
0x5b: {  	_ =	shalt  }
0x5c: {  	_ =	shalt  }
0x5d: {  	_ =	shalt  }
0x5e: {  	_ =	shalt  }
0x5f: {  	_ =	shalt  }
0x60: {  	_ =	shalt  }
0x61: {  	_ =	shalt  }
0x62: {  	_ =	shalt  }
0x63: {  	_ =	shalt  }
0x64: {  	_ =	shalt  }
0x65: {  	_ =	shalt  }
0x66: {  	_ =	shalt  }
0x67: {  	_ =	shalt  }
0x68: {  	_ =	shalt  }
0x69: {  	_ =	shalt  }
0x6a: {  	_ =	shalt  }
0x6b: {  	_ =	shalt  }
0x6c: {  	_ =	shalt  }
0x6d: {  	_ =	shalt  }
0x6e: {  	_ =	shalt  }
0x6f: {  	_ =	shalt  }
0x70: {  	_ =	shalt  }
0x71: {  	_ =	shalt  }
0x72: {  	_ =	shalt  }
0x73: {  	_ =	shalt  }
0x74: {  	_ =	shalt  }
0x75: {  	_ =	shalt  }
0x76: {  	_ =	shalt  }
0x77: {  	_ =	shalt  }
0x78: {  	_ =	shalt  }
0x79: {  	_ =	shalt  }
0x7a: {  	_ =	shalt  }
0x7b: {  	_ =	shalt  }
0x7c: {  	_ =	shalt  }
0x7d: {  	_ =	shalt  }
0x7e: {  	_ =	shalt  }
0x7f: {  	_ =	shalt  }
0x80: {  	_ =	shalt  }
0x81: {  	_ =	shalt  }
0x82: {  	_ =	shalt  }
0x83: {  	_ =	shalt  }
0x84: {  	_ =	shalt  }
0x85: {  	_ =	shalt  }
0x86: {  	_ =	shalt  }
0x87: {  	_ =	shalt  }
.Lfunc_end0:
.L_simem_size_0:
called_computation.1_lowered:
.L_overlay_start_0:
0x88: {  	s2 =	sld [smem:$0x3FD9]  }
0x89: {  	s3 =	sld [smem:$0x3FFE];
	_ =	sdelay $0x1  }
0x8a: {  	s1 =	srdreg.scid  }
0x8b: {  	s0 =	sand.u32 $0x1, s1  }
0x8c: {  	s17 =	sshll.u32 s0, $0xA;
	s2 =	sadd.s32 s3, s2  }
0x8d: {  	s2 =	sadd.s32 s2, s17  }
0x8e: {  	[smem:$0x3FB9] =	sst s2  }
0x8f: {  	_ = 	snop  }
0x90: {  	(tm) =	ssettm $0x1  }
0x91: {  	s18 =	sld [smem:$0x3FFB];
	_ =	sdelay $0x3  }
0x92: {  	_ =	strace s18  }
0x93: {  	s2 =	sld [smem:$0x3FFC];
	_ =	sdelay $0x3  }
0x94: {  	_ =	strace s2  }
0x95: {  	s2 =	sld [smem:$0x3FFD];
	_ =	sdelay $0x3  }
0x96: {  	_ =	strace s2  }
0x97: {  	_ =	strace $0x8FFFFFFF  }
0x98: {  	s19 =	sld [smem:$0x3FDB];
	_ =	sdelay $0x1  }
0x99: {  	s20 =	simm.s32 $_scs_section_size  }
0x9a: {  	s4 =	simm.s32 $_size__tile_overlayer_lowered;
	s5 =	simm.s32 $_tile_overlayer_lowered  }
0x9b: {  	s6 =	simm.s32 $0x1BFF;
	s21 =	sshll.u32 s5, $0x1;
	s3 =	sadd.s32 s20, s19  }
0x9c: {  	s22 =	simm.s32 $0x0;
	s4 =	sshll.u32 s4, $0x1;
	s5 =	sadd.s32 s21, s3  }
0x9d: {  	[timem:s22], [sflag:s6] =	dma.local [hbm:s5], s4  }
0x9e: {  	_ =	swait.ge [sflag:s6], s4  }
0x9f: {  	s4 =	ssub.s32 $0x0, s4;
	[sflag:s6] =	ssyncset.done $0x0  }
0xa0: {  	[sflag:s6] =	ssyncadd.s32 s4;
	_ =	sdelay $0x1  }
0xa1: {  	s23 =	simm.s32 $0x1B8B  }
0xa2: {  	_ =	swait.ge [sflag:s23], $0x1  }
0xa3: {  	[sflag:s23] =	ssyncset.done $0x0  }
0xa4: {  	[sflag:s23] =	ssyncadd.s32 $0xFFFFFFFF  }
0xa5: {  	s4 =	sld [smem:$0x0]  }
0xa6: {  	s5 =	sand.u32 $0xFFFFFFFE, s1  }
0xa7: {  	p0 =	sne.s32 s1, s5  }
0xa8: {  	s5 =	sshll.u32 @p0 s5, $0xE  }
0xa9: {  	s5 =	sadd.s32 @p0 $0x11B8D, s5;
	s6 =	sshll.u32 @p0 s4, $0x11  }
0xaa: {  	s5 =	sor.u32 @p0 s6, s5  }
0xab: {  	[sflag:s5] =	ssyncadd.remote.s32 @p0 $0x1;
	_ =	sdelay $0x1  }
0xac: {  	s5 =	simm.s32 @p0 $0x1B8D  }
0xad: {  	_ =	swait.eq @p0 [sflag:s5], $0x1  }
0xae: {  	[sflag:s5] =	ssyncadd.s32 @p0 $0xFFFFFFFF  }
0xaf: {  	s6 =	sshll.u32 @!p0 s1, $0xE  }
0xb0: {  	s6 =	sor.u32 @!p0 $0x4000, s6;
	s5 =	simm.s32 @!p0 $0x1B8D  }
0xb1: {  	s4 =	sshll.u32 @!p0 s4, $0x11;
	s6 =	sadd.s32 @!p0 $0x11B8D, s6;
	_ =	swait.eq @!p0 [sflag:s5], $0x1  }
0xb2: {  	s4 =	sor.u32 @!p0 s4, s6;
	[sflag:s5] =	ssyncadd.s32 @!p0 $0xFFFFFFFF  }
0xb3: {  	s25 =	simm.s32 $0x1B8E;
	s24 =	sld [smem:$0x3FFE];
	[sflag:s4] =	ssyncadd.remote.s32 @!p0 $0x1  }
0xb4: {  	s26 =	simm.s32 $execute0_lowered;
	[smem:$0x3FD2] =	sst s25  }
0xb5: {  	s5 =	sshll.u32 s26, $0x1;
	_ =	strace $0x8000004C;
	[dreg:$0x1] =	wrdreg $0xFFFFFFFF  }
0xb6: {  	s28 =	simm.s32 $_size_execute0_lowered;
	s3 =	sadd.s32 s3, s5;
	[dreg:$0x0] =	wrdreg $0x0  }
0xb7: {  	s5 =	sshll.u32 s28, $0x1;
	[dreg:$0x2] =	wrdreg s3  }
0xb8: {  	[dreg:$0x3] =	wrdreg s5  }
0xb9: {  	[dreg:$0x4] =	wrdreg $0xC0  }
0xba: {  	_ =	task [dreg:s22], $0x5FFFF  }
0xbb: {  	[dreg:$0x1] =	wrdreg $0xFFFFFFFF  }
0xbc: {  	[dreg:$0x0] =	wrdreg $0x60  }
0xbd: {  	[dreg:$0x2] =	wrdreg s24  }
0xbe: {  	[dreg:$0x3] =	wrdreg $0xA2000  }
0xbf: {  	[dreg:$0x4] =	wrdreg $0x9  }
0xc0: {  	_ =	task.clear_ibuf [dreg:s22], $0x5FFFF;
	_ =	strace $0x9000004C  }
0xc1: {  	s29 =	simm.s32 $0x9;
	_ =	strace $0x8000004E  }
0xc2: {  	_ =	swait.ge [sflag:s29], $0x1  }
0xc3: {  	[sflag:s29] =	ssyncadd.s32 $0xFFFFFFFF  }
0xc4: {  	_ =	strace $0x9000004E  }
0xc5: {  	_ =	sfence  }
0xc6: {  	s30 =	sld [smem:$0x0];
	_ =	sdelay $0x2  }
0xc7: {  	s31 =	sshll.u32 s1, $0xD;
	s1 =	sshrl.u32 s1, $0x2  }
0xc8: {  	s4 =	sand.u32 $0x4000, s31;
	s1 =	sadd.s32 s1, s30  }
0xc9: {  	s0 =	sor.u32 s4, s0;
	s1 =	sshll.u32 s1, $0x11  }
0xca: {  	s0 =	sor.u32 s1, s0  }
0xcb: {  	s0 =	sadd.s32 $0x8F2B, s0  }
0xcc: {  	[sflag:s0] =	ssyncadd.remote.s32 $0x1  }
0xcd: {  	_ =	sfence.sel $0xFFFF  }
0xce: {  	[dreg:$0x0] =	wrdreg $0xFFFFFFFF;
	(pc) =	sbr.abs _section_cstart, $3  }
0xcf: {  	[dreg:$0x1] =	wrdreg $0xFFFFFFFF  }
0xd0: {  	_ =	task.clear_ibuf [dreg:s22], $0x2FFFF;
	_ =	strace $0x9FFFFFFF  }
0xd1: {  	(tm) =	ssettm $0x7FFFFFFF  }
tec
execute0_lowered:
.L_overlay_start_1:
0x0: {  	(tag) =	ssettag $0x1  }
0x1: {  	s0 =	rddreg [dreg:$0x0]  }
0x2: {  	s2 =	rddreg [dreg:$0x1];
	s3 =	simm.s32 $0x0;
	s12 =	stileid.u32  }
0x3: {  	s6 =	srdreg.scid;
	s29 =	simm.s32 $0x180;
	s1 =	smul.u32 $0x2780, s12  }
0x4: {  	s30 =	simm.s32 $0x7A00;
	s31 =	simm.s32 $0x1;
	s7 =	smul.u32 $0x4F000, s12  }
0x5: {  	s28 =	simm.s32 $0x9;
	[smem:$0x7FF] =	sst s3;
	s15 =	smul.u32 $0x13C00, s12  }
0x6: {  	s4 =	sadd.s32 $0xDC00, s0;
	s5 =	sadd.s32 $0x549200, s0;
	s17 =	smul.u32 $0x4E200, s12  }
0x7: {  	s6 =	sand.u32 $0x1, s6;
	s8 =	sadd.s32 $0x71000, s0;
	s19 =	smul.u32 $0x4E20, s12  }
0x8: {  	s10 =	sshll.u32 s12, $0x1;
	s22 =	sadd.s32 $0x128400, s2;
	s13 =	smul.u32 $0x138800, s6  }
0x9: {  	p0 =	seq.s32 s12, $0xF;
	_ =	strace $0x8000004D;
	s18 =	smul.u32 $0x27100, s6  }
0xa: {  	s9 =	ssub.s32 $0x2, s6;
	s10 =	sor.u32 s6, s10;
	s6 =	smul.u32 $0x2710, s6  }
0xb: {  	[dreg:$0x5] =	wrdreg s22;
	s1 =	sadd.s32 s1, s0;
	s21 =	smul.u32 $0x2710, s10  }
0xc: {  	s11 =	sshrl.u32 s9, $0x1;
	s7 =	sshrl.u32 s7, $0x2;
	s23 =	smul.u32 $0x27100, s10  }
0xd: {  	s0 =	sadd.s32 $0x6EE80, s0;
	s20 =	sadd.s32 s17, s5;
	s9 =	ssub.s32 s9, s11  }
0xe: {  	s7 =	sadd.s32 s7, s2;
	s1 =	sadd.s32 $0x49E00, s1;
	[dreg:$0x6] =	wrdreg s0  }
0xf: {  	s18 =	sadd.s32 s18, s20;
	s22 =	sadd.s32 s6, s19;
	[dreg:$0x3] =	wrdreg s7  }
0x10: {  	s6 =	simm.s32 $0x4;
	[dreg:$0x4] =	wrdreg s1;
	s24 =	sshrl.u32 s21, $0x3  }
0x11: {  	s25 =	sadd.s32 $0x50, s21;
	s26 =	sadd.s32 s5, s23;
	s14 =	sadd.s32 $0xA0, s21  }
0x12: {  	s7 =	sadd.s32 s15, s13;
	s21 =	smax.u32 s9, $0x1;
	s23 =	sadd.s32 $0x140, s22  }
0x13: {  	s0 =	sadd.s32 s4, s24;
	[dreg:$0x8] =	wrdreg s26;
	s1 =	sshrl.u32 s25, $0x3  }
0x14: {  	s10 =	sshll.u32 s25, $0x4;
	s16 =	sshrl.u32 s14, $0x3;
	[dreg:$0xf] =	wrdreg s21  }
0x15: {  	s7 =	sshrl.u32 s7, $0x3;
	[dreg:$0x10] =	wrdreg s23;
	s24 =	sadd.s32 $0x190, s22  }
0x16: {  	s25 =	sadd.s32 $0x1E0, s22;
	s23 =	simm.s32 $0x200;
	[dreg:$0x7] =	wrdreg s0  }
0x17: {  	s0 =	sadd.s32 s4, s1;
	s1 =	sshrl.u32 s13, $0x3;
	s7 =	sadd.s32 s8, s7  }
0x18: {  	[dreg:$0x9] =	wrdreg s0;
	s0 =	sadd.s32 s5, s10;
	s10 =	sadd.s32 s4, s16  }
0x19: {  	s1 =	sadd.s32 s8, s1;
	[dreg:$0xd] =	wrdreg s7;
	s7 =	simm.s32 $0x8  }
0x1a: {  	s8 =	simm.s32 $0x0;
	[dreg:$0xa] =	wrdreg s0;
	s0 =	sshll.u32 s14, $0x4  }
0x1b: {  	[dreg:$0xb] =	wrdreg s10;
	s1 =	sadd.s32 $0x25080, s1;
	s0 =	sadd.s32 s5, s0  }
0x1c: {  	[dreg:$0xe] =	wrdreg s1;
	s1 =	sshrl.u32 s24, $0x3;
	s5 =	sshrl.u32 s25, $0x3  }
0x1d: {  	s24 =	simm.s32 $0x80;
	s25 =	simm.s32 $0x2A00;
	[dreg:$0xc] =	wrdreg s0  }
0x1e: {  	s0 =	sadd.s32 $0xF0, s22;
	s1 =	sadd.s32 s1, s4;
	s26 =	sadd.s32 s5, s4  }
0x1f: {  	s5 =	simm.s32 $0x6;
	[dreg:$0x11] =	wrdreg s1;
	s0 =	sshrl.u32 s0, $0x3  }
0x20: {  	[dreg:$0x12] =	wrdreg s26;
	s26 =	simm.s32 $0x50;
	s0 =	sadd.s32 s0, s4  }
0x21: {  	s1 =	simm.s32 $0x2;
	[dreg:$0x13] =	wrdreg s0;
	s0 =	simm.s32 $0x5  }
.LBB2_1:
0x22: {  	s9 =	rddreg [dreg:$0x5]  }
0x23: {  	s11 =	sshrl.u32 @p0 s9, $0x3;
	s9 =	rddreg [dreg:$0x6]  }
0x24: {  	s10 =	simm.s32 @p0 $0x1FC9;
	[dreg:$0x14] =	wrdreg s11  }
0x25: {  	[spmem:s11], [sflag:s10] =	dma.local @p0 [hbm:s9], $0x2080  }
0x26: {  	s10 =	simm.s32 @p0 $0x9  }
0x27: {  	_ =	swait.ge @p0 [sflag:s10], $0x2080  }
0x28: {  	s12 =	simm.s32 @!p0 $0x9;
	s9 =	stileid.u32;
	[sflag:s10] =	ssyncset.done @p0 $0x0  }
0x29: {  	s11 =	sshll.u32 @!p0 s9, $0x6;
	s9 =	rddreg [dreg:$0x3];
	[sflag:s10] =	ssyncadd.s32 @p0 $0xFFFFDF80  }
0x2a: {  	s10 =	sor.u32 @!p0 $0x1C09, s11;
	s11 =	sshrl.u32 @!p0 s9, $0x3;
	s9 =	rddreg [dreg:$0x4]  }
0x2b: {  	[spmem:s11], [sflag:s10] =	dma.local @!p0 [hbm:s9], $0x2780  }
0x2c: {  	_ =	swait.ge @!p0 [sflag:s12], $0x2780  }
0x2d: {  	[sflag:s12] =	ssyncset.done @!p0 $0x0  }
0x2e: {  	[sflag:s12] =	ssyncadd.s32 @!p0 $0xFFFFD880  }
0x2f: {  	[bflag:$0x0] =	sbarrier.arrive $0xFFFF  }
0x30: {  	s22 =	rddreg [dreg:$0x7]  }
0x31: {  	[tilespmem:s3], [sflag:$0x1] =	stream.linear.gather [hbm4b:s22+s3], $0x50, $0x38;
	[tilespmem:$0x1DA80] =	vst v63  }
0x32: {  	s12 =	rddreg [dreg:$0x8]  }
0x33: {  	[tilespmem:s23], [sflag:$0x5] =	stream.linear.gather [hbm4b:s12+s3], $0x2800, $0x38;
	[tilespmem:$0x1DA80] =	vst v63  }
0x34: {  	s13 =	rddreg [dreg:$0x9]  }
0x35: {  	[tilespmem:s24], [sflag:$0x2] =	stream.linear.gather [hbm4b:s13+s3], $0x50, $0x38;
	[tilespmem:$0x1DA80] =	vst v63  }
0x36: {  	s14 =	rddreg [dreg:$0xa]  }
0x37: {  	[tilespmem:s25], [sflag:$0x6] =	stream.linear.gather [hbm4b:s14+s3], $0x2800, $0x38;
	[tilespmem:$0x1DA80] =	vst v63  }
0x38: {  	s16 =	simm.s32 $0x100;
	s15 =	rddreg [dreg:$0xb]  }
0x39: {  	[tilespmem:s16], [sflag:$0x3] =	stream.linear.gather [hbm4b:s15+s3], $0x50, $0x38;
	[tilespmem:$0x1DA80] =	vst v63  }
0x3a: {  	s19 =	simm.s32 $0x5200;
	s17 =	rddreg [dreg:$0xc]  }
0x3b: {  	[tilespmem:s19], [sflag:$0x7] =	stream.linear.gather [hbm4b:s17+s3], $0x2800, $0x38;
	[tilespmem:$0x1DA80] =	vst v63  }
0x3c: {  	s20 =	sadd.s32 $0x0, s18;
	s19 =	rddreg [dreg:$0x13]  }
0x3d: {  	[tilespmem:s29], [sflag:$0x4] =	stream.linear.gather [hbm4b:s19+s3], $0x50, $0x38;
	[tilespmem:$0x1DA80] =	vst v63  }
0x3e: {  	s13 =	sadd.s32 $0xF00, s20  }
0x3f: {  	[tilespmem:s30], [sflag:$0x8] =	stream.linear.gather [hbm4b:s13+s3], $0x2800, $0x38;
	[tilespmem:$0x1DA80] =	vst v63  }
0x40: {  	_ =	swait.ge [sflag:s31], $0x50  }
0x41: {  	[sflag:s31] =	ssyncset.done $0x0  }
0x42: {  	[sflag:s31] =	ssyncadd.s32 $0xFFFFFFB0  }
0x43: {  	_ =	swait.ge [sflag:s0], $0x2800  }
0x44: {  	[sflag:s0] =	ssyncset.done $0x0  }
0x45: {  	[sflag:s0] =	ssyncadd.s32 $0xFFFFD800  }
0x46: {  	[spmem:s2] =	stream.indirect.scatter.add.f32 [tilespmem:s23], [sflag:$0x9], $0x80, s3, s26, $0xb8;
	[tilespmem:$0x1DA80] =	vst v63  }
0x47: {  	_ =	swait.ge [sflag:s28], $0x2800  }
0x48: {  	s21 =	rddreg [dreg:$0x10]  }
0x49: {  	[sflag:s28] =	ssyncset.done $0x0;
	s22 =	sshrl.u32 s21, $0x3  }
0x4a: {  	[sflag:s28] =	ssyncadd.s32 $0xFFFFD800;
	s13 =	sadd.s32 s4, s22  }
0x4b: {  	[tilespmem:s3], [sflag:$0x1] =	stream.linear.gather [hbm4b:s13+s3], $0x50, $0x38;
	[tilespmem:$0x1DA80] =	vst v63  }
0x4c: {  	s12 =	sadd.s32 $0x1400, s20  }
0x4d: {  	[tilespmem:s23], [sflag:$0x5] =	stream.linear.gather [hbm4b:s12+s3], $0x2800, $0x38;
	[tilespmem:$0x1DA80] =	vst v63  }
0x4e: {  	_ =	swait.ge [sflag:s1], $0x50  }
0x4f: {  	[sflag:s1] =	ssyncset.done $0x0  }
0x50: {  	[sflag:s1] =	ssyncadd.s32 $0xFFFFFFB0  }
0x51: {  	_ =	swait.ge [sflag:s5], $0x2800  }
0x52: {  	[sflag:s5] =	ssyncset.done $0x0  }
0x53: {  	[sflag:s5] =	ssyncadd.s32 $0xFFFFD800  }
0x54: {  	[spmem:s2] =	stream.indirect.scatter.add.f32 [tilespmem:s25], [sflag:$0x9], $0x80, s24, s26, $0xb8;
	[tilespmem:$0x1DA80] =	vst v63  }
0x55: {  	_ =	swait.ge [sflag:s28], $0x2800  }
0x56: {  	p1 =	por $0x0, $0x0;
	[sflag:s28] =	ssyncset.done $0x0  }
0x57: {  	s12 =	simm.s32 @p1 $0x3;
	[sflag:s28] =	ssyncadd.s32 $0xFFFFD800  }
0x58: {  	_ =	swait.ge @p1 [sflag:s12], $0x50  }
0x59: {  	[sflag:s12] =	ssyncset.done @p1 $0x0  }
0x5a: {  	[sflag:s12] =	ssyncadd.s32 @p1 $0xFFFFFFB0;
	s12 =	simm.s32 @p1 $0x7  }
0x5b: {  	_ =	swait.ge @p1 [sflag:s12], $0x2800  }
0x5c: {  	s14 =	simm.s32 @p1 $0x9;
	s15 =	simm.s32 @p1 $0x100;
	[sflag:s12] =	ssyncset.done @p1 $0x0  }
0x5d: {  	s13 =	simm.s32 @p1 $0x5200;
	[sflag:s12] =	ssyncadd.s32 @p1 $0xFFFFD800;
	s12 =	simm.s32 @p1 $0x50  }
0x5e: {  	[spmem:s2] =	stream.indirect.scatter.add.f32 @p1 [tilespmem:s13], [sflag:$0x9], $0x80, s15, s12, $0xb8;
	[tilespmem:$0x1DA80] =	vst v63  }
0x5f: {  	_ =	swait.ge @p1 [sflag:s14], $0x2800  }
0x60: {  	s12 =	sadd.s32 @!p1 $0x0, s18;
	s13 =	simm.s32 @!p1 $0x0;
	[sflag:s14] =	ssyncset.done @p1 $0x0  }
0x61: {  	s17 =	rddreg [dreg:$0x11];
	[sflag:s14] =	ssyncadd.s32 @p1 $0xFFFFD800;
	s14 =	simm.s32 @!p1 $0x80  }
0x62: {  	[tilespmem:s14], [sflag:$0x2] =	stream.linear.gather @!p1 [hbm4b:s17+s13], $0x50, $0x38;
	[tilespmem:$0x1DA80] =	vst v63  }
0x63: {  	s16 =	simm.s32 @!p1 $0x3;
	s15 =	simm.s32 @!p1 $0x2A00;
	s14 =	sadd.s32 @!p1 $0x1900, s12  }
0x64: {  	[tilespmem:s15], [sflag:$0x6] =	stream.linear.gather @!p1 [hbm4b:s14+s13], $0x2800, $0x38;
	[tilespmem:$0x1DA80] =	vst v63  }
0x65: {  	_ =	swait.ge @!p1 [sflag:s16], $0x50  }
0x66: {  	[sflag:s16] =	ssyncset.done @!p1 $0x0  }
0x67: {  	s14 =	simm.s32 @!p1 $0x7;
	[sflag:s16] =	ssyncadd.s32 @!p1 $0xFFFFFFB0  }
0x68: {  	_ =	swait.ge @!p1 [sflag:s14], $0x2800  }
0x69: {  	s15 =	simm.s32 @!p1 $0x5200;
	[sflag:s14] =	ssyncset.done @!p1 $0x0  }
0x6a: {  	s16 =	simm.s32 @!p1 $0x100;
	[sflag:s14] =	ssyncadd.s32 @!p1 $0xFFFFD800;
	s14 =	simm.s32 @!p1 $0x50  }
0x6b: {  	[spmem:s2] =	stream.indirect.scatter.add.f32 @!p1 [tilespmem:s15], [sflag:$0x9], $0x80, s16, s14, $0xb8;
	[tilespmem:$0x1DA80] =	vst v63  }
0x6c: {  	s14 =	simm.s32 @!p1 $0x9  }
0x6d: {  	_ =	swait.ge @!p1 [sflag:s14], $0x2800  }
0x6e: {  	[sflag:s14] =	ssyncset.done @!p1 $0x0  }
0x6f: {  	[sflag:s14] =	ssyncadd.s32 @!p1 $0xFFFFD800;
	s14 =	rddreg [dreg:$0x12]  }
0x70: {  	[tilespmem:s16], [sflag:$0x3] =	stream.linear.gather @!p1 [hbm4b:s14+s13], $0x50, $0x38;
	[tilespmem:$0x1DA80] =	vst v63  }
0x71: {  	s12 =	sadd.s32 @!p1 $0x1E00, s12  }
0x72: {  	[tilespmem:s15], [sflag:$0x7] =	stream.linear.gather @!p1 [hbm4b:s12+s13], $0x2800, $0x38;
	[tilespmem:$0x1DA80] =	vst v63  }
0x73: {  	_ =	swait.ge [sflag:s6], $0x50  }
0x74: {  	[sflag:s6] =	ssyncset.done $0x0  }
0x75: {  	[sflag:s6] =	ssyncadd.s32 $0xFFFFFFB0  }
0x76: {  	_ =	swait.ge [sflag:s7], $0x2800  }
0x77: {  	[sflag:s7] =	ssyncset.done $0x0  }
0x78: {  	s16 =	sadd.s32 $0x28, s17;
	[sflag:s7] =	ssyncadd.s32 $0xFFFFD800  }
0x79: {  	[spmem:s2] =	stream.indirect.scatter.add.f32 [tilespmem:s30], [sflag:$0x9], $0x80, s29, s26, $0xb8;
	[tilespmem:$0x1DA80] =	vst v63  }
0x7a: {  	s12 =	simm.s32 $0x1400;
	s13 =	sadd.s32 $0x28, s14;
	_ =	swait.ge [sflag:s28], $0x2800  }
0x7b: {  	s14 =	sadd.s32 $0x28, s19;
	s15 =	sadd.s32 $0x140, s21;
	[sflag:s28] =	ssyncset.done $0x0  }
.LBB2_2:
0x7c: {  	s17 =	sadd.s32 s12, s18  }
0x7d: {  	[sflag:s28] =	ssyncadd.s32 $0xFFFFD800;
	s19 =	smov.u32 s12;
	s12 =	sadd.s32 $0x1400, s12  }
0x7e: {  	[tilespmem:s29], [sflag:$0x4] =	stream.linear.gather [hbm4b:s14+s3], $0x50, $0x38;
	[tilespmem:$0x1DA80] =	vst v63  }
0x7f: {  	s20 =	sadd.s32 $0xF00, s17;
	p1 =	sne.s32 s12, $0x26C00  }
0x80: {  	[tilespmem:s30], [sflag:$0x8] =	stream.linear.gather [hbm4b:s20+s3], $0x2800, $0x38;
	[tilespmem:$0x1DA80] =	vst v63  }
0x81: {  	_ =	swait.ge [sflag:s31], $0x50  }
0x82: {  	[sflag:s31] =	ssyncset.done $0x0  }
0x83: {  	[sflag:s31] =	ssyncadd.s32 $0xFFFFFFB0  }
0x84: {  	_ =	swait.ge [sflag:s0], $0x2800  }
0x85: {  	[sflag:s0] =	ssyncset.done $0x0  }
0x86: {  	[sflag:s0] =	ssyncadd.s32 $0xFFFFD800  }
0x87: {  	[spmem:s2] =	stream.indirect.scatter.add.f32 [tilespmem:s23], [sflag:$0x9], $0x80, s3, s26, $0xb8;
	[tilespmem:$0x1DA80] =	vst v63  }
0x88: {  	_ =	swait.ge [sflag:s28], $0x2800  }
0x89: {  	s20 =	sshrl.u32 s15, $0x3;
	[sflag:s28] =	ssyncset.done $0x0  }
0x8a: {  	s20 =	sadd.s32 s4, s20;
	[sflag:s28] =	ssyncadd.s32 $0xFFFFD800  }
0x8b: {  	[tilespmem:s3], [sflag:$0x1] =	stream.linear.gather [hbm4b:s20+s3], $0x50, $0x38;
	[tilespmem:$0x1DA80] =	vst v63  }
0x8c: {  	s17 =	sadd.s32 $0x1400, s17  }
0x8d: {  	[tilespmem:s23], [sflag:$0x5] =	stream.linear.gather [hbm4b:s17+s3], $0x2800, $0x38;
	[tilespmem:$0x1DA80] =	vst v63  }
0x8e: {  	_ =	swait.ge [sflag:s1], $0x50  }
0x8f: {  	[sflag:s1] =	ssyncset.done $0x0  }
0x90: {  	[sflag:s1] =	ssyncadd.s32 $0xFFFFFFB0  }
0x91: {  	_ =	swait.ge [sflag:s5], $0x2800  }
0x92: {  	[sflag:s5] =	ssyncset.done $0x0  }
0x93: {  	[sflag:s5] =	ssyncadd.s32 $0xFFFFD800  }
0x94: {  	[spmem:s2] =	stream.indirect.scatter.add.f32 [tilespmem:s25], [sflag:$0x9], $0x80, s24, s26, $0xb8;
	[tilespmem:$0x1DA80] =	vst v63  }
0x95: {  	_ =	swait.ge [sflag:s28], $0x2800  }
0x96: {  	p2 =	seq.s32 s19, $0x25800;
	[sflag:s28] =	ssyncset.done $0x0  }
0x97: {  	s19 =	sadd.s32 @!p2 s19, s18;
	s17 =	simm.s32 @p2 $0x3;
	[sflag:s28] =	ssyncadd.s32 $0xFFFFD800  }
0x98: {  	s20 =	sadd.s32 @!p2 $0x1900, s19;
	s19 =	sadd.s32 @!p2 $0x1E00, s19;
	_ =	swait.ge @p2 [sflag:s17], $0x50  }
0x99: {  	[sflag:s17] =	ssyncset.done @p2 $0x0  }
0x9a: {  	[sflag:s17] =	ssyncadd.s32 @p2 $0xFFFFFFB0;
	s17 =	simm.s32 @p2 $0x7  }
0x9b: {  	_ =	swait.ge @p2 [sflag:s17], $0x2800  }
0x9c: {  	s21 =	simm.s32 @p2 $0x5200;
	s22 =	simm.s32 @p2 $0x9;
	[sflag:s17] =	ssyncset.done @p2 $0x0  }
0x9d: {  	s9 =	simm.s32 @p2 $0x100;
	[sflag:s17] =	ssyncadd.s32 @p2 $0xFFFFD800;
	s17 =	simm.s32 @p2 $0x50  }
0x9e: {  	[spmem:s2] =	stream.indirect.scatter.add.f32 @p2 [tilespmem:s21], [sflag:$0x9], $0x80, s9, s17, $0xb8;
	[tilespmem:$0x1DA80] =	vst v63  }
0x9f: {  	_ =	swait.ge @p2 [sflag:s22], $0x2800  }
0xa0: {  	[sflag:s22] =	ssyncset.done @p2 $0x0  }
0xa1: {  	s9 =	simm.s32 @!p2 $0x0;
	s17 =	simm.s32 @!p2 $0x80;
	[sflag:s22] =	ssyncadd.s32 @p2 $0xFFFFD800  }
0xa2: {  	[tilespmem:s17], [sflag:$0x2] =	stream.linear.gather @!p2 [hbm4b:s16+s9], $0x50, $0x38;
	[tilespmem:$0x1DA80] =	vst v63  }
0xa3: {  	s21 =	simm.s32 @!p2 $0x3;
	s17 =	simm.s32 @!p2 $0x2A00  }
0xa4: {  	[tilespmem:s17], [sflag:$0x6] =	stream.linear.gather @!p2 [hbm4b:s20+s9], $0x2800, $0x38;
	[tilespmem:$0x1DA80] =	vst v63  }
0xa5: {  	_ =	swait.ge @!p2 [sflag:s21], $0x50  }
0xa6: {  	[sflag:s21] =	ssyncset.done @!p2 $0x0  }
0xa7: {  	s17 =	simm.s32 @!p2 $0x7;
	[sflag:s21] =	ssyncadd.s32 @!p2 $0xFFFFFFB0  }
0xa8: {  	_ =	swait.ge @!p2 [sflag:s17], $0x2800  }
0xa9: {  	s20 =	simm.s32 @!p2 $0x5200;
	s21 =	simm.s32 @!p2 $0x9;
	[sflag:s17] =	ssyncset.done @!p2 $0x0  }
0xaa: {  	s22 =	simm.s32 @!p2 $0x100;
	[sflag:s17] =	ssyncadd.s32 @!p2 $0xFFFFD800;
	s17 =	simm.s32 @!p2 $0x50  }
0xab: {  	[spmem:s2] =	stream.indirect.scatter.add.f32 @!p2 [tilespmem:s20], [sflag:$0x9], $0x80, s22, s17, $0xb8;
	[tilespmem:$0x1DA80] =	vst v63  }
0xac: {  	_ =	swait.ge @!p2 [sflag:s21], $0x2800  }
0xad: {  	[sflag:s21] =	ssyncset.done @!p2 $0x0  }
0xae: {  	[sflag:s21] =	ssyncadd.s32 @!p2 $0xFFFFD800  }
0xaf: {  	[tilespmem:s22], [sflag:$0x3] =	stream.linear.gather @!p2 [hbm4b:s13+s9], $0x50, $0x38;
	[tilespmem:$0x1DA80] =	vst v63  }
0xb0: {  	_ = 	snop  }
0xb1: {  	[tilespmem:s20], [sflag:$0x7] =	stream.linear.gather @!p2 [hbm4b:s19+s9], $0x2800, $0x38;
	[tilespmem:$0x1DA80] =	vst v63  }
0xb2: {  	_ =	swait.ge [sflag:s6], $0x50  }
0xb3: {  	[sflag:s6] =	ssyncset.done $0x0  }
0xb4: {  	[sflag:s6] =	ssyncadd.s32 $0xFFFFFFB0  }
0xb5: {  	_ =	swait.ge [sflag:s7], $0x2800  }
.Ltmp0:
0xb6: {  	[sflag:s7] =	ssyncset.done $0x0;
	(pc) =	sbr.rel @p1 .LBB2_2-.Ltmp0, $4  }
0xb7: {  	[sflag:s7] =	ssyncadd.s32 $0xFFFFD800  }
0xb8: {  	[spmem:s2] =	stream.indirect.scatter.add.f32 [tilespmem:s30], [sflag:$0x9], $0x80, s29, s26, $0xb8;
	[tilespmem:$0x1DA80] =	vst v63  }
0xb9: {  	s14 =	sadd.s32 $0x28, s14;
	s13 =	sadd.s32 $0x28, s13;
	_ =	swait.ge [sflag:s28], $0x2800  }
0xba: {  	s15 =	sadd.s32 $0x140, s15;
	s16 =	sadd.s32 $0x28, s16;
	[sflag:s28] =	ssyncset.done $0x0  }
0xbb: {  	[sflag:s28] =	ssyncadd.s32 $0xFFFFD800  }
0xbc: {  	_ =	swait.ge [sflag:s31], $0x50  }
0xbd: {  	[sflag:s31] =	ssyncset.done $0x0  }
0xbe: {  	[sflag:s31] =	ssyncadd.s32 $0xFFFFFFB0  }
0xbf: {  	_ =	swait.ge [sflag:s0], $0x2800  }
0xc0: {  	[sflag:s0] =	ssyncset.done $0x0  }
0xc1: {  	[sflag:s0] =	ssyncadd.s32 $0xFFFFD800  }
0xc2: {  	[spmem:s2] =	stream.indirect.scatter.add.f32 [tilespmem:s23], [sflag:$0x9], $0x80, s3, s26, $0xb8;
	[tilespmem:$0x1DA80] =	vst v63  }
0xc3: {  	_ =	swait.ge [sflag:s28], $0x2800  }
0xc4: {  	[sflag:s28] =	ssyncset.done $0x0  }
0xc5: {  	[sflag:s28] =	ssyncadd.s32 $0xFFFFD800  }
0xc6: {  	[bflag:$0x0] =	sbarrier.arrive $0xFFFF  }
0xc7: {  	s12 =	rddreg [dreg:$0xe]  }
0xc8: {  	s9 =	simm.s32 @p0 $0x1FC9;
	s13 =	rddreg [dreg:$0x14]  }
0xc9: {  	[hbm:s12], [sflag:s9] =	dma.local @p0 [spmem:s13], $0x2080  }
0xca: {  	s9 =	simm.s32 @p0 $0x9  }
0xcb: {  	_ =	swait.ge @p0 [sflag:s9], $0x2080  }
0xcc: {  	[sflag:s9] =	ssyncset.done @p0 $0x0  }
0xcd: {  	[sflag:s9] =	ssyncadd.s32 @p0 $0xFFFFDF80;
	s9 =	rddreg [dreg:$0xd]  }
0xce: {  	[hbm:s9], [sflag:s10] =	dma.local @!p0 [spmem:s11], $0x2780  }
0xcf: {  	s9 =	simm.s32 @!p0 $0x9  }
0xd0: {  	_ =	swait.ge @!p0 [sflag:s9], $0x2780  }
0xd1: {  	s8 =	sadd.s32 $0x1, s8;
	s22 =	rddreg [dreg:$0xf]  }
0xd2: {  	p1 =	sne.s32 s8, s22  }
.Ltmp1:
0xd3: {  	_ = 	snop;
	(pc) =	sbr.rel @p1 .LBB2_1-.Ltmp1, $3  }
0xd4: {  	_ =	sdelay $0x1  }
0xd5: {  	[sflag:s9] =	ssyncset.done @!p0 $0x0  }
0xd6: {  	[sflag:s9] =	ssyncadd.s32 @!p0 $0xFFFFD880  }
0xd7: {  	_ =	sfence.sel $0x180000  }
0xd8: {  	[bflag:$0x0] =	sbarrier.arrive $0xFFFF  }
0xd9: {  	_ =	strace $0x9000004D  }
0xda: {  	s0 =	stileid.u32;
	[bflag:$0x2] =	sbarrier.arrive $0xFFFF  }
0xdb: {  	p0 =	sne.s32 s0, $0x0;
	s0 =	rddreg [dreg:$0x2]  }
0xdc: {  	s0 =	sadd.s32 @!p0 $0x100000, s0  }
0xdd: {  	[sflag:s0] =	ssyncadd.tile.s32 @!p0 $0x1;
	_ =	shalt  }
.Lfunc_end2:
_tile_overlayer_lowered:
.L_overlay_start_2:
0xde: {  	(tag) =	ssettag $0x2  }
0xdf: {  	s0 =	rddreg [dreg:$0x0];
	s2 =	stileid.u32  }
0xe0: {  	s1 =	rddreg [dreg:$0x1];
	p0 =	sne.s32 s2, $0x0  }
0xe1: {  	s3 =	rddreg [dreg:$0x2];
	[bflag:$0x3] =	sbarrier.arrive $0xFFFF;
	s2 =	simm.s32 @!p0 $0x1C09  }
0xe2: {  	[timem:s3], [sflag:s2] =	dma.local @!p0 [hbm:s0], s1  }
0xe3: {  	s0 =	simm.s32 @!p0 $0x9  }
0xe4: {  	_ =	swait.ge @!p0 [sflag:s0], s1  }
0xe5: {  	s1 =	ssub.s32 @!p0 $0x0, s1;
	[sflag:s0] =	ssyncset.done @!p0 $0x0  }
0xe6: {  	[sflag:s0] =	ssyncadd.s32 @!p0 s1  }
0xe7: {  	[bflag:$0x3] =	sbarrier.arrive $0xFFFF  }
0xe8: {  	_ =	shalt  }

// kernel: kernel.15.cloned.1.call-start
scs
__scs_entry_jumppad:
0x0: {  	(pc) =	sbr.rel $0x88, $3  }
0x1: {  	(tag) =	ssettag $0x0;
	lr =	simm.s32 $0x1  }
0x2: {  	[smem:$0x3F92] =	sst lr;
	_ =	strace $0xD0000000  }
0x3: {  	_ = 	snop  }
0x4: {  	_ = 	snop  }
0x5: {  	_ = 	snop  }
0x6: {  	_ = 	snop  }
0x7: {  	_ = 	snop  }
__scs_overlays_trampoline_lowered:
0x8: {  	[smem:$0x3FA1] =	sst s0  }
0x9: {  	[smem:$0x3FA2] =	sst s1  }
0xa: {  	[smem:$0x3FA3] =	sst s2  }
0xb: {  	[smem:$0x3FA4] =	sst s3  }
0xc: {  	[smem:$0x3FA5] =	sst s4  }
0xd: {  	[smem:$0x3FA6] =	sst s5  }
0xe: {  	[smem:$0x3FA7] =	sst s6  }
0xf: {  	[smem:$0x3FA8] =	sst s7  }
0x10: {  	[smem:$0x3FA9] =	sst s8  }
0x11: {  	[smem:$0x3FAA] =	sst s9;
	s0 =	simm.s32 @!p0 $0x0  }
0x12: {  	s1 =	sld [smem:$0x3F90];
	s0 =	simm.s32 @p0 $0x1  }
0x13: {  	[smem:$0x3FAB] =	sst s0;
	s0 =	simm.s32 @!p1 $0x0  }
0x14: {  	s2 =	sld [smem:$0x3F8F];
	s0 =	simm.s32 @p1 $0x1  }
0x15: {  	[smem:$0x3FAC] =	sst s0;
	s0 =	simm.s32 @!p2 $0x0  }
0x16: {  	s3 =	sld [smem:$0x3FDB];
	s0 =	simm.s32 @p2 $0x1  }
0x17: {  	s4 =	simm.s32 $0x1BF5;
	[smem:$0x3FAE] =	sst s0  }
0x18: {  	s0 =	sld [smem:$0x3F91];
	_ =	swait.ge [sflag:s4], $0x0  }
0x19: {  	s7 =	sld [smem:$0x3F92]  }
0x1a: {  	s8 =	sadd.s32 $0xFFFFE003, lr  }
0x1b: {  	s9 =	sadd.s32 $0xFFFFFEF7, lr;
	s5 =	simm.s32 $0xFFFFFFFF;
	p2 =	slt.u32 s8, $0xFFFFF086  }
0x1c: {  	p1 =	slt.u32 s9, $0xF7A;
	s5 =	simm.s32 @!p2 $0x0  }
0x1d: {  	s5 =	simm.s32 @p1 $0x1;
	p0 =	seq.s32 s7, s2  }
0x1e: {  	s7 =	smul.u32 @!p0 $0xF7A, s2;
	p2 =	seq.s32 @!p0 s5, $0x0  }
0x1f: {  	s9 =	smul.u32 $0xF7A, s1;
	s8 =	simm.s32 @!p0 $0x1BF5;
	p2 =	por !p2, p0  }
0x20: {  	[sflag:s8] =	ssyncset.s32 @!p0 $0xFFFFF086;
	s6 =	sadd.s32 @!p0 s3, s7;
	s7 =	simm.s32 @!p0 $0x108  }
0x21: {  	s3 =	sadd.s32 s3, s9;
	s6 =	sadd.s32 @!p0 $0x88, s6;
	s7 =	simm.s32 @p2 $0x1082  }
0x22: {  	[simem:s7], [sflag:s8] =	dma.local @!p0 [hbm:s6], $0xF7A  }
0x23: {  	s9 =	sor.u32 $0xD0000000, s2;
	s6 =	simm.s32 $0x108;
	_ =	swait.ge @!p0 [sflag:s8], $0x0  }
0x24: {  	s3 =	sadd.s32 $0x88, s3;
	s6 =	simm.s32 @!p1 $0x1082;
	[sflag:s4] =	ssyncset.s32 $0xFFFFF086  }
0x25: {  	[simem:s6], [sflag:s4] =	dma.local [hbm:s3], $0xF7A  }
0x26: {  	[smem:$0x3F92] =	sst s1;
	(tag) =	ssettag s2;
	_ =	strace s9  }
0x27: {  	s1 =	sld [smem:$0x3FA2]  }
0x28: {  	s2 =	sld [smem:$0x3FA3]  }
0x29: {  	s4 =	sld [smem:$0x3FA5]  }
0x2a: {  	p0 =	seq.s32 s5, $0x0;
	s5 =	sld [smem:$0x3FA6]  }
0x2b: {  	s6 =	sld [smem:$0x3FA7]  }
0x2c: {  	s7 =	sld [smem:$0x3FA8]  }
0x2d: {  	s3 =	simm.s32 $0x108;
	s8 =	sld [smem:$0x3FA9]  }
0x2e: {  	s3 =	simm.s32 @!p0 $0x1082;
	s9 =	sld [smem:$0x3FAA]  }
0x2f: {  	lr =	sadd.s32 s0, s3;
	s0 =	sld [smem:$0x3FA1]  }
0x30: {  	s3 =	sld [smem:$0x3FA4]  }
0x31: {  	[smem:$0x3FAD] =	sst s10  }
0x32: {  	s10 =	sld [smem:$0x3FAB];
	_ =	sdelay $0x3  }
0x33: {  	p0 =	seq.s32 s10, $0x1;
	s10 =	sld [smem:$0x3FAD];
	_ =	sdelay $0x3  }
0x34: {  	[smem:$0x3FAD] =	sst s10  }
0x35: {  	s10 =	sld [smem:$0x3FAC];
	_ =	sdelay $0x3  }
0x36: {  	p1 =	seq.s32 s10, $0x1;
	s10 =	sld [smem:$0x3FAD];
	_ =	sdelay $0x3  }
0x37: {  	[smem:$0x3FAD] =	sst s10  }
0x38: {  	s10 =	sld [smem:$0x3FAE]  }
0x39: {  	_ = 	snop;
	(pc) =	sbr.ind lr, $3  }
0x3a: {  	_ = 	snop  }
0x3b: {  	_ = 	snop  }
0x3c: {  	p2 =	seq.s32 s10, $0x1;
	s10 =	sld [smem:$0x3FAD]  }
0x3d: {  	_ =	shalt  }
0x3e: {  	_ =	shalt  }
0x3f: {  	_ =	shalt  }
0x40: {  	_ =	shalt  }
0x41: {  	_ =	shalt  }
0x42: {  	_ =	shalt  }
0x43: {  	_ =	shalt  }
0x44: {  	_ =	shalt  }
0x45: {  	_ =	shalt  }
0x46: {  	_ =	shalt  }
0x47: {  	_ =	shalt  }
0x48: {  	_ =	shalt  }
0x49: {  	_ =	shalt  }
0x4a: {  	_ =	shalt  }
0x4b: {  	_ =	shalt  }
0x4c: {  	_ =	shalt  }
0x4d: {  	_ =	shalt  }
0x4e: {  	_ =	shalt  }
0x4f: {  	_ =	shalt  }
0x50: {  	_ =	shalt  }
0x51: {  	_ =	shalt  }
0x52: {  	_ =	shalt  }
0x53: {  	_ =	shalt  }
0x54: {  	_ =	shalt  }
0x55: {  	_ =	shalt  }
0x56: {  	_ =	shalt  }
0x57: {  	_ =	shalt  }
0x58: {  	_ =	shalt  }
0x59: {  	_ =	shalt  }
0x5a: {  	_ =	shalt  }
0x5b: {  	_ =	shalt  }
0x5c: {  	_ =	shalt  }
0x5d: {  	_ =	shalt  }
0x5e: {  	_ =	shalt  }
0x5f: {  	_ =	shalt  }
0x60: {  	_ =	shalt  }
0x61: {  	_ =	shalt  }
0x62: {  	_ =	shalt  }
0x63: {  	_ =	shalt  }
0x64: {  	_ =	shalt  }
0x65: {  	_ =	shalt  }
0x66: {  	_ =	shalt  }
0x67: {  	_ =	shalt  }
0x68: {  	_ =	shalt  }
0x69: {  	_ =	shalt  }
0x6a: {  	_ =	shalt  }
0x6b: {  	_ =	shalt  }
0x6c: {  	_ =	shalt  }
0x6d: {  	_ =	shalt  }
0x6e: {  	_ =	shalt  }
0x6f: {  	_ =	shalt  }
0x70: {  	_ =	shalt  }
0x71: {  	_ =	shalt  }
0x72: {  	_ =	shalt  }
0x73: {  	_ =	shalt  }
0x74: {  	_ =	shalt  }
0x75: {  	_ =	shalt  }
0x76: {  	_ =	shalt  }
0x77: {  	_ =	shalt  }
0x78: {  	_ =	shalt  }
0x79: {  	_ =	shalt  }
0x7a: {  	_ =	shalt  }
0x7b: {  	_ =	shalt  }
0x7c: {  	_ =	shalt  }
0x7d: {  	_ =	shalt  }
0x7e: {  	_ =	shalt  }
0x7f: {  	_ =	shalt  }
0x80: {  	_ =	shalt  }
0x81: {  	_ =	shalt  }
0x82: {  	_ =	shalt  }
0x83: {  	_ =	shalt  }
0x84: {  	_ =	shalt  }
0x85: {  	_ =	shalt  }
0x86: {  	_ =	shalt  }
0x87: {  	_ =	shalt  }
.Lfunc_end0:
.L_simem_size_0:
called_computation.2_lowered:
.L_overlay_start_0:
0x88: {  	s2 =	sld [smem:$0x3FD9]  }
0x89: {  	s3 =	sld [smem:$0x3FFE];
	_ =	sdelay $0x1  }
0x8a: {  	s1 =	srdreg.scid  }
0x8b: {  	s0 =	sand.u32 $0x1, s1  }
0x8c: {  	s16 =	sshll.u32 s0, $0xA;
	s2 =	sadd.s32 s3, s2  }
0x8d: {  	s2 =	sadd.s32 s2, s16  }
0x8e: {  	[smem:$0x3FB9] =	sst s2  }
0x8f: {  	_ = 	snop  }
0x90: {  	(tm) =	ssettm $0x1  }
0x91: {  	s17 =	sld [smem:$0x3FFB];
	_ =	sdelay $0x3  }
0x92: {  	_ =	strace s17  }
0x93: {  	s2 =	sld [smem:$0x3FFC];
	_ =	sdelay $0x3  }
0x94: {  	_ =	strace s2  }
0x95: {  	s2 =	sld [smem:$0x3FFD];
	_ =	sdelay $0x3  }
0x96: {  	_ =	strace s2  }
0x97: {  	_ =	strace $0x8FFFFFFF  }
0x98: {  	s18 =	sld [smem:$0x3FDB];
	_ =	sdelay $0x1  }
0x99: {  	s19 =	simm.s32 $_scs_section_size  }
0x9a: {  	s4 =	simm.s32 $_size__tile_overlayer_lowered;
	s5 =	simm.s32 $_tile_overlayer_lowered  }
0x9b: {  	s22 =	simm.s32 $0x1BFF;
	s21 =	sshll.u32 s5, $0x1;
	s2 =	sadd.s32 s19, s18  }
0x9c: {  	s6 =	simm.s32 $0x0;
	s20 =	sshll.u32 s4, $0x1;
	s4 =	sadd.s32 s21, s2  }
0x9d: {  	[timem:s6], [sflag:s22] =	dma.local [hbm:s4], s20  }
0x9e: {  	_ =	swait.ge [sflag:s22], s20  }
0x9f: {  	s3 =	ssub.s32 $0x0, s20;
	[sflag:s22] =	ssyncset.done $0x0  }
0xa0: {  	[sflag:s22] =	ssyncadd.s32 s3;
	_ =	sdelay $0x1  }
0xa1: {  	s23 =	simm.s32 $0x1B8B  }
0xa2: {  	_ =	swait.ge [sflag:s23], $0x1  }
0xa3: {  	[sflag:s23] =	ssyncset.done $0x0  }
0xa4: {  	s25 =	simm.s32 $0x1B8E;
	s24 =	sld [smem:$0x3FFE];
	[sflag:s23] =	ssyncadd.s32 $0xFFFFFFFF  }
0xa5: {  	s26 =	simm.s32 $execute0_lowered;
	[smem:$0x3FD2] =	sst s25  }
0xa6: {  	s4 =	sshll.u32 s26, $0x1;
	_ =	strace $0x80000049;
	[dreg:$0x1] =	wrdreg $0xFFFFFFFF  }
0xa7: {  	s28 =	simm.s32 $_size_execute0_lowered;
	s2 =	sadd.s32 s2, s4;
	[dreg:$0x0] =	wrdreg $0x0  }
0xa8: {  	s4 =	sshll.u32 s28, $0x1;
	[dreg:$0x2] =	wrdreg s2  }
0xa9: {  	[dreg:$0x3] =	wrdreg s4  }
0xaa: {  	[dreg:$0x4] =	wrdreg $0xC0  }
0xab: {  	_ =	task [dreg:s6], $0x5FFFF  }
0xac: {  	[dreg:$0x1] =	wrdreg $0xFFFFFFFF  }
0xad: {  	[dreg:$0x0] =	wrdreg $0x60  }
0xae: {  	[dreg:$0x2] =	wrdreg s24  }
0xaf: {  	[dreg:$0x3] =	wrdreg $0xA  }
0xb0: {  	_ =	task.clear_ibuf [dreg:s6], $0x4FFFF;
	_ =	strace $0x90000049  }
0xb1: {  	s29 =	simm.s32 $0xA;
	_ =	strace $0x8000004B  }
0xb2: {  	_ =	swait.ge [sflag:s29], $0x1  }
0xb3: {  	[sflag:s29] =	ssyncadd.s32 $0xFFFFFFFF  }
0xb4: {  	_ =	strace $0x9000004B  }
0xb5: {  	_ =	sfence  }
0xb6: {  	s30 =	sld [smem:$0x0];
	_ =	sdelay $0x2  }
0xb7: {  	s31 =	sshll.u32 s1, $0xD;
	s1 =	sshrl.u32 s1, $0x2  }
0xb8: {  	s3 =	sand.u32 $0x4000, s31;
	s1 =	sadd.s32 s1, s30  }
0xb9: {  	s0 =	sor.u32 s3, s0;
	s1 =	sshll.u32 s1, $0x11  }
0xba: {  	s0 =	sor.u32 s1, s0  }
0xbb: {  	s0 =	sadd.s32 $0x8F2B, s0  }
0xbc: {  	[sflag:s0] =	ssyncadd.remote.s32 $0x1  }
0xbd: {  	_ =	sfence.sel $0xFFFF  }
0xbe: {  	[dreg:$0x0] =	wrdreg $0xFFFFFFFF;
	(pc) =	sbr.abs _section_cstart, $3  }
0xbf: {  	[dreg:$0x1] =	wrdreg $0xFFFFFFFF  }
0xc0: {  	_ =	task.clear_ibuf [dreg:s6], $0x2FFFF;
	_ =	strace $0x9FFFFFFF  }
0xc1: {  	(tm) =	ssettm $0x7FFFFFFF  }
tec
execute0_lowered:
.L_overlay_start_1:
0x0: {  	(tag) =	ssettag $0x1  }
0x1: {  	s1 =	srdreg.scid  }
0x2: {  	s0 =	stileid.u32;
	s5 =	rddreg [dreg:$0x0]  }
0x3: {  	s2 =	simm.s32 $0x0;
	s11 =	simm.s32 $0x2780;
	s12 =	simm.s32 $0x4F00  }
0x4: {  	s13 =	simm.s32 $0x7680;
	s4 =	sand.u32 $0x1, s1;
	s3 =	sshll.u32 s0, $0x1  }
0x5: {  	s14 =	simm.s32 $0x11300;
	s1 =	rddreg [dreg:$0x1];
	s3 =	sor.u32 s4, s3  }
0x6: {  	s15 =	simm.s32 $0x0;
	[smem:$0x7FF] =	sst s2;
	s6 =	smul.u32 $0x4E2, s3  }
0x7: {  	_ =	strace $0x8000004A;
	s30 =	ssub.s32 $0x2, s4;
	s7 =	smul.u32 $0x1388, s3  }
0x8: {  	s4 =	sadd.s32 $0x21800, s5;
	s3 =	sadd.s32 $0x547E00, s5;
	s31 =	sshrl.u32 s30, $0x1  }
0x9: {  	s10 =	ssub.s32 s30, s31;
	s8 =	sadd.s32 s6, s5;
	s9 =	sadd.s32 s7, s5  }
0xa: {  	s5 =	sadd.s32 $0x3E00, s8;
	s6 =	sadd.s32 $0xDC00, s8;
	s7 =	sadd.s32 $0x17A00, s8  }
0xb: {  	v0 =	vimm.f32 $1.000000000e+00;
	s8 =	sadd.s32 $0x22C00, s9;
	s9 =	smax.u32 s10, $0x1;
	s10 =	simm.s32 $0x1  }
.LBB2_1:
0xc: {  	[tilespmem:s2], [sflag:$0x1] =	stream.linear.gather [hbm4b:s5+s2], $0x2710, $0x38;
	[tilespmem:$0x1AF80] =	vst v63  }
0xd: {  	_ =	swait.ge [sflag:s10], $0x2710  }
0xe: {  	[sflag:s10] =	ssyncset.done $0x0  }
0xf: {  	[sflag:s10] =	ssyncadd.s32 $0xFFFFD8F0  }
0x10: {  	[tilespmem:s11], [sflag:$0x1] =	stream.linear.gather [hbm4b:s6+s2], $0x2710, $0x38;
	[tilespmem:$0x1AF80] =	vst v63  }
0x11: {  	_ =	swait.ge [sflag:s10], $0x2710  }
0x12: {  	[sflag:s10] =	ssyncset.done $0x0  }
0x13: {  	[sflag:s10] =	ssyncadd.s32 $0xFFFFD8F0  }
0x14: {  	[tilespmem:s12], [sflag:$0x1] =	stream.linear.gather [hbm4b:s7+s2], $0x2710, $0x38;
	[tilespmem:$0x1AF80] =	vst v63  }
0x15: {  	_ =	swait.ge [sflag:s10], $0x2710  }
0x16: {  	[sflag:s10] =	ssyncset.done $0x0  }
0x17: {  	[sflag:s10] =	ssyncadd.s32 $0xFFFFD8F0  }
0x18: {  	[tilespmem:s13], [sflag:$0x1] =	stream.linear.gather [hbm4b:s3+s2], $0x9C80, $0x38;
	[tilespmem:$0x1AF80] =	vst v63  }
0x19: {  	_ =	swait.ge [sflag:s10], $0x9C80  }
0x1a: {  	[sflag:s10] =	ssyncset.done $0x0  }
0x1b: {  	[sflag:s10] =	ssyncadd.s32 $0xFFFF6380  }
0x1c: {  	[tilespmem:s14], [sflag:$0x1] =	stream.linear.gather [hbm4b:s4+s2], $0x9C80, $0x38;
	[tilespmem:$0x1AF80] =	vst v63  }
0x1d: {  	_ =	swait.ge [sflag:s10], $0x9C80  }
0x1e: {  	[sflag:s10] =	ssyncset.done $0x0  }
0x1f: {  	s16 =	simm.s32 $0x0;
	[sflag:s10] =	ssyncadd.s32 $0xFFFF6380  }
0x20: {  	v1 =	vld [tilespmem:s16+$0x0]  }
0x21: {  	v2 =	vld [tilespmem:s16+$0x2780];
	_ =	sdelay $0x3  }
0x22: {  	v3 =	vshll.u32 v1, $0x2  }
0x23: {  	v4 =	vshll.u32 v2, $0x2;
	_ =	sdelay $0x3  }
0x24: {  	v2 =	vld.idx.msk [tilespmem:v3+s13+$0x0], $0xffff  }
0x25: {  	v5 =	vld.idx.msk [tilespmem:v4+s13+$0x0], $0xffff;
	_ =	sdelay $0x1  }
0x26: {  	v1 =	vld [tilespmem:s16+$0x4F00];
	_ =	sdelay $0x2  }
0x27: {  	v2 =	vsub.f32 v2, v5;
	v5 =	vor.u32 $0x1, v3  }
0x28: {  	v6 =	vor.u32 $0x1, v4  }
0x29: {  	v2 =	vmul.f32 v2, v1;
	_ =	sdelay $0x1  }
0x2a: {  	[tilespmem:v4+s14+$0x0] =	vst.idx.add.f32.msk $0xffff, v2  }
0x2b: {  	v2 =	vld.idx.msk [tilespmem:v5+s13+$0x0], $0xffff  }
0x2c: {  	v5 =	vld.idx.msk [tilespmem:v6+s13+$0x0], $0xffff;
	_ =	sdelay $0x4  }
0x2d: {  	v3 =	vor.u32 $0x2, v3;
	v5 =	vsub.f32 v2, v5  }
0x2e: {  	v2 =	vor.u32 $0x2, v4  }
0x2f: {  	v5 =	vmul.f32 v5, v1;
	_ =	sdelay $0x1  }
0x30: {  	[tilespmem:v6+s14+$0x0] =	vst.idx.add.f32.msk $0xffff, v5  }
0x31: {  	v5 =	vld.idx.msk [tilespmem:v3+s13+$0x0], $0xffff  }
0x32: {  	v6 =	vld.idx.msk [tilespmem:v2+s13+$0x0], $0xffff;
	_ =	sdelay $0x4  }
0x33: {  	s16 =	simm.s32 $0x40;
	v3 =	vor.u32 $0x3, v4;
	v4 =	vsub.f32 v5, v6  }
.LBB2_2:
0x34: {  	_ = 	snop  }
0x35: {  	p0 =	sne.s32 s16, $0x9C00;
	s17 =	smov.u32 s16;
	s16 =	sadd.s32 $0x40, s16;
	v1 =	vmul.f32 v4, v1  }
0x36: {  	_ = 	snop  }
0x37: {  	[tilespmem:v2+s14+$0x0] =	vst.idx.add.f32.msk $0xffff, v1  }
0x38: {  	s17 =	sshra.s32 s17, $0x2;
	[tilespmem:v3+s14+$0x0] =	vst.idx.add.f32.msk $0xffff, v0  }
0x39: {  	v1 =	vld [tilespmem:s17+$0x0]  }
0x3a: {  	v2 =	vld [tilespmem:s17+$0x2780];
	_ =	sdelay $0x3  }
0x3b: {  	v3 =	vshll.u32 v1, $0x2  }
0x3c: {  	v4 =	vshll.u32 v2, $0x2;
	_ =	sdelay $0x3  }
0x3d: {  	v2 =	vld.idx.msk [tilespmem:v3+s13+$0x0], $0xffff  }
0x3e: {  	v5 =	vld.idx.msk [tilespmem:v4+s13+$0x0], $0xffff;
	_ =	sdelay $0x1  }
0x3f: {  	v1 =	vld [tilespmem:s17+$0x4F00];
	_ =	sdelay $0x3  }
0x40: {  	v6 =	vor.u32 $0x1, v4;
	v2 =	vsub.f32 v2, v5;
	v5 =	vor.u32 $0x1, v3;
	_ =	sdelay $0x1  }
0x41: {  	v2 =	vmul.f32 v2, v1;
	_ =	sdelay $0x1  }
0x42: {  	[tilespmem:v4+s14+$0x0] =	vst.idx.add.f32.msk $0xffff, v2  }
0x43: {  	v2 =	vld.idx.msk [tilespmem:v5+s13+$0x0], $0xffff  }
0x44: {  	v5 =	vld.idx.msk [tilespmem:v6+s13+$0x0], $0xffff;
	_ =	sdelay $0x5  }
0x45: {  	v3 =	vor.u32 $0x2, v3;
	v5 =	vsub.f32 v2, v5;
	v2 =	vor.u32 $0x2, v4;
	_ =	sdelay $0x1  }
0x46: {  	v5 =	vmul.f32 v5, v1;
	_ =	sdelay $0x1  }
0x47: {  	[tilespmem:v6+s14+$0x0] =	vst.idx.add.f32.msk $0xffff, v5  }
0x48: {  	v5 =	vld.idx.msk [tilespmem:v3+s13+$0x0], $0xffff  }
0x49: {  	v6 =	vld.idx.msk [tilespmem:v2+s13+$0x0], $0xffff;
	_ =	sdelay $0x1  }
.Ltmp0:
0x4a: {  	(pc) =	sbr.rel @p0 .LBB2_2-.Ltmp0, $2  }
0x4b: {  	v3 =	vor.u32 $0x3, v4;
	_ =	sdelay $0x2  }
0x4c: {  	v4 =	vsub.f32 v5, v6  }
0x4d: {  	_ =	sdelay $0x1  }
0x4e: {  	v1 =	vmul.f32 v4, v1  }
0x4f: {  	s15 =	sadd.s32 $0x1, s15  }
0x50: {  	p0 =	sne.s32 s15, s9;
	[tilespmem:v2+s14+$0x0] =	vst.idx.add.f32.msk $0xffff, v1  }
.Ltmp1:
0x51: {  	[tilespmem:v3+s14+$0x0] =	vst.idx.add.f32.msk $0xffff, v0;
	(pc) =	sbr.rel @p0 .LBB2_1-.Ltmp1, $4  }
0x52: {  	[hbm4b:s8+s2] =	stream.linear.scatter [tilespmem:s14], [sflag:$0x1], $0x9C40, $0x38;
	[tilespmem:$0x1AF80] =	vst v63  }
0x53: {  	_ =	swait.ge [sflag:s10], $0x9C40  }
0x54: {  	[sflag:s10] =	ssyncset.done $0x0  }
0x55: {  	[sflag:s10] =	ssyncadd.s32 $0xFFFF63C0  }
0x56: {  	_ =	sfence.sel $0x180000  }
0x57: {  	[bflag:$0x0] =	sbarrier.arrive $0xFFFF  }
0x58: {  	p0 =	sne.s32 s0, $0x0;
	_ =	strace $0x9000004A  }
0x59: {  	s0 =	sadd.s32 @!p0 $0x100000, s1;
	[bflag:$0x2] =	sbarrier.arrive $0xFFFF  }
0x5a: {  	[sflag:s0] =	ssyncadd.tile.s32 @!p0 $0x1;
	_ =	shalt  }
.Lfunc_end2:
_tile_overlayer_lowered:
.L_overlay_start_2:
0x5b: {  	(tag) =	ssettag $0x2  }
0x5c: {  	s0 =	rddreg [dreg:$0x0];
	s2 =	stileid.u32  }
0x5d: {  	s1 =	rddreg [dreg:$0x1];
	p0 =	sne.s32 s2, $0x0  }
0x5e: {  	s3 =	rddreg [dreg:$0x2];
	[bflag:$0x3] =	sbarrier.arrive $0xFFFF;
	s2 =	simm.s32 @!p0 $0x1C01  }
0x5f: {  	[timem:s3], [sflag:s2] =	dma.local @!p0 [hbm:s0], s1  }
0x60: {  	s0 =	simm.s32 @!p0 $0x1  }
0x61: {  	_ =	swait.ge @!p0 [sflag:s0], s1  }
0x62: {  	s1 =	ssub.s32 @!p0 $0x0, s1;
	[sflag:s0] =	ssyncset.done @!p0 $0x0  }
0x63: {  	[sflag:s0] =	ssyncadd.s32 @!p0 s1  }
0x64: {  	[bflag:$0x3] =	sbarrier.arrive $0xFFFF  }
0x65: {  	_ =	shalt  }

// kernel: kernel.9.cloned.1.call-start
scs
__scs_entry_jumppad:
0x0: {  	(pc) =	sbr.rel $0x88, $3  }
0x1: {  	(tag) =	ssettag $0x0;
	lr =	simm.s32 $0x1  }
0x2: {  	[smem:$0x3F92] =	sst lr;
	_ =	strace $0xD0000000  }
0x3: {  	_ = 	snop  }
0x4: {  	_ = 	snop  }
0x5: {  	_ = 	snop  }
0x6: {  	_ = 	snop  }
0x7: {  	_ = 	snop  }
__scs_overlays_trampoline_lowered:
0x8: {  	[smem:$0x3FA1] =	sst s0  }
0x9: {  	[smem:$0x3FA2] =	sst s1  }
0xa: {  	[smem:$0x3FA3] =	sst s2  }
0xb: {  	[smem:$0x3FA4] =	sst s3  }
0xc: {  	[smem:$0x3FA5] =	sst s4  }
0xd: {  	[smem:$0x3FA6] =	sst s5  }
0xe: {  	[smem:$0x3FA7] =	sst s6  }
0xf: {  	[smem:$0x3FA8] =	sst s7  }
0x10: {  	[smem:$0x3FA9] =	sst s8  }
0x11: {  	[smem:$0x3FAA] =	sst s9;
	s0 =	simm.s32 @!p0 $0x0  }
0x12: {  	s1 =	sld [smem:$0x3F90];
	s0 =	simm.s32 @p0 $0x1  }
0x13: {  	[smem:$0x3FAB] =	sst s0;
	s0 =	simm.s32 @!p1 $0x0  }
0x14: {  	s2 =	sld [smem:$0x3F8F];
	s0 =	simm.s32 @p1 $0x1  }
0x15: {  	[smem:$0x3FAC] =	sst s0;
	s0 =	simm.s32 @!p2 $0x0  }
0x16: {  	s3 =	sld [smem:$0x3FDB];
	s0 =	simm.s32 @p2 $0x1  }
0x17: {  	s4 =	simm.s32 $0x1BF5;
	[smem:$0x3FAE] =	sst s0  }
0x18: {  	s0 =	sld [smem:$0x3F91];
	_ =	swait.ge [sflag:s4], $0x0  }
0x19: {  	s7 =	sld [smem:$0x3F92]  }
0x1a: {  	s8 =	sadd.s32 $0xFFFFE003, lr  }
0x1b: {  	s9 =	sadd.s32 $0xFFFFFEF7, lr;
	s5 =	simm.s32 $0xFFFFFFFF;
	p2 =	slt.u32 s8, $0xFFFFF086  }
0x1c: {  	p1 =	slt.u32 s9, $0xF7A;
	s5 =	simm.s32 @!p2 $0x0  }
0x1d: {  	s5 =	simm.s32 @p1 $0x1;
	p0 =	seq.s32 s7, s2  }
0x1e: {  	s7 =	smul.u32 @!p0 $0xF7A, s2;
	p2 =	seq.s32 @!p0 s5, $0x0  }
0x1f: {  	s9 =	smul.u32 $0xF7A, s1;
	s8 =	simm.s32 @!p0 $0x1BF5;
	p2 =	por !p2, p0  }
0x20: {  	[sflag:s8] =	ssyncset.s32 @!p0 $0xFFFFF086;
	s6 =	sadd.s32 @!p0 s3, s7;
	s7 =	simm.s32 @!p0 $0x108  }
0x21: {  	s3 =	sadd.s32 s3, s9;
	s6 =	sadd.s32 @!p0 $0x88, s6;
	s7 =	simm.s32 @p2 $0x1082  }
0x22: {  	[simem:s7], [sflag:s8] =	dma.local @!p0 [hbm:s6], $0xF7A  }
0x23: {  	s9 =	sor.u32 $0xD0000000, s2;
	s6 =	simm.s32 $0x108;
	_ =	swait.ge @!p0 [sflag:s8], $0x0  }
0x24: {  	s3 =	sadd.s32 $0x88, s3;
	s6 =	simm.s32 @!p1 $0x1082;
	[sflag:s4] =	ssyncset.s32 $0xFFFFF086  }
0x25: {  	[simem:s6], [sflag:s4] =	dma.local [hbm:s3], $0xF7A  }
0x26: {  	[smem:$0x3F92] =	sst s1;
	(tag) =	ssettag s2;
	_ =	strace s9  }
0x27: {  	s1 =	sld [smem:$0x3FA2]  }
0x28: {  	s2 =	sld [smem:$0x3FA3]  }
0x29: {  	s4 =	sld [smem:$0x3FA5]  }
0x2a: {  	p0 =	seq.s32 s5, $0x0;
	s5 =	sld [smem:$0x3FA6]  }
0x2b: {  	s6 =	sld [smem:$0x3FA7]  }
0x2c: {  	s7 =	sld [smem:$0x3FA8]  }
0x2d: {  	s3 =	simm.s32 $0x108;
	s8 =	sld [smem:$0x3FA9]  }
0x2e: {  	s3 =	simm.s32 @!p0 $0x1082;
	s9 =	sld [smem:$0x3FAA]  }
0x2f: {  	lr =	sadd.s32 s0, s3;
	s0 =	sld [smem:$0x3FA1]  }
0x30: {  	s3 =	sld [smem:$0x3FA4]  }
0x31: {  	[smem:$0x3FAD] =	sst s10  }
0x32: {  	s10 =	sld [smem:$0x3FAB];
	_ =	sdelay $0x3  }
0x33: {  	p0 =	seq.s32 s10, $0x1;
	s10 =	sld [smem:$0x3FAD];
	_ =	sdelay $0x3  }
0x34: {  	[smem:$0x3FAD] =	sst s10  }
0x35: {  	s10 =	sld [smem:$0x3FAC];
	_ =	sdelay $0x3  }
0x36: {  	p1 =	seq.s32 s10, $0x1;
	s10 =	sld [smem:$0x3FAD];
	_ =	sdelay $0x3  }
0x37: {  	[smem:$0x3FAD] =	sst s10  }
0x38: {  	s10 =	sld [smem:$0x3FAE]  }
0x39: {  	_ = 	snop;
	(pc) =	sbr.ind lr, $3  }
0x3a: {  	_ = 	snop  }
0x3b: {  	_ = 	snop  }
0x3c: {  	p2 =	seq.s32 s10, $0x1;
	s10 =	sld [smem:$0x3FAD]  }
0x3d: {  	_ =	shalt  }
0x3e: {  	_ =	shalt  }
0x3f: {  	_ =	shalt  }
0x40: {  	_ =	shalt  }
0x41: {  	_ =	shalt  }
0x42: {  	_ =	shalt  }
0x43: {  	_ =	shalt  }
0x44: {  	_ =	shalt  }
0x45: {  	_ =	shalt  }
0x46: {  	_ =	shalt  }
0x47: {  	_ =	shalt  }
0x48: {  	_ =	shalt  }
0x49: {  	_ =	shalt  }
0x4a: {  	_ =	shalt  }
0x4b: {  	_ =	shalt  }
0x4c: {  	_ =	shalt  }
0x4d: {  	_ =	shalt  }
0x4e: {  	_ =	shalt  }
0x4f: {  	_ =	shalt  }
0x50: {  	_ =	shalt  }
0x51: {  	_ =	shalt  }
0x52: {  	_ =	shalt  }
0x53: {  	_ =	shalt  }
0x54: {  	_ =	shalt  }
0x55: {  	_ =	shalt  }
0x56: {  	_ =	shalt  }
0x57: {  	_ =	shalt  }
0x58: {  	_ =	shalt  }
0x59: {  	_ =	shalt  }
0x5a: {  	_ =	shalt  }
0x5b: {  	_ =	shalt  }
0x5c: {  	_ =	shalt  }
0x5d: {  	_ =	shalt  }
0x5e: {  	_ =	shalt  }
0x5f: {  	_ =	shalt  }
0x60: {  	_ =	shalt  }
0x61: {  	_ =	shalt  }
0x62: {  	_ =	shalt  }
0x63: {  	_ =	shalt  }
0x64: {  	_ =	shalt  }
0x65: {  	_ =	shalt  }
0x66: {  	_ =	shalt  }
0x67: {  	_ =	shalt  }
0x68: {  	_ =	shalt  }
0x69: {  	_ =	shalt  }
0x6a: {  	_ =	shalt  }
0x6b: {  	_ =	shalt  }
0x6c: {  	_ =	shalt  }
0x6d: {  	_ =	shalt  }
0x6e: {  	_ =	shalt  }
0x6f: {  	_ =	shalt  }
0x70: {  	_ =	shalt  }
0x71: {  	_ =	shalt  }
0x72: {  	_ =	shalt  }
0x73: {  	_ =	shalt  }
0x74: {  	_ =	shalt  }
0x75: {  	_ =	shalt  }
0x76: {  	_ =	shalt  }
0x77: {  	_ =	shalt  }
0x78: {  	_ =	shalt  }
0x79: {  	_ =	shalt  }
0x7a: {  	_ =	shalt  }
0x7b: {  	_ =	shalt  }
0x7c: {  	_ =	shalt  }
0x7d: {  	_ =	shalt  }
0x7e: {  	_ =	shalt  }
0x7f: {  	_ =	shalt  }
0x80: {  	_ =	shalt  }
0x81: {  	_ =	shalt  }
0x82: {  	_ =	shalt  }
0x83: {  	_ =	shalt  }
0x84: {  	_ =	shalt  }
0x85: {  	_ =	shalt  }
0x86: {  	_ =	shalt  }
0x87: {  	_ =	shalt  }
.Lfunc_end0:
.L_simem_size_0:
called_computation_lowered:
.L_overlay_start_0:
0x88: {  	s2 =	sld [smem:$0x3FD9]  }
0x89: {  	s3 =	sld [smem:$0x3FFE];
	_ =	sdelay $0x1  }
0x8a: {  	s1 =	srdreg.scid  }
0x8b: {  	s0 =	sand.u32 $0x1, s1  }
0x8c: {  	s16 =	sshll.u32 s0, $0xA;
	s2 =	sadd.s32 s3, s2  }
0x8d: {  	s2 =	sadd.s32 s2, s16  }
0x8e: {  	[smem:$0x3FB9] =	sst s2  }
0x8f: {  	_ = 	snop  }
0x90: {  	(tm) =	ssettm $0x1  }
0x91: {  	s17 =	sld [smem:$0x3FFB];
	_ =	sdelay $0x3  }
0x92: {  	_ =	strace s17  }
0x93: {  	s2 =	sld [smem:$0x3FFC];
	_ =	sdelay $0x3  }
0x94: {  	_ =	strace s2  }
0x95: {  	s2 =	sld [smem:$0x3FFD];
	_ =	sdelay $0x3  }
0x96: {  	_ =	strace s2  }
0x97: {  	_ =	strace $0x8FFFFFFF  }
0x98: {  	s18 =	sld [smem:$0x3FDB];
	_ =	sdelay $0x1  }
0x99: {  	s19 =	simm.s32 $_scs_section_size  }
0x9a: {  	s4 =	simm.s32 $_size__tile_overlayer_lowered;
	s5 =	simm.s32 $_tile_overlayer_lowered  }
0x9b: {  	s22 =	simm.s32 $0x1BFF;
	s21 =	sshll.u32 s5, $0x1;
	s2 =	sadd.s32 s19, s18  }
0x9c: {  	s6 =	simm.s32 $0x0;
	s20 =	sshll.u32 s4, $0x1;
	s4 =	sadd.s32 s21, s2  }
0x9d: {  	[timem:s6], [sflag:s22] =	dma.local [hbm:s4], s20  }
0x9e: {  	_ =	swait.ge [sflag:s22], s20  }
0x9f: {  	s3 =	ssub.s32 $0x0, s20;
	[sflag:s22] =	ssyncset.done $0x0  }
0xa0: {  	[sflag:s22] =	ssyncadd.s32 s3;
	_ =	sdelay $0x1  }
0xa1: {  	s23 =	simm.s32 $0x1B8B  }
0xa2: {  	_ =	swait.ge [sflag:s23], $0x1  }
0xa3: {  	[sflag:s23] =	ssyncset.done $0x0  }
0xa4: {  	s25 =	simm.s32 $0x1B8E;
	s24 =	sld [smem:$0x3FFE];
	[sflag:s23] =	ssyncadd.s32 $0xFFFFFFFF  }
0xa5: {  	s26 =	simm.s32 $execute0_lowered;
	[smem:$0x3FD2] =	sst s25  }
0xa6: {  	s4 =	sshll.u32 s26, $0x1;
	_ =	strace $0x80000046;
	[dreg:$0x1] =	wrdreg $0xFFFFFFFF  }
0xa7: {  	s28 =	simm.s32 $_size_execute0_lowered;
	s2 =	sadd.s32 s2, s4;
	[dreg:$0x0] =	wrdreg $0x0  }
0xa8: {  	s4 =	sshll.u32 s28, $0x1;
	[dreg:$0x2] =	wrdreg s2  }
0xa9: {  	[dreg:$0x3] =	wrdreg s4  }
0xaa: {  	[dreg:$0x4] =	wrdreg $0xC0  }
0xab: {  	_ =	task [dreg:s6], $0x5FFFF  }
0xac: {  	[dreg:$0x1] =	wrdreg $0xFFFFFFFF  }
0xad: {  	[dreg:$0x0] =	wrdreg $0x60  }
0xae: {  	[dreg:$0x2] =	wrdreg s24  }
0xaf: {  	[dreg:$0x3] =	wrdreg $0x9  }
0xb0: {  	_ =	task.clear_ibuf [dreg:s6], $0x4FFFF;
	_ =	strace $0x90000046  }
0xb1: {  	s29 =	simm.s32 $0x9;
	_ =	strace $0x80000048  }
0xb2: {  	_ =	swait.ge [sflag:s29], $0x1  }
0xb3: {  	[sflag:s29] =	ssyncadd.s32 $0xFFFFFFFF  }
0xb4: {  	_ =	strace $0x90000048  }
0xb5: {  	_ =	sfence  }
0xb6: {  	s30 =	sld [smem:$0x0];
	_ =	sdelay $0x2  }
0xb7: {  	s31 =	sshll.u32 s1, $0xD;
	s1 =	sshrl.u32 s1, $0x2  }
0xb8: {  	s3 =	sand.u32 $0x4000, s31;
	s1 =	sadd.s32 s1, s30  }
0xb9: {  	s0 =	sor.u32 s3, s0;
	s1 =	sshll.u32 s1, $0x11  }
0xba: {  	s0 =	sor.u32 s1, s0  }
0xbb: {  	s0 =	sadd.s32 $0x8F2B, s0  }
0xbc: {  	[sflag:s0] =	ssyncadd.remote.s32 $0x1  }
0xbd: {  	_ =	sfence.sel $0xFFFF  }
0xbe: {  	[dreg:$0x0] =	wrdreg $0xFFFFFFFF;
	(pc) =	sbr.abs _section_cstart, $3  }
0xbf: {  	[dreg:$0x1] =	wrdreg $0xFFFFFFFF  }
0xc0: {  	_ =	task.clear_ibuf [dreg:s6], $0x2FFFF;
	_ =	strace $0x9FFFFFFF  }
0xc1: {  	(tm) =	ssettm $0x7FFFFFFF  }
tec
execute0_lowered:
.L_overlay_start_1:
0x0: {  	(tag) =	ssettag $0x1  }
0x1: {  	s0 =	srdreg.scid;
	s1 =	stileid.u32  }
0x2: {  	s6 =	rddreg [dreg:$0x0];
	s2 =	simm.s32 $0x0;
	s13 =	simm.s32 $0x9  }
0x3: {  	s15 =	simm.s32 $0x50;
	s16 =	simm.s32 $0x4F00;
	s17 =	simm.s32 $0xEF00  }
0x4: {  	s18 =	simm.s32 $0x7700;
	s22 =	simm.s32 $0x9F00;
	s25 =	simm.s32 $0xC700  }
0x5: {  	s28 =	simm.s32 $0x1;
	s29 =	simm.s32 $0x5;
	s30 =	simm.s32 $0x2  }
0x6: {  	s31 =	simm.s32 $0x6;
	s0 =	sand.u32 $0x1, s0;
	s1 =	sshll.u32 s1, $0x1  }
0x7: {  	s19 =	simm.s32 $0x4;
	s20 =	simm.s32 $0x8;
	s1 =	sor.u32 s0, s1  }
0x8: {  	s21 =	simm.s32 $0x0;
	s0 =	ssub.s32 $0x2, s0;
	s3 =	smul.u32 $0x2710, s1  }
0x9: {  	[smem:$0x7FF] =	sst s2;
	s1 =	smul.u32 $0x138800, s1;
	s8 =	sshrl.u32 s0, $0x1  }
0xa: {  	s5 =	sadd.s32 $0x3EC00, s6;
	_ =	strace $0x80000047;
	s0 =	ssub.s32 s0, s8  }
0xb: {  	s4 =	sshrl.u32 s3, $0x3;
	s1 =	sshrl.u32 s1, $0x3;
	s9 =	sadd.s32 $0x50, s3  }
0xc: {  	s10 =	sadd.s32 $0xA0, s3;
	s12 =	smax.u32 s0, $0x1;
	s7 =	sadd.s32 s4, s6  }
0xd: {  	s4 =	sadd.s32 $0x17A00, s6;
	s6 =	sadd.s32 $0x65E00, s6;
	s26 =	sadd.s32 $0x3E00, s7  }
0xe: {  	s7 =	sadd.s32 $0xDC00, s7;
	s1 =	sadd.s32 s6, s1;
	[dreg:$0x2] =	wrdreg s26  }
0xf: {  	s0 =	simm.s32 $0x7;
	[dreg:$0x3] =	wrdreg s7;
	s1 =	sadd.s32 $0x26C00, s1  }
0x10: {  	s26 =	simm.s32 $0x16700;
	[dreg:$0x4] =	wrdreg s1;
	s1 =	simm.s32 $0x3  }
.LBB2_1:
0x11: {  	s7 =	rddreg [dreg:$0x2]  }
0x12: {  	[tilespmem:s2], [sflag:$0x9] =	stream.linear.gather [hbm4b:s7+s2], $0x2710, $0x38;
	[tilespmem:$0x18F00] =	vst v63  }
0x13: {  	_ =	swait.ge [sflag:s13], $0x2710  }
0x14: {  	[sflag:s13] =	ssyncset.done $0x0  }
0x15: {  	s8 =	simm.s32 $0x2780;
	s24 =	rddreg [dreg:$0x3];
	[sflag:s13] =	ssyncadd.s32 $0xFFFFD8F0  }
0x16: {  	[tilespmem:s8], [sflag:$0x9] =	stream.linear.gather [hbm4b:s24+s2], $0x2710, $0x38;
	[tilespmem:$0x18F00] =	vst v63  }
0x17: {  	_ =	swait.ge [sflag:s13], $0x2710  }
0x18: {  	[sflag:s13] =	ssyncset.done $0x0  }
0x19: {  	[sflag:s13] =	ssyncadd.s32 $0xFFFFD8F0  }
0x1a: {  	[tilespmem:s16], [sflag:$0x1] =	stream.indirect.gather [hbm4b:s4+s15], $0x80, s2, s15, $0xb8;
	[tilespmem:$0x18F00] =	vst v63  }
0x1b: {  	_ = 	snop  }
0x1c: {  	[tilespmem:s17], [sflag:$0x5] =	stream.indirect.gather [hbm4b:s5+s15], $0x80, s8, s15, $0xb8;
	[tilespmem:$0x18F00] =	vst v63  }
0x1d: {  	_ = 	snop  }
0x1e: {  	[tilespmem:s18], [sflag:$0x2] =	stream.indirect.gather [hbm4b:s4+s15], $0x80, s15, s15, $0xb8;
	[tilespmem:$0x18F00] =	vst v63  }
0x1f: {  	s11 =	simm.s32 $0x11700;
	s8 =	simm.s32 $0x27D0  }
0x20: {  	[tilespmem:s11], [sflag:$0x6] =	stream.indirect.gather [hbm4b:s5+s15], $0x80, s8, s15, $0xb8;
	[tilespmem:$0x18F00] =	vst v63  }
0x21: {  	s14 =	simm.s32 $0xA0  }
0x22: {  	[tilespmem:s22], [sflag:$0x3] =	stream.indirect.gather [hbm4b:s4+s15], $0x80, s14, s15, $0xb8;
	[tilespmem:$0x18F00] =	vst v63  }
0x23: {  	s23 =	simm.s32 $0x2820;
	s24 =	simm.s32 $0x13F00  }
0x24: {  	[tilespmem:s24], [sflag:$0x7] =	stream.indirect.gather [hbm4b:s5+s15], $0x80, s23, s15, $0xb8;
	[tilespmem:$0x18F00] =	vst v63  }
0x25: {  	s23 =	simm.s32 $0x0  }
.LBB2_2:
0x26: {  	s14 =	smul.u32 $0x140, s23;
	_ =	sdelay $0x1  }
0x27: {  	s24 =	sadd.s32 $0xF0, s14  }
0x28: {  	[tilespmem:s25], [sflag:$0x4] =	stream.indirect.gather [hbm4b:s4+s15], $0x80, s24, s15, $0xb8;
	[tilespmem:$0x18F00] =	vst v63  }
0x29: {  	s7 =	sadd.s32 $0x2870, s14  }
0x2a: {  	[tilespmem:s26], [sflag:$0x8] =	stream.indirect.gather [hbm4b:s5+s15], $0x80, s7, s15, $0xb8;
	[tilespmem:$0x18F00] =	vst v63  }
0x2b: {  	_ =	swait.ge [sflag:s28], $0x2800  }
0x2c: {  	[sflag:s28] =	ssyncset.done $0x0  }
0x2d: {  	[sflag:s28] =	ssyncadd.s32 $0xFFFFD800  }
0x2e: {  	_ =	swait.ge [sflag:s29], $0x2800  }
0x2f: {  	[sflag:s29] =	ssyncset.done $0x0  }
0x30: {  	s7 =	simm.s32 $0x0;
	[sflag:s29] =	ssyncadd.s32 $0xFFFFD800  }
0x31: {  	v7 =	vld [tilespmem:s7+$0xEF00]  }
0x32: {  	v11 =	vld [tilespmem:s7+$0xEF10]  }
0x33: {  	v5 =	vld [tilespmem:s7+$0xEF20]  }
0x34: {  	v4 =	vld [tilespmem:s7+$0xEF30]  }
0x35: {  	v3 =	vld [tilespmem:s7+$0xEF40]  }
0x36: {  	v2 =	vld [tilespmem:s7+$0xEF50]  }
0x37: {  	v1 =	vld [tilespmem:s7+$0xEF60]  }
0x38: {  	v0 =	vld [tilespmem:s7+$0xEF70]  }
0x39: {  	v12 =	vld [tilespmem:s7+$0x4F00]  }
0x3a: {  	v13 =	vld [tilespmem:s7+$0x4F10]  }
0x3b: {  	v10 =	vld [tilespmem:s7+$0x4F20]  }
0x3c: {  	v9 =	vld [tilespmem:s7+$0x4F30]  }
0x3d: {  	v8 =	vld [tilespmem:s7+$0x4F40]  }
0x3e: {  	v6 =	vld [tilespmem:s7+$0x4F50];
	v12 =	vadd.bf16 v7, v12  }
0x3f: {  	s8 =	simm.s32 $0x200;
	v11 =	vadd.bf16 v11, v13;
	v7 =	vld [tilespmem:s7+$0x4F60]  }
.LBB2_3:
0x40: {  	s11 =	sshra.s32 s8, $0x2;
	p0 =	sne.s32 s8, $0x9E00;
	[tilespmem:s7+$0x4F00] =	vst v12;
	v5 =	vadd.bf16 v5, v10;
	v10 =	vld [tilespmem:s7+$0x4F70]  }
0x41: {  	v12 =	vld [tilespmem:s11+$0xEF00];
	[tilespmem:s7+$0x4F10] =	vst v11;
	v4 =	vadd.bf16 v4, v9  }
0x42: {  	v11 =	vld [tilespmem:s11+$0xEF10];
	[tilespmem:s7+$0x4F20] =	vst v5;
	v3 =	vadd.bf16 v3, v8  }
0x43: {  	v5 =	vld [tilespmem:s11+$0xEF20];
	[tilespmem:s7+$0x4F30] =	vst v4;
	v2 =	vadd.bf16 v2, v6  }
0x44: {  	v4 =	vld [tilespmem:s11+$0xEF30];
	[tilespmem:s7+$0x4F40] =	vst v3;
	v1 =	vadd.bf16 v1, v7  }
0x45: {  	v3 =	vld [tilespmem:s11+$0xEF40];
	[tilespmem:s7+$0x4F50] =	vst v2;
	v0 =	vadd.bf16 v0, v10  }
0x46: {  	v2 =	vld [tilespmem:s11+$0xEF50];
	[tilespmem:s7+$0x4F60] =	vst v1  }
0x47: {  	v1 =	vld [tilespmem:s11+$0xEF60];
	[tilespmem:s7+$0x4F70] =	vst v0;
	s7 =	smov.u32 s11  }
0x48: {  	v0 =	vld [tilespmem:s7+$0xEF70]  }
0x49: {  	v6 =	vld [tilespmem:s7+$0x4F00]  }
0x4a: {  	v7 =	vld [tilespmem:s7+$0x4F10]  }
.Ltmp0:
0x4b: {  	v10 =	vld [tilespmem:s7+$0x4F20];
	(pc) =	sbr.rel @p0 .LBB2_3-.Ltmp0, $4  }
0x4c: {  	v9 =	vld [tilespmem:s7+$0x4F30]  }
0x4d: {  	v8 =	vld [tilespmem:s7+$0x4F40]  }
0x4e: {  	v12 =	vadd.bf16 v12, v6;
	v6 =	vld [tilespmem:s7+$0x4F50]  }
0x4f: {  	s8 =	sadd.s32 $0x200, s8;
	v11 =	vadd.bf16 v11, v7;
	v7 =	vld [tilespmem:s7+$0x4F60]  }
0x50: {  	[tilespmem:s7+$0x4F00] =	vst v12;
	v5 =	vadd.bf16 v5, v10;
	v10 =	vld [tilespmem:s7+$0x4F70]  }
0x51: {  	[tilespmem:s7+$0x4F10] =	vst v11;
	v4 =	vadd.bf16 v4, v9  }
0x52: {  	[tilespmem:s7+$0x4F20] =	vst v5;
	v3 =	vadd.bf16 v3, v8  }
0x53: {  	[tilespmem:s7+$0x4F30] =	vst v4;
	v2 =	vadd.bf16 v2, v6  }
0x54: {  	[tilespmem:s7+$0x4F40] =	vst v3;
	v1 =	vadd.bf16 v1, v7  }
0x55: {  	s8 =	sadd.s32 s3, s14;
	[tilespmem:s7+$0x4F50] =	vst v2;
	v0 =	vadd.bf16 v0, v10  }
0x56: {  	s8 =	sshll.u32 s8, $0x4;
	[tilespmem:s7+$0x4F60] =	vst v1  }
0x57: {  	s11 =	simm.s32 $0x0;
	s8 =	sadd.s32 s6, s8;
	[tilespmem:s7+$0x4F70] =	vst v0  }
0x58: {  	[hbm4b:s8+s11] =	stream.linear.scatter [tilespmem:s16], [sflag:$0x9], $0x2800, $0x38;
	[tilespmem:$0x18F00] =	vst v63  }
0x59: {  	_ =	swait.ge [sflag:s13], $0x2800  }
0x5a: {  	[sflag:s13] =	ssyncset.done $0x0  }
0x5b: {  	s8 =	sadd.s32 $0x140, s14;
	[sflag:s13] =	ssyncadd.s32 $0xFFFFD800  }
0x5c: {  	[tilespmem:s16], [sflag:$0x1] =	stream.indirect.gather [hbm4b:s4+s15], $0x80, s8, s15, $0xb8;
	[tilespmem:$0x18F00] =	vst v63  }
0x5d: {  	s11 =	sadd.s32 $0x28C0, s14  }
0x5e: {  	[tilespmem:s17], [sflag:$0x5] =	stream.indirect.gather [hbm4b:s5+s15], $0x80, s11, s15, $0xb8;
	[tilespmem:$0x18F00] =	vst v63  }
0x5f: {  	_ =	swait.ge [sflag:s30], $0x2800  }
0x60: {  	[sflag:s30] =	ssyncset.done $0x0  }
0x61: {  	[sflag:s30] =	ssyncadd.s32 $0xFFFFD800  }
0x62: {  	_ =	swait.ge [sflag:s31], $0x2800  }
0x63: {  	[sflag:s31] =	ssyncset.done $0x0  }
0x64: {  	s7 =	simm.s32 $0x0;
	[sflag:s31] =	ssyncadd.s32 $0xFFFFD800  }
0x65: {  	v7 =	vld [tilespmem:s7+$0x11700]  }
0x66: {  	v11 =	vld [tilespmem:s7+$0x11710]  }
0x67: {  	v5 =	vld [tilespmem:s7+$0x11720]  }
0x68: {  	v4 =	vld [tilespmem:s7+$0x11730]  }
0x69: {  	v3 =	vld [tilespmem:s7+$0x11740]  }
0x6a: {  	v2 =	vld [tilespmem:s7+$0x11750]  }
0x6b: {  	v1 =	vld [tilespmem:s7+$0x11760]  }
0x6c: {  	v0 =	vld [tilespmem:s7+$0x11770]  }
0x6d: {  	v12 =	vld [tilespmem:s7+$0x7700]  }
0x6e: {  	v13 =	vld [tilespmem:s7+$0x7710]  }
0x6f: {  	v10 =	vld [tilespmem:s7+$0x7720]  }
0x70: {  	v9 =	vld [tilespmem:s7+$0x7730]  }
0x71: {  	v8 =	vld [tilespmem:s7+$0x7740]  }
0x72: {  	v6 =	vld [tilespmem:s7+$0x7750];
	v12 =	vadd.bf16 v7, v12  }
0x73: {  	s8 =	simm.s32 $0x200;
	v11 =	vadd.bf16 v11, v13;
	v7 =	vld [tilespmem:s7+$0x7760]  }
.LBB2_5:
0x74: {  	s11 =	sshra.s32 s8, $0x2;
	p0 =	sne.s32 s8, $0x9E00;
	[tilespmem:s7+$0x7700] =	vst v12;
	v5 =	vadd.bf16 v5, v10;
	v10 =	vld [tilespmem:s7+$0x7770]  }
0x75: {  	v12 =	vld [tilespmem:s11+$0x11700];
	[tilespmem:s7+$0x7710] =	vst v11;
	v4 =	vadd.bf16 v4, v9  }
0x76: {  	v11 =	vld [tilespmem:s11+$0x11710];
	[tilespmem:s7+$0x7720] =	vst v5;
	v3 =	vadd.bf16 v3, v8  }
0x77: {  	v5 =	vld [tilespmem:s11+$0x11720];
	[tilespmem:s7+$0x7730] =	vst v4;
	v2 =	vadd.bf16 v2, v6  }
0x78: {  	v4 =	vld [tilespmem:s11+$0x11730];
	[tilespmem:s7+$0x7740] =	vst v3;
	v1 =	vadd.bf16 v1, v7  }
0x79: {  	v3 =	vld [tilespmem:s11+$0x11740];
	[tilespmem:s7+$0x7750] =	vst v2;
	v0 =	vadd.bf16 v0, v10  }
0x7a: {  	v2 =	vld [tilespmem:s11+$0x11750];
	[tilespmem:s7+$0x7760] =	vst v1  }
0x7b: {  	v1 =	vld [tilespmem:s11+$0x11760];
	[tilespmem:s7+$0x7770] =	vst v0;
	s7 =	smov.u32 s11  }
0x7c: {  	v0 =	vld [tilespmem:s7+$0x11770]  }
0x7d: {  	v6 =	vld [tilespmem:s7+$0x7700]  }
0x7e: {  	v7 =	vld [tilespmem:s7+$0x7710]  }
.Ltmp1:
0x7f: {  	v10 =	vld [tilespmem:s7+$0x7720];
	(pc) =	sbr.rel @p0 .LBB2_5-.Ltmp1, $4  }
0x80: {  	v9 =	vld [tilespmem:s7+$0x7730]  }
0x81: {  	v8 =	vld [tilespmem:s7+$0x7740]  }
0x82: {  	v12 =	vadd.bf16 v12, v6;
	v6 =	vld [tilespmem:s7+$0x7750]  }
0x83: {  	s8 =	sadd.s32 $0x200, s8;
	v11 =	vadd.bf16 v11, v7;
	v7 =	vld [tilespmem:s7+$0x7760]  }
0x84: {  	[tilespmem:s7+$0x7700] =	vst v12;
	v5 =	vadd.bf16 v5, v10;
	v10 =	vld [tilespmem:s7+$0x7770]  }
0x85: {  	[tilespmem:s7+$0x7710] =	vst v11;
	v4 =	vadd.bf16 v4, v9  }
0x86: {  	[tilespmem:s7+$0x7720] =	vst v5;
	v3 =	vadd.bf16 v3, v8  }
0x87: {  	[tilespmem:s7+$0x7730] =	vst v4;
	v2 =	vadd.bf16 v2, v6  }
0x88: {  	[tilespmem:s7+$0x7740] =	vst v3;
	v1 =	vadd.bf16 v1, v7  }
0x89: {  	s8 =	sadd.s32 s14, s9;
	[tilespmem:s7+$0x7750] =	vst v2;
	v0 =	vadd.bf16 v0, v10  }
0x8a: {  	s8 =	sshll.u32 s8, $0x4;
	[tilespmem:s7+$0x7760] =	vst v1  }
0x8b: {  	s11 =	sadd.s32 s6, s8;
	[tilespmem:s7+$0x7770] =	vst v0  }
0x8c: {  	[hbm4b:s11+s2] =	stream.linear.scatter [tilespmem:s18], [sflag:$0x9], $0x2800, $0x38;
	[tilespmem:$0x18F00] =	vst v63  }
0x8d: {  	p0 =	seq.s32 s23, $0x1E;
	_ =	swait.ge [sflag:s13], $0x2800  }
0x8e: {  	s8 =	simm.s32 @!p0 $0x50;
	[sflag:s13] =	ssyncset.done $0x0  }
0x8f: {  	s7 =	sadd.s32 @!p0 $0x190, s14;
	s11 =	simm.s32 @!p0 $0x7700;
	[sflag:s13] =	ssyncadd.s32 $0xFFFFD800  }
0x90: {  	[tilespmem:s11], [sflag:$0x2] =	stream.indirect.gather @!p0 [hbm4b:s4+s8], $0x80, s7, s8, $0xb8;
	[tilespmem:$0x18F00] =	vst v63  }
0x91: {  	s7 =	sadd.s32 @!p0 $0x2910, s14;
	s11 =	simm.s32 @!p0 $0x11700  }
0x92: {  	[tilespmem:s11], [sflag:$0x6] =	stream.indirect.gather @!p0 [hbm4b:s5+s8], $0x80, s7, s8, $0xb8;
	[tilespmem:$0x18F00] =	vst v63  }
0x93: {  	_ =	swait.ge [sflag:s1], $0x2800  }
0x94: {  	[sflag:s1] =	ssyncset.done $0x0  }
0x95: {  	[sflag:s1] =	ssyncadd.s32 $0xFFFFD800  }
0x96: {  	_ =	swait.ge [sflag:s0], $0x2800  }
0x97: {  	[sflag:s0] =	ssyncset.done $0x0  }
0x98: {  	s7 =	simm.s32 $0x0;
	[sflag:s0] =	ssyncadd.s32 $0xFFFFD800  }
0x99: {  	v7 =	vld [tilespmem:s7+$0x13F00]  }
0x9a: {  	v11 =	vld [tilespmem:s7+$0x13F10]  }
0x9b: {  	v5 =	vld [tilespmem:s7+$0x13F20]  }
0x9c: {  	v4 =	vld [tilespmem:s7+$0x13F30]  }
0x9d: {  	v3 =	vld [tilespmem:s7+$0x13F40]  }
0x9e: {  	v2 =	vld [tilespmem:s7+$0x13F50]  }
0x9f: {  	v1 =	vld [tilespmem:s7+$0x13F60]  }
0xa0: {  	v0 =	vld [tilespmem:s7+$0x13F70]  }
0xa1: {  	v12 =	vld [tilespmem:s7+$0x9F00]  }
0xa2: {  	v13 =	vld [tilespmem:s7+$0x9F10]  }
0xa3: {  	v10 =	vld [tilespmem:s7+$0x9F20]  }
0xa4: {  	v9 =	vld [tilespmem:s7+$0x9F30]  }
0xa5: {  	v8 =	vld [tilespmem:s7+$0x9F40]  }
0xa6: {  	v6 =	vld [tilespmem:s7+$0x9F50];
	v12 =	vadd.bf16 v7, v12  }
0xa7: {  	s8 =	simm.s32 $0x200;
	v11 =	vadd.bf16 v11, v13;
	v7 =	vld [tilespmem:s7+$0x9F60]  }
.LBB2_7:
0xa8: {  	s11 =	sshra.s32 s8, $0x2;
	p1 =	sne.s32 s8, $0x9E00;
	[tilespmem:s7+$0x9F00] =	vst v12;
	v5 =	vadd.bf16 v5, v10;
	v10 =	vld [tilespmem:s7+$0x9F70]  }
0xa9: {  	v12 =	vld [tilespmem:s11+$0x13F00];
	[tilespmem:s7+$0x9F10] =	vst v11;
	v4 =	vadd.bf16 v4, v9  }
0xaa: {  	v11 =	vld [tilespmem:s11+$0x13F10];
	[tilespmem:s7+$0x9F20] =	vst v5;
	v3 =	vadd.bf16 v3, v8  }
0xab: {  	v5 =	vld [tilespmem:s11+$0x13F20];
	[tilespmem:s7+$0x9F30] =	vst v4;
	v2 =	vadd.bf16 v2, v6  }
0xac: {  	v4 =	vld [tilespmem:s11+$0x13F30];
	[tilespmem:s7+$0x9F40] =	vst v3;
	v1 =	vadd.bf16 v1, v7  }
0xad: {  	v3 =	vld [tilespmem:s11+$0x13F40];
	[tilespmem:s7+$0x9F50] =	vst v2;
	v0 =	vadd.bf16 v0, v10  }
0xae: {  	v2 =	vld [tilespmem:s11+$0x13F50];
	[tilespmem:s7+$0x9F60] =	vst v1  }
0xaf: {  	v1 =	vld [tilespmem:s11+$0x13F60];
	[tilespmem:s7+$0x9F70] =	vst v0;
	s7 =	smov.u32 s11  }
0xb0: {  	v0 =	vld [tilespmem:s7+$0x13F70]  }
0xb1: {  	v6 =	vld [tilespmem:s7+$0x9F00]  }
0xb2: {  	v7 =	vld [tilespmem:s7+$0x9F10]  }
.Ltmp2:
0xb3: {  	v10 =	vld [tilespmem:s7+$0x9F20];
	(pc) =	sbr.rel @p1 .LBB2_7-.Ltmp2, $4  }
0xb4: {  	v9 =	vld [tilespmem:s7+$0x9F30]  }
0xb5: {  	v8 =	vld [tilespmem:s7+$0x9F40]  }
0xb6: {  	v12 =	vadd.bf16 v12, v6;
	v6 =	vld [tilespmem:s7+$0x9F50]  }
0xb7: {  	s8 =	sadd.s32 $0x200, s8;
	v11 =	vadd.bf16 v11, v7;
	v7 =	vld [tilespmem:s7+$0x9F60]  }
0xb8: {  	[tilespmem:s7+$0x9F00] =	vst v12;
	v5 =	vadd.bf16 v5, v10;
	v10 =	vld [tilespmem:s7+$0x9F70]  }
0xb9: {  	[tilespmem:s7+$0x9F10] =	vst v11;
	v4 =	vadd.bf16 v4, v9  }
0xba: {  	[tilespmem:s7+$0x9F20] =	vst v5;
	v3 =	vadd.bf16 v3, v8  }
0xbb: {  	[tilespmem:s7+$0x9F30] =	vst v4;
	v2 =	vadd.bf16 v2, v6  }
0xbc: {  	[tilespmem:s7+$0x9F40] =	vst v3;
	v1 =	vadd.bf16 v1, v7  }
0xbd: {  	s8 =	sadd.s32 s14, s10;
	[tilespmem:s7+$0x9F50] =	vst v2;
	v0 =	vadd.bf16 v0, v10  }
0xbe: {  	s8 =	sshll.u32 s8, $0x4;
	[tilespmem:s7+$0x9F60] =	vst v1  }
0xbf: {  	s11 =	sadd.s32 s6, s8;
	[tilespmem:s7+$0x9F70] =	vst v0  }
0xc0: {  	[hbm4b:s11+s2] =	stream.linear.scatter [tilespmem:s22], [sflag:$0x9], $0x2800, $0x38;
	[tilespmem:$0x18F00] =	vst v63  }
0xc1: {  	_ =	swait.ge [sflag:s13], $0x2800  }
0xc2: {  	s8 =	simm.s32 @!p0 $0x50;
	[sflag:s13] =	ssyncset.done $0x0  }
0xc3: {  	s7 =	sadd.s32 @!p0 $0x1E0, s14;
	s11 =	simm.s32 @!p0 $0x9F00;
	[sflag:s13] =	ssyncadd.s32 $0xFFFFD800  }
0xc4: {  	[tilespmem:s11], [sflag:$0x3] =	stream.indirect.gather @!p0 [hbm4b:s4+s8], $0x80, s7, s8, $0xb8;
	[tilespmem:$0x18F00] =	vst v63  }
0xc5: {  	s7 =	sadd.s32 @!p0 $0x2960, s14;
	s11 =	simm.s32 @!p0 $0x13F00  }
0xc6: {  	[tilespmem:s11], [sflag:$0x7] =	stream.indirect.gather @!p0 [hbm4b:s5+s8], $0x80, s7, s8, $0xb8;
	[tilespmem:$0x18F00] =	vst v63  }
0xc7: {  	_ =	swait.ge [sflag:s19], $0x2800  }
0xc8: {  	[sflag:s19] =	ssyncset.done $0x0  }
0xc9: {  	[sflag:s19] =	ssyncadd.s32 $0xFFFFD800  }
0xca: {  	_ =	swait.ge [sflag:s20], $0x2800  }
0xcb: {  	[sflag:s20] =	ssyncset.done $0x0  }
0xcc: {  	s7 =	simm.s32 $0x0;
	[sflag:s20] =	ssyncadd.s32 $0xFFFFD800  }
0xcd: {  	v7 =	vld [tilespmem:s7+$0x16700]  }
0xce: {  	v11 =	vld [tilespmem:s7+$0x16710]  }
0xcf: {  	v5 =	vld [tilespmem:s7+$0x16720]  }
0xd0: {  	v4 =	vld [tilespmem:s7+$0x16730]  }
0xd1: {  	v3 =	vld [tilespmem:s7+$0x16740]  }
0xd2: {  	v2 =	vld [tilespmem:s7+$0x16750]  }
0xd3: {  	v1 =	vld [tilespmem:s7+$0x16760]  }
0xd4: {  	v0 =	vld [tilespmem:s7+$0x16770]  }
0xd5: {  	v12 =	vld [tilespmem:s7+$0xC700]  }
0xd6: {  	v13 =	vld [tilespmem:s7+$0xC710]  }
0xd7: {  	v10 =	vld [tilespmem:s7+$0xC720]  }
0xd8: {  	v9 =	vld [tilespmem:s7+$0xC730]  }
0xd9: {  	v8 =	vld [tilespmem:s7+$0xC740]  }
0xda: {  	v6 =	vld [tilespmem:s7+$0xC750];
	v12 =	vadd.bf16 v7, v12  }
0xdb: {  	s8 =	simm.s32 $0x200;
	v11 =	vadd.bf16 v11, v13;
	v7 =	vld [tilespmem:s7+$0xC760]  }
.LBB2_9:
0xdc: {  	s11 =	sshra.s32 s8, $0x2;
	p0 =	sne.s32 s8, $0x9E00;
	[tilespmem:s7+$0xC700] =	vst v12;
	v5 =	vadd.bf16 v5, v10;
	v10 =	vld [tilespmem:s7+$0xC770]  }
0xdd: {  	v12 =	vld [tilespmem:s11+$0x16700];
	[tilespmem:s7+$0xC710] =	vst v11;
	v4 =	vadd.bf16 v4, v9  }
0xde: {  	v11 =	vld [tilespmem:s11+$0x16710];
	[tilespmem:s7+$0xC720] =	vst v5;
	v3 =	vadd.bf16 v3, v8  }
0xdf: {  	v5 =	vld [tilespmem:s11+$0x16720];
	[tilespmem:s7+$0xC730] =	vst v4;
	v2 =	vadd.bf16 v2, v6  }
0xe0: {  	v4 =	vld [tilespmem:s11+$0x16730];
	[tilespmem:s7+$0xC740] =	vst v3;
	v1 =	vadd.bf16 v1, v7  }
0xe1: {  	v3 =	vld [tilespmem:s11+$0x16740];
	[tilespmem:s7+$0xC750] =	vst v2;
	v0 =	vadd.bf16 v0, v10  }
0xe2: {  	v2 =	vld [tilespmem:s11+$0x16750];
	[tilespmem:s7+$0xC760] =	vst v1  }
0xe3: {  	v1 =	vld [tilespmem:s11+$0x16760];
	[tilespmem:s7+$0xC770] =	vst v0;
	s7 =	smov.u32 s11  }
0xe4: {  	v0 =	vld [tilespmem:s7+$0x16770]  }
0xe5: {  	v6 =	vld [tilespmem:s7+$0xC700]  }
0xe6: {  	v7 =	vld [tilespmem:s7+$0xC710]  }
.Ltmp3:
0xe7: {  	v10 =	vld [tilespmem:s7+$0xC720];
	(pc) =	sbr.rel @p0 .LBB2_9-.Ltmp3, $4  }
0xe8: {  	v9 =	vld [tilespmem:s7+$0xC730]  }
0xe9: {  	v8 =	vld [tilespmem:s7+$0xC740]  }
0xea: {  	v12 =	vadd.bf16 v12, v6;
	v6 =	vld [tilespmem:s7+$0xC750]  }
0xeb: {  	s8 =	sadd.s32 $0x200, s8;
	v11 =	vadd.bf16 v11, v7;
	v7 =	vld [tilespmem:s7+$0xC760]  }
0xec: {  	[tilespmem:s7+$0xC700] =	vst v12;
	v5 =	vadd.bf16 v5, v10;
	v63 =	vld [tilespmem:s7+$0xC770]  }
0xed: {  	[tilespmem:s7+$0xC710] =	vst v11;
	v4 =	vadd.bf16 v4, v9  }
0xee: {  	[tilespmem:s7+$0xC720] =	vst v5;
	v3 =	vadd.bf16 v3, v8  }
0xef: {  	[tilespmem:s7+$0xC730] =	vst v4;
	v2 =	vadd.bf16 v2, v6  }
0xf0: {  	[tilespmem:s7+$0xC740] =	vst v3;
	v1 =	vadd.bf16 v1, v7  }
0xf1: {  	s8 =	sadd.s32 s3, s24;
	s23 =	sadd.s32 $0x1, s23;
	[tilespmem:s7+$0xC750] =	vst v2;
	v0 =	vadd.bf16 v0, v63  }
0xf2: {  	s8 =	sshll.u32 s8, $0x4;
	p0 =	sne.s32 s23, $0x1F;
	[tilespmem:s7+$0xC760] =	vst v1  }
.Ltmp4:
0xf3: {  	s24 =	sadd.s32 s6, s8;
	[tilespmem:s7+$0xC770] =	vst v0;
	(pc) =	sbr.rel @p0 .LBB2_2-.Ltmp4, $4  }
0xf4: {  	[hbm4b:s24+s2] =	stream.linear.scatter [tilespmem:s25], [sflag:$0x9], $0x2800, $0x38;
	[tilespmem:$0x18F00] =	vst v63  }
0xf5: {  	_ =	swait.ge [sflag:s13], $0x2800  }
0xf6: {  	[sflag:s13] =	ssyncset.done $0x0  }
0xf7: {  	[sflag:s13] =	ssyncadd.s32 $0xFFFFD800  }
0xf8: {  	_ =	swait.ge [sflag:s28], $0x2800  }
0xf9: {  	[sflag:s28] =	ssyncset.done $0x0  }
0xfa: {  	[sflag:s28] =	ssyncadd.s32 $0xFFFFD800  }
0xfb: {  	_ =	swait.ge [sflag:s29], $0x2800  }
0xfc: {  	[sflag:s29] =	ssyncset.done $0x0  }
0xfd: {  	s7 =	simm.s32 $0x0;
	[sflag:s29] =	ssyncadd.s32 $0xFFFFD800  }
0xfe: {  	v7 =	vld [tilespmem:s7+$0xEF00]  }
0xff: {  	v11 =	vld [tilespmem:s7+$0xEF10]  }
0x100: {  	v5 =	vld [tilespmem:s7+$0xEF20]  }
0x101: {  	v4 =	vld [tilespmem:s7+$0xEF30]  }
0x102: {  	v3 =	vld [tilespmem:s7+$0xEF40]  }
0x103: {  	v2 =	vld [tilespmem:s7+$0xEF50]  }
0x104: {  	v1 =	vld [tilespmem:s7+$0xEF60]  }
0x105: {  	v0 =	vld [tilespmem:s7+$0xEF70]  }
0x106: {  	v12 =	vld [tilespmem:s7+$0x4F00]  }
0x107: {  	v13 =	vld [tilespmem:s7+$0x4F10]  }
0x108: {  	v10 =	vld [tilespmem:s7+$0x4F20]  }
0x109: {  	v9 =	vld [tilespmem:s7+$0x4F30]  }
0x10a: {  	v8 =	vld [tilespmem:s7+$0x4F40]  }
0x10b: {  	v6 =	vld [tilespmem:s7+$0x4F50];
	v12 =	vadd.bf16 v7, v12  }
0x10c: {  	s8 =	simm.s32 $0x200;
	v11 =	vadd.bf16 v11, v13;
	v7 =	vld [tilespmem:s7+$0x4F60]  }
.LBB2_12:
0x10d: {  	s11 =	sshra.s32 s8, $0x2;
	p0 =	sne.s32 s8, $0x9E00;
	[tilespmem:s7+$0x4F00] =	vst v12;
	v5 =	vadd.bf16 v5, v10;
	v10 =	vld [tilespmem:s7+$0x4F70]  }
0x10e: {  	v12 =	vld [tilespmem:s11+$0xEF00];
	[tilespmem:s7+$0x4F10] =	vst v11;
	v4 =	vadd.bf16 v4, v9  }
0x10f: {  	v11 =	vld [tilespmem:s11+$0xEF10];
	[tilespmem:s7+$0x4F20] =	vst v5;
	v3 =	vadd.bf16 v3, v8  }
0x110: {  	v5 =	vld [tilespmem:s11+$0xEF20];
	[tilespmem:s7+$0x4F30] =	vst v4;
	v2 =	vadd.bf16 v2, v6  }
0x111: {  	v4 =	vld [tilespmem:s11+$0xEF30];
	[tilespmem:s7+$0x4F40] =	vst v3;
	v1 =	vadd.bf16 v1, v7  }
0x112: {  	v3 =	vld [tilespmem:s11+$0xEF40];
	[tilespmem:s7+$0x4F50] =	vst v2;
	v0 =	vadd.bf16 v0, v10  }
0x113: {  	v2 =	vld [tilespmem:s11+$0xEF50];
	[tilespmem:s7+$0x4F60] =	vst v1  }
0x114: {  	v1 =	vld [tilespmem:s11+$0xEF60];
	[tilespmem:s7+$0x4F70] =	vst v0;
	s7 =	smov.u32 s11  }
0x115: {  	v0 =	vld [tilespmem:s7+$0xEF70]  }
0x116: {  	v6 =	vld [tilespmem:s7+$0x4F00]  }
0x117: {  	v7 =	vld [tilespmem:s7+$0x4F10]  }
.Ltmp5:
0x118: {  	v10 =	vld [tilespmem:s7+$0x4F20];
	(pc) =	sbr.rel @p0 .LBB2_12-.Ltmp5, $4  }
0x119: {  	v9 =	vld [tilespmem:s7+$0x4F30]  }
0x11a: {  	v8 =	vld [tilespmem:s7+$0x4F40]  }
0x11b: {  	v12 =	vadd.bf16 v12, v6;
	v6 =	vld [tilespmem:s7+$0x4F50]  }
0x11c: {  	s8 =	sadd.s32 $0x200, s8;
	v11 =	vadd.bf16 v11, v7;
	v7 =	vld [tilespmem:s7+$0x4F60]  }
0x11d: {  	[tilespmem:s7+$0x4F00] =	vst v12;
	v5 =	vadd.bf16 v5, v10;
	v63 =	vld [tilespmem:s7+$0x4F70]  }
0x11e: {  	[tilespmem:s7+$0x4F10] =	vst v11;
	v4 =	vadd.bf16 v4, v9  }
0x11f: {  	[tilespmem:s7+$0x4F20] =	vst v5;
	v3 =	vadd.bf16 v3, v8  }
0x120: {  	[tilespmem:s7+$0x4F30] =	vst v4;
	v2 =	vadd.bf16 v2, v6  }
0x121: {  	[tilespmem:s7+$0x4F40] =	vst v3;
	v1 =	vadd.bf16 v1, v7  }
0x122: {  	s21 =	sadd.s32 $0x1, s21;
	[tilespmem:s7+$0x4F50] =	vst v2;
	v0 =	vadd.bf16 v0, v63  }
0x123: {  	p0 =	sne.s32 s21, s12;
	[tilespmem:s7+$0x4F60] =	vst v1  }
.Ltmp6:
0x124: {  	s24 =	rddreg [dreg:$0x4];
	[tilespmem:s7+$0x4F70] =	vst v0;
	(pc) =	sbr.rel @p0 .LBB2_1-.Ltmp6, $4  }
0x125: {  	[hbm4b:s24+s2] =	stream.linear.scatter [tilespmem:s16], [sflag:$0x9], $0x2800, $0x38;
	[tilespmem:$0x18F00] =	vst v63  }
0x126: {  	_ =	swait.ge [sflag:s13], $0x2800  }
0x127: {  	[sflag:s13] =	ssyncset.done $0x0  }
0x128: {  	[sflag:s13] =	ssyncadd.s32 $0xFFFFD800  }
0x129: {  	_ =	sfence.sel $0x180000  }
0x12a: {  	[bflag:$0x0] =	sbarrier.arrive $0xFFFF  }
0x12b: {  	_ =	strace $0x90000047  }
0x12c: {  	s0 =	stileid.u32;
	[bflag:$0x2] =	sbarrier.arrive $0xFFFF  }
0x12d: {  	p0 =	sne.s32 s0, $0x0;
	s0 =	rddreg [dreg:$0x1]  }
0x12e: {  	s0 =	sadd.s32 @!p0 $0x100000, s0  }
0x12f: {  	[sflag:s0] =	ssyncadd.tile.s32 @!p0 $0x1;
	_ =	shalt  }
.Lfunc_end2:
_tile_overlayer_lowered:
.L_overlay_start_2:
0x130: {  	(tag) =	ssettag $0x2  }
0x131: {  	s0 =	rddreg [dreg:$0x0];
	s2 =	stileid.u32  }
0x132: {  	s1 =	rddreg [dreg:$0x1];
	p0 =	sne.s32 s2, $0x0  }
0x133: {  	s3 =	rddreg [dreg:$0x2];
	[bflag:$0x3] =	sbarrier.arrive $0xFFFF;
	s2 =	simm.s32 @!p0 $0x1C09  }
0x134: {  	[timem:s3], [sflag:s2] =	dma.local @!p0 [hbm:s0], s1  }
0x135: {  	s0 =	simm.s32 @!p0 $0x9  }
0x136: {  	_ =	swait.ge @!p0 [sflag:s0], s1  }
0x137: {  	s1 =	ssub.s32 @!p0 $0x0, s1;
	[sflag:s0] =	ssyncset.done @!p0 $0x0  }
0x138: {  	[sflag:s0] =	ssyncadd.s32 @!p0 s1  }
0x139: {  	[bflag:$0x3] =	sbarrier.arrive $0xFFFF  }
0x13a: {  	_ =	shalt  }

</sc_bundles>
